<compile_context>
chip_gen: v7x
topology: tpu7x:2x2x1
jax: 0.10.2.dev20260603
libtpu: 0.0.44.dev20260713+nightly
codegen_flags: <defaults>
</compile_context>

<pallas_src>
import functools

import jax
import jax.numpy as jnp
from jax import lax
from jax.experimental import pallas as pl
from jax.experimental.pallas import tpu as pltpu
from jax.experimental.pallas import tpu_sc as plsc

N = 10000
E = 160000
F = 128
CUT = 5.0

NC = 2
NS = 16
NW = NC * NS

EW = E // NW
GC = 128
NFULL = EW // GC
TAIL0 = EW - GC


def _gather_body(ns_hbm, nv_hbm, src_hbm, dst_hbm, o_ns_s, o_ns_d, o_nv,
                 idx_s, idx_d, b_s, b_d, b_v, sem):
    wid = lax.axis_index("s") * NC + lax.axis_index("c")
    base = wid * EW
    pltpu.sync_copy(src_hbm.at[pl.ds(base, EW)], idx_s)
    pltpu.sync_copy(dst_hbm.at[pl.ds(base, EW)], idx_d)

    def chunk(s0):
        i1 = idx_s.at[pl.ds(s0, GC)]
        i2 = idx_d.at[pl.ds(s0, GC)]
        c1 = pltpu.async_copy(ns_hbm.at[i1], b_s, sem)
        c2 = pltpu.async_copy(ns_hbm.at[i2], b_d, sem)
        c3 = pltpu.async_copy(nv_hbm.at[i1], b_v, sem)
        c1.wait()
        c2.wait()
        c3.wait()
        pltpu.sync_copy(b_s, o_ns_s.at[pl.ds(base + s0, GC)])
        pltpu.sync_copy(b_d, o_ns_d.at[pl.ds(base + s0, GC)])
        pltpu.sync_copy(b_v, o_nv.at[pl.ds(base + s0, GC)])

    def loop_body(i, carry):
        chunk(i * GC)
        return carry

    lax.fori_loop(0, NFULL, loop_body, 0)
    chunk(TAIL0)


def _sc_gather(node_s, nv_flat, src, dst):
    mesh = plsc.VectorSubcoreMesh(core_axis_name="c", subcore_axis_name="s")
    return pl.kernel(
        _gather_body,
        out_type=(
            jax.ShapeDtypeStruct((E, F), jnp.float32),
            jax.ShapeDtypeStruct((E, F), jnp.float32),
            jax.ShapeDtypeStruct((E, 3 * F), jnp.float32),
        ),
        mesh=mesh,
        scratch_types=[
            pltpu.VMEM((EW,), jnp.int32),
            pltpu.VMEM((EW,), jnp.int32),
            pltpu.VMEM((GC, F), jnp.float32),
            pltpu.VMEM((GC, F), jnp.float32),
            pltpu.VMEM((GC, 3 * F), jnp.float32),
            pltpu.SemaphoreType.DMA,
        ],
    )(node_s, nv_flat, src, dst)


ET = E // NS
SUB = 80
NSUB = ET // SUB
NPAD = 10240
RT = NPAD // NS
ZR = 64


def _scatter_body(esu, evu0, evu1, evu2, dst3d, zeros_h, ones_h,
                  out_s, out_v0, out_v1, out_v2, out_c0, out_c1,
                  zbuf, obuf, idxb, rowb, acc, sem):
    del sem
    cid = lax.axis_index("c")
    sid = lax.axis_index("s")
    r0 = sid * RT
    pltpu.sync_copy(zeros_h, zbuf)
    pltpu.sync_copy(ones_h, obuf)
    pltpu.sync_copy(dst3d.at[sid], idxb)

    def zero_stripe():
        for j in range(RT // ZR):
            pltpu.sync_copy(zbuf, acc.at[pl.ds(r0 + j * ZR, ZR)])

    for t in range(2):
        zero_stripe()
        plsc.subcore_barrier()

        src_c0 = (esu, evu0)[t]
        src_c1 = (evu1, evu2)[t]

        def blk_body(i, carry):
            e0 = sid * ET + i * SUB

            @pl.when(cid == 0)
            def _():
                pltpu.sync_copy(src_c0.at[pl.ds(e0, SUB)], rowb)

            @pl.when(cid == 1)
            def _():
                pltpu.sync_copy(src_c1.at[pl.ds(e0, SUB)], rowb)

            pltpu.sync_copy(rowb, acc.at[idxb.at[i]], add=True)
            return carry

        lax.fori_loop(0, NSUB, blk_body, 0)
        plsc.subcore_barrier()

        dst_c0 = (out_s, out_v0)[t]
        dst_c1 = (out_v1, out_v2)[t]

        @pl.when(cid == 0)
        def _():
            pltpu.sync_copy(acc.at[pl.ds(r0, RT)], dst_c0.at[pl.ds(r0, RT)])

        @pl.when(cid == 1)
        def _():
            pltpu.sync_copy(acc.at[pl.ds(r0, RT)], dst_c1.at[pl.ds(r0, RT)])

    zero_stripe()
    plsc.subcore_barrier()

    @pl.when(cid == 0)
    def _():
        def cnt_body(i, carry):
            pltpu.sync_copy(obuf, acc.at[idxb.at[2 * i]], add=True)
            return carry
        lax.fori_loop(0, (NSUB + 1) // 2, cnt_body, 0)

    @pl.when(cid == 1)
    def _():
        def cnt_body(i, carry):
            pltpu.sync_copy(obuf, acc.at[idxb.at[2 * i + 1]], add=True)
            return carry
        lax.fori_loop(0, NSUB // 2, cnt_body, 0)

    plsc.subcore_barrier()

    @pl.when(cid == 0)
    def _():
        pltpu.sync_copy(acc.at[pl.ds(r0, RT)], out_c0.at[pl.ds(r0, RT)])

    @pl.when(cid == 1)
    def _():
        pltpu.sync_copy(acc.at[pl.ds(r0, RT)], out_c1.at[pl.ds(r0, RT)])


def _sc_scatter(esu, evu0, evu1, evu2, dst3d):
    mesh = plsc.VectorSubcoreMesh(core_axis_name="c", subcore_axis_name="s")
    zeros_h = jnp.zeros((ZR, F), jnp.float32)
    ones_h = jnp.ones((SUB, F), jnp.float32)
    nf = jax.ShapeDtypeStruct((NPAD, F), jnp.float32)
    return pl.kernel(
        _scatter_body,
        out_type=(nf, nf, nf, nf, nf, nf),
        mesh=mesh,
        scratch_types=[
            pltpu.VMEM((ZR, F), jnp.float32),
            pltpu.VMEM((SUB, F), jnp.float32),
            pltpu.VMEM((NSUB, SUB), jnp.int32),
            pltpu.VMEM((SUB, F), jnp.float32),
            pltpu.VMEM_SHARED((NPAD, F), jnp.float32),
            pltpu.SemaphoreType.DMA,
        ],
    )(esu, evu0, evu1, evu2, dst3d, zeros_h, ones_h)


EB = 640


def _edge_body(ns_s, ns_d, es, nvs, ev, d, v0, v1, v2,
               wnna, wnnb, bnn, wep, bep, wg1, bg1, wgg, bgg, wg2, bg2,
               wev, bev,
               esu_o, ev0_o, ev1_o, ev2_o, eso_o, evo_o):
    dot = lambda a, b: lax.dot_general(a, b, (((1,), (0,)), ((), ())),
                                       preferred_element_type=jnp.float32)
    nn = dot(ns_s[...], wnna[...]) + dot(ns_d[...], wnnb[...]) + bnn[...]
    em = nn * (dot(es[...], wep[...]) + bep[...])
    h = jax.nn.silu(dot(em, wg1[...]) + bg1[...])
    gate = jax.nn.sigmoid(dot(em, wgg[...]) + bgg[...])
    mess = (dot(h, wg2[...]) + bg2[...]) * gate
    dd = d[...]
    cut = 0.5 * (jnp.cos(jnp.pi / CUT * dd) + 1.0)
    cut = cut * (dd < CUT).astype(jnp.float32)
    esu = mess * cut
    vc = dot(esu, wev[...]) + bev[...]
    nc, ec, rc = vc[:, :F], vc[:, F:2 * F], vc[:, 2 * F:]
    evb = ev[...]
    nvb = nvs[...]
    vs = (v0[...], v1[...], v2[...])
    evo = []
    for k, outk in enumerate((ev0_o, ev1_o, ev2_o)):
        evk = (nvb[:, k * F:(k + 1) * F] * nc
               + evb[:, k * F:(k + 1) * F] * ec
               + vs[k] * rc) * cut
        outk[...] = evk
        evo.append(evk + evb[:, k * F:(k + 1) * F])
    esu_o[...] = esu
    eso_o[...] = esu + es[...]
    evo_o[...] = jnp.concatenate(evo, axis=1)


def _tc_edge(ns_src, ns_dst, edge_s, nv_src, ev_flat, dist2, v0, v1, v2, p):
    eb = lambda w: pl.BlockSpec((EB, w), lambda i: (i, 0))
    wb = lambda a: pl.BlockSpec(a.shape, lambda i: (0,) * a.ndim)
    wnna = p['W_nn'][:F]
    wnnb = p['W_nn'][F:]
    weights = (wnna, wnnb, p['b_nn'].reshape(1, F),
               p['W_ep'], p['b_ep'].reshape(1, F),
               p['W_g1'], p['b_g1'].reshape(1, F),
               p['W_gg'], p['b_gg'].reshape(1, F),
               p['W_g2'], p['b_g2'].reshape(1, F),
               p['W_ev'], p['b_ev'].reshape(1, 3 * F))
    ef = jax.ShapeDtypeStruct((E, F), jnp.float32)
    return pl.pallas_call(
        _edge_body,
        grid=(E // EB,),
        in_specs=[eb(F), eb(F), eb(F), eb(3 * F), eb(3 * F),
                  eb(1), eb(1), eb(1), eb(1)] + [wb(w) for w in weights],
        out_specs=[eb(F), eb(F), eb(F), eb(F), eb(F), eb(3 * F)],
        out_shape=[ef, ef, ef, ef, ef,
                   jax.ShapeDtypeStruct((E, 3 * F), jnp.float32)],
    )(ns_src, ns_dst, edge_s, nv_src, ev_flat, dist2, v0, v1, v2, *weights)


NB = 1000


def _node_body(sa, va0, va1, va2, cnt0, cnt1, ns, nv,
               wnvout, wnvca, wnvcb, bnvc, wnvp, wnsp, bnsp,
               lng, lnb, scl,
               so_o, vo_o):
    dot = lambda a, b: lax.dot_general(a, b, (((1,), (0,)), ((), ())),
                                       preferred_element_type=jnp.float32)
    c = jnp.maximum(cnt0[...][:, 0:1] + cnt1[...][:, 0:1], 1.0)
    inv = 1.0 / c
    nes = sa[...] * inv
    nevs = (va0[...] * inv, va1[...] * inv, va2[...] * inv)
    nvw = [dot(nevs[k], wnvout[...]) for k in range(3)]
    o1 = [w[:, :F] for w in nvw]
    o2 = [w[:, F:2 * F] for w in nvw]
    o3 = [w[:, 2 * F:] for w in nvw]
    norm3 = jnp.sqrt(o3[0] * o3[0] + o3[1] * o3[1] + o3[2] * o3[2])
    vch = dot(nes, wnvca[...]) + dot(norm3, wnvcb[...]) + bnvc[...]
    nvu = [o1[k] * vch + o2[k] for k in range(3)]
    pv = [dot(nvu[k], wnvp[...]) for k in range(3)]
    nvdot = sum(p[:, :F] * p[:, F:] for p in pv)
    sp = jax.nn.silu(dot(nes, wnsp[...]) + bnsp[...])
    nsu = nvdot * sp[:, :F] + sp[:, F:]
    so = nsu + ns[...]
    mu = jnp.mean(so, axis=-1, keepdims=True)
    var = jnp.mean((so - mu) ** 2, axis=-1, keepdims=True)
    so_o[...] = (so - mu) * lax.rsqrt(var + 1e-5) * lng[...] + lnb[...]
    nvb = nv[...]
    nvo = [nvu[k] + nvb[:, k * F:(k + 1) * F] for k in range(3)]
    vn = jnp.sqrt(nvo[0] * nvo[0] + nvo[1] * nvo[1] + nvo[2] * nvo[2])
    r = scl[...] / (vn + 1e-8)
    vo_o[...] = jnp.concatenate([nvo[k] * r for k in range(3)], axis=1)


def _tc_node(s_acc, v0, v1, v2, cnt0, cnt1, node_s, nv_flat, p):
    nb = lambda w: pl.BlockSpec((NB, w), lambda i: (i, 0))
    wb = lambda a: pl.BlockSpec(a.shape, lambda i: (0,) * a.ndim)
    weights = (p['W_nvout'], p['W_nvc'][:F], p['W_nvc'][F:],
               p['b_nvc'].reshape(1, F), p['W_nvp'], p['W_nsp'],
               p['b_nsp'].reshape(1, 2 * F), p['ln_g'].reshape(1, F),
               p['ln_b'].reshape(1, F), p['scale_nv'].reshape(1, F))
    return pl.pallas_call(
        _node_body,
        grid=(N // NB,),
        in_specs=[nb(F), nb(F), nb(F), nb(F), nb(F), nb(F), nb(F), nb(3 * F)]
                 + [wb(w) for w in weights],
        out_specs=[nb(F), nb(3 * F)],
        out_shape=[jax.ShapeDtypeStruct((N, F), jnp.float32),
                   jax.ShapeDtypeStruct((N, 3 * F), jnp.float32)],
    )(s_acc, v0, v1, v2, cnt0, cnt1, node_s, nv_flat, *weights)


def kernel(node_s, node_v, edge_s, edge_v, dist, vctr_norm, edge_index, params):
    src = edge_index[0]
    dst = edge_index[1]
    nv_flat = node_v.reshape(N, 3 * F)
    ev_flat = edge_v.reshape(E, 3 * F)
    dist2 = dist.reshape(E, 1)
    v0 = vctr_norm[:, 0:1]
    v1 = vctr_norm[:, 1:2]
    v2 = vctr_norm[:, 2:3]

    ns_src, ns_dst, nv_src = _sc_gather(node_s, nv_flat, src, dst)
    esu, ev0, ev1, ev2, eso, evo = _tc_edge(
        ns_src, ns_dst, edge_s, nv_src, ev_flat, dist2, v0, v1, v2, params)
    s_acc, a0, a1, a2, c0, c1 = _sc_scatter(esu, ev0, ev1, ev2,
                                            dst.reshape(NS, NSUB, SUB))
    so, vo = _tc_node(s_acc, a0, a1, a2, c0, c1, node_s, nv_flat, params)
    return so, vo.reshape(N, 3, F), eso, evo.reshape(E, 3, F)

# --- scband reference (transcript-rebuilt; emitter-appended) ---
"""Pipeline reference for scband-two-body-equi-graph-conv-39651138076970 (READ-ONLY COPY).

The authoritative reference and input builder live on the scoring server;
editing this copy changes nothing except your own understanding.
"""

import jax, jax.numpy as jnp
import numpy as np

FEAT = 128
CUTOFF = 5.0
N_NODES = 10000
N_EDGES = 160000


def cosine_cutoff(d):
    return 0.5 * (jnp.cos(jnp.pi * d / CUTOFF) + 1.0) * (d < CUTOFF).astype(d.dtype)


def _xavier(key, shape):
    lim = np.sqrt(6.0 / (shape[0] + shape[1]))
    return jax.random.uniform(key, shape, jnp.float32, -lim, lim)


def _forward(node_s, node_v, edge_s, edge_v, dist, vctr_norm, edge_index, p):
    src = edge_index[0]
    dst = edge_index[1]
    N = node_s.shape[0]
    # ---- _update_edge_s ----
    nn = jnp.concatenate([node_s[src], node_s[dst]], axis=-1) @ p['W_nn'] + p['b_nn']
    edge_message = nn * (edge_s @ p['W_ep'] + p['b_ep'])
    # GateMLP: hidden MLP (feat_dim,) with SiLU, output gated by sigmoid branch
    h = jax.nn.silu(edge_message @ p['W_g1'] + p['b_g1'])
    gate = jax.nn.sigmoid(edge_message @ p['W_gg'] + p['b_gg'])
    mess = (h @ p['W_g2'] + p['b_g2']) * gate
    cut = cosine_cutoff(dist)
    e_s_upd = mess * cut[:, None]
    # ---- _update_edge_v ----
    vc = e_s_upd @ p['W_ev'] + p['b_ev']
    node_channel, edge_channel, rel_channel = jnp.split(vc, 3, axis=-1)
    e_v_upd = (node_v[src] * node_channel[:, None, :]
               + edge_v * edge_channel[:, None, :]
               + vctr_norm[..., None] * rel_channel[:, None, :])
    e_v_upd = e_v_upd * cut[:, None, None]
    # ---- mean aggregation over incoming edges (dst) ----
    cnt = jax.ops.segment_sum(jnp.ones((dst.shape[0],), jnp.float32), dst, num_segments=N)
    cnt = jnp.maximum(cnt, 1.0)
    n_es = jax.ops.segment_sum(e_s_upd, dst, num_segments=N) / cnt[:, None]
    n_ev = jax.ops.segment_sum(e_v_upd, dst, num_segments=N) / cnt[:, None, None]
    # ---- _update_node_v ----
    nvw = jnp.einsum('nif,fg->nig', n_ev, p['W_nvout'])
    nv_o1, nv_o2, nv_o3 = jnp.split(nvw, 3, axis=-1)
    v_channel = jnp.concatenate([n_es, jnp.linalg.norm(nv_o3, axis=1)], axis=-1) @ p['W_nvc'] + p['b_nvc']
    n_v_upd = nv_o1 * v_channel[:, None, :] + nv_o2
    # ---- _update_node_s ----
    pv = jnp.einsum('nif,fg->nig', n_v_upd, p['W_nvp'])
    p1, p2 = jnp.split(pv, 2, axis=-1)
    sp = jax.nn.silu(n_es @ p['W_nsp'] + p['b_nsp'])
    s1, s2 = jnp.split(sp, 2, axis=-1)
    nv_dot = jnp.sum(p1 * p2, axis=1)
    n_s_upd = nv_dot * s1 + s2
    # ---- residuals + norms ----
    node_s_o = n_s_upd + node_s
    node_v_o = n_v_upd + node_v
    edge_s_o = e_s_upd + edge_s
    edge_v_o = e_v_upd + edge_v
    # CoorsNorm over spatial dim (dim=1), learned per-channel scale
    vn = jnp.linalg.norm(node_v_o, axis=1, keepdims=True)
    node_v_o = node_v_o / (vn + 1e-8) * p['scale_nv']
    # LayerNorm on node scalars
    mu = jnp.mean(node_s_o, axis=-1, keepdims=True)
    var = jnp.var(node_s_o, axis=-1, keepdims=True)
    node_s_o = (node_s_o - mu) / jnp.sqrt(var + 1e-5) * p['ln_g'] + p['ln_b']
    return node_s_o, node_v_o, edge_s_o, edge_v_o


def setup_inputs(seed: int = 0) -> dict:
    key = jax.random.key(seed)
    N, E, F = N_NODES, N_EDGES, FEAT
    ks = jax.random.split(key, 24)
    node_s = jax.random.normal(ks[0], (N, F), jnp.float32)
    node_v = jax.random.normal(ks[1], (N, 3, F), jnp.float32)
    edge_s = jax.random.normal(ks[2], (E, F), jnp.float32)
    edge_v = jax.random.normal(ks[3], (E, 3, F), jnp.float32)
    edge_index = jax.random.randint(ks[4], (2, E), 0, N, jnp.int32)
    dist = jax.random.uniform(ks[5], (E,), jnp.float32, 0.0, CUTOFF)
    v = jax.random.normal(ks[6], (E, 3), jnp.float32)
    vctr_norm = v / (jnp.linalg.norm(v, axis=-1, keepdims=True) + 1e-8)
    params = {
        'W_nn': _xavier(ks[7], (2 * F, F)), 'b_nn': jnp.zeros((F,), jnp.float32),
        'W_ep': _xavier(ks[8], (F, F)), 'b_ep': jnp.zeros((F,), jnp.float32),
        'W_g1': _xavier(ks[9], (F, F)), 'b_g1': jnp.zeros((F,), jnp.float32),
        'W_g2': _xavier(ks[10], (F, F)), 'b_g2': jnp.zeros((F,), jnp.float32),
        'W_gg': _xavier(ks[11], (F, F)), 'b_gg': jnp.zeros((F,), jnp.float32),
        'W_ev': _xavier(ks[12], (F, 3 * F)), 'b_ev': jnp.zeros((3 * F,), jnp.float32),
        'W_nvout': _xavier(ks[13], (F, 3 * F)),
        'W_nvc': _xavier(ks[14], (2 * F, F)), 'b_nvc': jnp.zeros((F,), jnp.float32),
        'W_nvp': _xavier(ks[15], (F, 2 * F)),
        'W_nsp': _xavier(ks[16], (F, 2 * F)), 'b_nsp': jnp.zeros((2 * F,), jnp.float32),
        'ln_g': jnp.ones((F,), jnp.float32), 'ln_b': jnp.zeros((F,), jnp.float32),
        'scale_nv': jnp.ones((F,), jnp.float32),
    }
    return {'node_s': node_s, 'node_v': node_v, 'edge_s': edge_s, 'edge_v': edge_v,
            'dist': dist, 'vctr_norm': vctr_norm, 'edge_index': edge_index, 'params': params}


def reference(node_s, node_v, edge_s, edge_v, dist, vctr_norm, edge_index, params):
    return _forward(node_s, node_v, edge_s, edge_v, dist, vctr_norm, edge_index, params)

if __name__ == "__main__":
    import jax
    _d = setup_inputs()
    print(jax.jit(kernel)(*tuple(_d.values())))

</pallas_src>

<mosaic_0001>
#map = affine_map<(d0, d1) -> (0, 0)>
#map1 = affine_map<(d0, d1) -> (0, 0, 0)>
module attributes {stable_mosaic.version = 14 : i64} {
  func.func @_scatter_body(%arg0: i32, %arg1: i32, %arg2: memref<160000x128xf32, #tpu.memory_space<hbm>>, %arg3: memref<160000x128xf32, #tpu.memory_space<hbm>>, %arg4: memref<160000x128xf32, #tpu.memory_space<hbm>>, %arg5: memref<160000x128xf32, #tpu.memory_space<hbm>>, %arg6: memref<16x125x80xi32, #tpu.memory_space<hbm>>, %arg7: memref<64x128xf32, #tpu.memory_space<hbm>>, %arg8: memref<80x128xf32, #tpu.memory_space<hbm>>, %arg9: memref<10240x128xf32, #tpu.memory_space<hbm>>, %arg10: memref<10240x128xf32, #tpu.memory_space<hbm>>, %arg11: memref<10240x128xf32, #tpu.memory_space<hbm>>, %arg12: memref<10240x128xf32, #tpu.memory_space<hbm>>, %arg13: memref<10240x128xf32, #tpu.memory_space<hbm>>, %arg14: memref<10240x128xf32, #tpu.memory_space<hbm>>, %arg15: memref<64x128xf32, #tpu.memory_space<vmem>>, %arg16: memref<80x128xf32, #tpu.memory_space<vmem>>, %arg17: memref<125x80xi32, #tpu.memory_space<vmem>>, %arg18: memref<80x128xf32, #tpu.memory_space<vmem>>, %arg19: memref<10240x128xf32, #tpu.memory_space<vmem_shared>>, %arg20: memref<!tpu.dma_semaphore, #tpu.memory_space<semaphore_mem>>) attributes {dimension_semantics = [#tpu.dimension_semantics<core_parallel>, #tpu.dimension_semantics<subcore_parallel>], iteration_bounds = array<i64: 2, 16>, scalar_prefetch = 0 : i64, scratch_operands = 6 : i64, tpu.core_type = #tpu.core_type<sc_vector_subcore>, window_params = [{transform_indices = #map}, {transform_indices = #map}, {transform_indices = #map}, {transform_indices = #map}, {transform_indices = #map1}, {transform_indices = #map}, {transform_indices = #map}, {transform_indices = #map}, {transform_indices = #map}, {transform_indices = #map}, {transform_indices = #map}, {transform_indices = #map}, {transform_indices = #map}]} {
    %mul3A = arith.constant 640 : i32
    %mul3A_0 = arith.muli %arg1, %mul3A : i32
    "tpu.region"() ({
      %run_scoped3A = tpu.sem_alloc : memref<!tpu.dma_semaphore, #tpu.memory_space<semaphore_mem>>
      tpu.enqueue_dma source(%arg7 : memref<64x128xf32, #tpu.memory_space<hbm>>) target(%arg15 : memref<64x128xf32, #tpu.memory_space<vmem>>) target_semaphore(%run_scoped3A : memref<!tpu.dma_semaphore, #tpu.memory_space<semaphore_mem>>)
      tpu.wait_dma2 semaphore(%run_scoped3A : memref<!tpu.dma_semaphore, #tpu.memory_space<semaphore_mem>>) src(%arg7 : memref<64x128xf32, #tpu.memory_space<hbm>>) dst(%arg15 : memref<64x128xf32, #tpu.memory_space<vmem>>)
      tpu.yield
    }) : () -> ()
    "tpu.region"() ({
      %run_scoped3A = tpu.sem_alloc : memref<!tpu.dma_semaphore, #tpu.memory_space<semaphore_mem>>
      tpu.enqueue_dma source(%arg8 : memref<80x128xf32, #tpu.memory_space<hbm>>) target(%arg16 : memref<80x128xf32, #tpu.memory_space<vmem>>) target_semaphore(%run_scoped3A : memref<!tpu.dma_semaphore, #tpu.memory_space<semaphore_mem>>)
      tpu.wait_dma2 semaphore(%run_scoped3A : memref<!tpu.dma_semaphore, #tpu.memory_space<semaphore_mem>>) src(%arg8 : memref<80x128xf32, #tpu.memory_space<hbm>>) dst(%arg16 : memref<80x128xf32, #tpu.memory_space<vmem>>)
      tpu.yield
    }) : () -> ()
    "tpu.region"() ({
      %run_scoped3A = tpu.sem_alloc : memref<!tpu.dma_semaphore, #tpu.memory_space<semaphore_mem>>
      %dma_start3A = arith.constant 0 : i32
      %dma_start3A_113 = arith.constant 0 : i32
      %dma_start3A_114 = tpu.memref_slice %arg6[%arg1, %dma_start3A, %dma_start3A_113] : memref<16x125x80xi32, #tpu.memory_space<hbm>> -> memref<1x125x80xi32, #tpu.memory_space<hbm>>
      %dma_start3A_115 = tpu.memref_squeeze %dma_start3A_114 : memref<1x125x80xi32, #tpu.memory_space<hbm>> -> memref<125x80xi32, #tpu.memory_space<hbm>>
      %dma_start3A_116 = arith.constant 0 : i32
      %dma_start3A_117 = arith.constant 0 : i32
      %dma_start3A_118 = tpu.memref_slice %arg6[%arg1, %dma_start3A_116, %dma_start3A_117] : memref<16x125x80xi32, #tpu.memory_space<hbm>> -> memref<1x125x80xi32, #tpu.memory_space<hbm>>
      %dma_start3A_119 = tpu.memref_squeeze %dma_start3A_118 : memref<1x125x80xi32, #tpu.memory_space<hbm>> -> memref<125x80xi32, #tpu.memory_space<hbm>>
      tpu.enqueue_dma source(%dma_start3A_119 : memref<125x80xi32, #tpu.memory_space<hbm>>) target(%arg17 : memref<125x80xi32, #tpu.memory_space<vmem>>) target_semaphore(%run_scoped3A : memref<!tpu.dma_semaphore, #tpu.memory_space<semaphore_mem>>)
      %dma_wait3A = arith.constant 0 : i32
      %dma_wait3A_120 = arith.constant 0 : i32
      %dma_wait3A_121 = tpu.memref_slice %arg6[%arg1, %dma_wait3A, %dma_wait3A_120] : memref<16x125x80xi32, #tpu.memory_space<hbm>> -> memref<1x125x80xi32, #tpu.memory_space<hbm>>
      %dma_wait3A_122 = tpu.memref_squeeze %dma_wait3A_121 : memref<1x125x80xi32, #tpu.memory_space<hbm>> -> memref<125x80xi32, #tpu.memory_space<hbm>>
      %dma_wait3A_123 = arith.constant 0 : i32
      %dma_wait3A_124 = arith.constant 0 : i32
      %dma_wait3A_125 = tpu.memref_slice %arg6[%arg1, %dma_wait3A_123, %dma_wait3A_124] : memref<16x125x80xi32, #tpu.memory_space<hbm>> -> memref<1x125x80xi32, #tpu.memory_space<hbm>>
      %dma_wait3A_126 = tpu.memref_squeeze %dma_wait3A_125 : memref<1x125x80xi32, #tpu.memory_space<hbm>> -> memref<125x80xi32, #tpu.memory_space<hbm>>
      tpu.wait_dma2 semaphore(%run_scoped3A : memref<!tpu.dma_semaphore, #tpu.memory_space<semaphore_mem>>) src(%dma_wait3A_126 : memref<125x80xi32, #tpu.memory_space<hbm>>) dst(%arg17 : memref<125x80xi32, #tpu.memory_space<vmem>>)
      tpu.yield
    }) : () -> ()
    %add3A = arith.constant 0 : i32
    %add3A_1 = arith.addi %mul3A_0, %add3A : i32
    "tpu.region"() ({
      %run_scoped3A = tpu.sem_alloc : memref<!tpu.dma_semaphore, #tpu.memory_space<semaphore_mem>>
      %dma_start3A = arith.constant 0 : i32
      %dma_start3A_113 = tpu.memref_slice %arg19[%add3A_1, %dma_start3A] : memref<10240x128xf32, #tpu.memory_space<vmem_shared>> -> memref<64x128xf32, #tpu.memory_space<vmem_shared>>
      %dma_start3A_114 = arith.constant 0 : i32
      %dma_start3A_115 = tpu.memref_slice %arg19[%add3A_1, %dma_start3A_114] : memref<10240x128xf32, #tpu.memory_space<vmem_shared>> -> memref<64x128xf32, #tpu.memory_space<vmem_shared>>
      tpu.enqueue_dma source(%arg15 : memref<64x128xf32, #tpu.memory_space<vmem>>) target(%dma_start3A_115 : memref<64x128xf32, #tpu.memory_space<vmem_shared>>) target_semaphore(%run_scoped3A : memref<!tpu.dma_semaphore, #tpu.memory_space<semaphore_mem>>)
      %dma_wait3A = arith.constant 0 : i32
      %dma_wait3A_116 = tpu.memref_slice %arg19[%add3A_1, %dma_wait3A] : memref<10240x128xf32, #tpu.memory_space<vmem_shared>> -> memref<64x128xf32, #tpu.memory_space<vmem_shared>>
      %dma_wait3A_117 = arith.constant 0 : i32
      %dma_wait3A_118 = tpu.memref_slice %arg19[%add3A_1, %dma_wait3A_117] : memref<10240x128xf32, #tpu.memory_space<vmem_shared>> -> memref<64x128xf32, #tpu.memory_space<vmem_shared>>
      tpu.wait_dma2 semaphore(%run_scoped3A : memref<!tpu.dma_semaphore, #tpu.memory_space<semaphore_mem>>) src(%arg15 : memref<64x128xf32, #tpu.memory_space<vmem>>) dst(%dma_wait3A_118 : memref<64x128xf32, #tpu.memory_space<vmem_shared>>)
      tpu.yield
    }) : () -> ()
    %add3A_2 = arith.constant 64 : i32
    %add3A_3 = arith.addi %mul3A_0, %add3A_2 : i32
    "tpu.region"() ({
      %run_scoped3A = tpu.sem_alloc : memref<!tpu.dma_semaphore, #tpu.memory_space<semaphore_mem>>
      %dma_start3A = arith.constant 0 : i32
      %dma_start3A_113 = tpu.memref_slice %arg19[%add3A_3, %dma_start3A] : memref<10240x128xf32, #tpu.memory_space<vmem_shared>> -> memref<64x128xf32, #tpu.memory_space<vmem_shared>>
      %dma_start3A_114 = arith.constant 0 : i32
      %dma_start3A_115 = tpu.memref_slice %arg19[%add3A_3, %dma_start3A_114] : memref<10240x128xf32, #tpu.memory_space<vmem_shared>> -> memref<64x128xf32, #tpu.memory_space<vmem_shared>>
      tpu.enqueue_dma source(%arg15 : memref<64x128xf32, #tpu.memory_space<vmem>>) target(%dma_start3A_115 : memref<64x128xf32, #tpu.memory_space<vmem_shared>>) target_semaphore(%run_scoped3A : memref<!tpu.dma_semaphore, #tpu.memory_space<semaphore_mem>>)
      %dma_wait3A = arith.constant 0 : i32
      %dma_wait3A_116 = tpu.memref_slice %arg19[%add3A_3, %dma_wait3A] : memref<10240x128xf32, #tpu.memory_space<vmem_shared>> -> memref<64x128xf32, #tpu.memory_space<vmem_shared>>
      %dma_wait3A_117 = arith.constant 0 : i32
      %dma_wait3A_118 = tpu.memref_slice %arg19[%add3A_3, %dma_wait3A_117] : memref<10240x128xf32, #tpu.memory_space<vmem_shared>> -> memref<64x128xf32, #tpu.memory_space<vmem_shared>>
      tpu.wait_dma2 semaphore(%run_scoped3A : memref<!tpu.dma_semaphore, #tpu.memory_space<semaphore_mem>>) src(%arg15 : memref<64x128xf32, #tpu.memory_space<vmem>>) dst(%dma_wait3A_118 : memref<64x128xf32, #tpu.memory_space<vmem_shared>>)
      tpu.yield
    }) : () -> ()
    %add3A_4 = arith.constant 128 : i32
    %add3A_5 = arith.addi %mul3A_0, %add3A_4 : i32
    "tpu.region"() ({
      %run_scoped3A = tpu.sem_alloc : memref<!tpu.dma_semaphore, #tpu.memory_space<semaphore_mem>>
      %dma_start3A = arith.constant 0 : i32
      %dma_start3A_113 = tpu.memref_slice %arg19[%add3A_5, %dma_start3A] : memref<10240x128xf32, #tpu.memory_space<vmem_shared>> -> memref<64x128xf32, #tpu.memory_space<vmem_shared>>
      %dma_start3A_114 = arith.constant 0 : i32
      %dma_start3A_115 = tpu.memref_slice %arg19[%add3A_5, %dma_start3A_114] : memref<10240x128xf32, #tpu.memory_space<vmem_shared>> -> memref<64x128xf32, #tpu.memory_space<vmem_shared>>
      tpu.enqueue_dma source(%arg15 : memref<64x128xf32, #tpu.memory_space<vmem>>) target(%dma_start3A_115 : memref<64x128xf32, #tpu.memory_space<vmem_shared>>) target_semaphore(%run_scoped3A : memref<!tpu.dma_semaphore, #tpu.memory_space<semaphore_mem>>)
      %dma_wait3A = arith.constant 0 : i32
      %dma_wait3A_116 = tpu.memref_slice %arg19[%add3A_5, %dma_wait3A] : memref<10240x128xf32, #tpu.memory_space<vmem_shared>> -> memref<64x128xf32, #tpu.memory_space<vmem_shared>>
      %dma_wait3A_117 = arith.constant 0 : i32
      %dma_wait3A_118 = tpu.memref_slice %arg19[%add3A_5, %dma_wait3A_117] : memref<10240x128xf32, #tpu.memory_space<vmem_shared>> -> memref<64x128xf32, #tpu.memory_space<vmem_shared>>
      tpu.wait_dma2 semaphore(%run_scoped3A : memref<!tpu.dma_semaphore, #tpu.memory_space<semaphore_mem>>) src(%arg15 : memref<64x128xf32, #tpu.memory_space<vmem>>) dst(%dma_wait3A_118 : memref<64x128xf32, #tpu.memory_space<vmem_shared>>)
      tpu.yield
    }) : () -> ()
    %add3A_6 = arith.constant 192 : i32
    %add3A_7 = arith.addi %mul3A_0, %add3A_6 : i32
    "tpu.region"() ({
      %run_scoped3A = tpu.sem_alloc : memref<!tpu.dma_semaphore, #tpu.memory_space<semaphore_mem>>
      %dma_start3A = arith.constant 0 : i32
      %dma_start3A_113 = tpu.memref_slice %arg19[%add3A_7, %dma_start3A] : memref<10240x128xf32, #tpu.memory_space<vmem_shared>> -> memref<64x128xf32, #tpu.memory_space<vmem_shared>>
      %dma_start3A_114 = arith.constant 0 : i32
      %dma_start3A_115 = tpu.memref_slice %arg19[%add3A_7, %dma_start3A_114] : memref<10240x128xf32, #tpu.memory_space<vmem_shared>> -> memref<64x128xf32, #tpu.memory_space<vmem_shared>>
      tpu.enqueue_dma source(%arg15 : memref<64x128xf32, #tpu.memory_space<vmem>>) target(%dma_start3A_115 : memref<64x128xf32, #tpu.memory_space<vmem_shared>>) target_semaphore(%run_scoped3A : memref<!tpu.dma_semaphore, #tpu.memory_space<semaphore_mem>>)
      %dma_wait3A = arith.constant 0 : i32
      %dma_wait3A_116 = tpu.memref_slice %arg19[%add3A_7, %dma_wait3A] : memref<10240x128xf32, #tpu.memory_space<vmem_shared>> -> memref<64x128xf32, #tpu.memory_space<vmem_shared>>
      %dma_wait3A_117 = arith.constant 0 : i32
      %dma_wait3A_118 = tpu.memref_slice %arg19[%add3A_7, %dma_wait3A_117] : memref<10240x128xf32, #tpu.memory_space<vmem_shared>> -> memref<64x128xf32, #tpu.memory_space<vmem_shared>>
      tpu.wait_dma2 semaphore(%run_scoped3A : memref<!tpu.dma_semaphore, #tpu.memory_space<semaphore_mem>>) src(%arg15 : memref<64x128xf32, #tpu.memory_space<vmem>>) dst(%dma_wait3A_118 : memref<64x128xf32, #tpu.memory_space<vmem_shared>>)
      tpu.yield
    }) : () -> ()
    %add3A_8 = arith.constant 256 : i32
    %add3A_9 = arith.addi %mul3A_0, %add3A_8 : i32
    "tpu.region"() ({
      %run_scoped3A = tpu.sem_alloc : memref<!tpu.dma_semaphore, #tpu.memory_space<semaphore_mem>>
      %dma_start3A = arith.constant 0 : i32
      %dma_start3A_113 = tpu.memref_slice %arg19[%add3A_9, %dma_start3A] : memref<10240x128xf32, #tpu.memory_space<vmem_shared>> -> memref<64x128xf32, #tpu.memory_space<vmem_shared>>
      %dma_start3A_114 = arith.constant 0 : i32
      %dma_start3A_115 = tpu.memref_slice %arg19[%add3A_9, %dma_start3A_114] : memref<10240x128xf32, #tpu.memory_space<vmem_shared>> -> memref<64x128xf32, #tpu.memory_space<vmem_shared>>
      tpu.enqueue_dma source(%arg15 : memref<64x128xf32, #tpu.memory_space<vmem>>) target(%dma_start3A_115 : memref<64x128xf32, #tpu.memory_space<vmem_shared>>) target_semaphore(%run_scoped3A : memref<!tpu.dma_semaphore, #tpu.memory_space<semaphore_mem>>)
      %dma_wait3A = arith.constant 0 : i32
      %dma_wait3A_116 = tpu.memref_slice %arg19[%add3A_9, %dma_wait3A] : memref<10240x128xf32, #tpu.memory_space<vmem_shared>> -> memref<64x128xf32, #tpu.memory_space<vmem_shared>>
      %dma_wait3A_117 = arith.constant 0 : i32
      %dma_wait3A_118 = tpu.memref_slice %arg19[%add3A_9, %dma_wait3A_117] : memref<10240x128xf32, #tpu.memory_space<vmem_shared>> -> memref<64x128xf32, #tpu.memory_space<vmem_shared>>
      tpu.wait_dma2 semaphore(%run_scoped3A : memref<!tpu.dma_semaphore, #tpu.memory_space<semaphore_mem>>) src(%arg15 : memref<64x128xf32, #tpu.memory_space<vmem>>) dst(%dma_wait3A_118 : memref<64x128xf32, #tpu.memory_space<vmem_shared>>)
      tpu.yield
    }) : () -> ()
    %add3A_10 = arith.constant 320 : i32
    %add3A_11 = arith.addi %mul3A_0, %add3A_10 : i32
    "tpu.region"() ({
      %run_scoped3A = tpu.sem_alloc : memref<!tpu.dma_semaphore, #tpu.memory_space<semaphore_mem>>
      %dma_start3A = arith.constant 0 : i32
      %dma_start3A_113 = tpu.memref_slice %arg19[%add3A_11, %dma_start3A] : memref<10240x128xf32, #tpu.memory_space<vmem_shared>> -> memref<64x128xf32, #tpu.memory_space<vmem_shared>>
      %dma_start3A_114 = arith.constant 0 : i32
      %dma_start3A_115 = tpu.memref_slice %arg19[%add3A_11, %dma_start3A_114] : memref<10240x128xf32, #tpu.memory_space<vmem_shared>> -> memref<64x128xf32, #tpu.memory_space<vmem_shared>>
      tpu.enqueue_dma source(%arg15 : memref<64x128xf32, #tpu.memory_space<vmem>>) target(%dma_start3A_115 : memref<64x128xf32, #tpu.memory_space<vmem_shared>>) target_semaphore(%run_scoped3A : memref<!tpu.dma_semaphore, #tpu.memory_space<semaphore_mem>>)
      %dma_wait3A = arith.constant 0 : i32
      %dma_wait3A_116 = tpu.memref_slice %arg19[%add3A_11, %dma_wait3A] : memref<10240x128xf32, #tpu.memory_space<vmem_shared>> -> memref<64x128xf32, #tpu.memory_space<vmem_shared>>
      %dma_wait3A_117 = arith.constant 0 : i32
      %dma_wait3A_118 = tpu.memref_slice %arg19[%add3A_11, %dma_wait3A_117] : memref<10240x128xf32, #tpu.memory_space<vmem_shared>> -> memref<64x128xf32, #tpu.memory_space<vmem_shared>>
      tpu.wait_dma2 semaphore(%run_scoped3A : memref<!tpu.dma_semaphore, #tpu.memory_space<semaphore_mem>>) src(%arg15 : memref<64x128xf32, #tpu.memory_space<vmem>>) dst(%dma_wait3A_118 : memref<64x128xf32, #tpu.memory_space<vmem_shared>>)
      tpu.yield
    }) : () -> ()
    %add3A_12 = arith.constant 384 : i32
    %add3A_13 = arith.addi %mul3A_0, %add3A_12 : i32
    "tpu.region"() ({
      %run_scoped3A = tpu.sem_alloc : memref<!tpu.dma_semaphore, #tpu.memory_space<semaphore_mem>>
      %dma_start3A = arith.constant 0 : i32
      %dma_start3A_113 = tpu.memref_slice %arg19[%add3A_13, %dma_start3A] : memref<10240x128xf32, #tpu.memory_space<vmem_shared>> -> memref<64x128xf32, #tpu.memory_space<vmem_shared>>
      %dma_start3A_114 = arith.constant 0 : i32
      %dma_start3A_115 = tpu.memref_slice %arg19[%add3A_13, %dma_start3A_114] : memref<10240x128xf32, #tpu.memory_space<vmem_shared>> -> memref<64x128xf32, #tpu.memory_space<vmem_shared>>
      tpu.enqueue_dma source(%arg15 : memref<64x128xf32, #tpu.memory_space<vmem>>) target(%dma_start3A_115 : memref<64x128xf32, #tpu.memory_space<vmem_shared>>) target_semaphore(%run_scoped3A : memref<!tpu.dma_semaphore, #tpu.memory_space<semaphore_mem>>)
      %dma_wait3A = arith.constant 0 : i32
      %dma_wait3A_116 = tpu.memref_slice %arg19[%add3A_13, %dma_wait3A] : memref<10240x128xf32, #tpu.memory_space<vmem_shared>> -> memref<64x128xf32, #tpu.memory_space<vmem_shared>>
      %dma_wait3A_117 = arith.constant 0 : i32
      %dma_wait3A_118 = tpu.memref_slice %arg19[%add3A_13, %dma_wait3A_117] : memref<10240x128xf32, #tpu.memory_space<vmem_shared>> -> memref<64x128xf32, #tpu.memory_space<vmem_shared>>
      tpu.wait_dma2 semaphore(%run_scoped3A : memref<!tpu.dma_semaphore, #tpu.memory_space<semaphore_mem>>) src(%arg15 : memref<64x128xf32, #tpu.memory_space<vmem>>) dst(%dma_wait3A_118 : memref<64x128xf32, #tpu.memory_space<vmem_shared>>)
      tpu.yield
    }) : () -> ()
    %add3A_14 = arith.constant 448 : i32
    %add3A_15 = arith.addi %mul3A_0, %add3A_14 : i32
    "tpu.region"() ({
      %run_scoped3A = tpu.sem_alloc : memref<!tpu.dma_semaphore, #tpu.memory_space<semaphore_mem>>
      %dma_start3A = arith.constant 0 : i32
      %dma_start3A_113 = tpu.memref_slice %arg19[%add3A_15, %dma_start3A] : memref<10240x128xf32, #tpu.memory_space<vmem_shared>> -> memref<64x128xf32, #tpu.memory_space<vmem_shared>>
      %dma_start3A_114 = arith.constant 0 : i32
      %dma_start3A_115 = tpu.memref_slice %arg19[%add3A_15, %dma_start3A_114] : memref<10240x128xf32, #tpu.memory_space<vmem_shared>> -> memref<64x128xf32, #tpu.memory_space<vmem_shared>>
      tpu.enqueue_dma source(%arg15 : memref<64x128xf32, #tpu.memory_space<vmem>>) target(%dma_start3A_115 : memref<64x128xf32, #tpu.memory_space<vmem_shared>>) target_semaphore(%run_scoped3A : memref<!tpu.dma_semaphore, #tpu.memory_space<semaphore_mem>>)
      %dma_wait3A = arith.constant 0 : i32
      %dma_wait3A_116 = tpu.memref_slice %arg19[%add3A_15, %dma_wait3A] : memref<10240x128xf32, #tpu.memory_space<vmem_shared>> -> memref<64x128xf32, #tpu.memory_space<vmem_shared>>
      %dma_wait3A_117 = arith.constant 0 : i32
      %dma_wait3A_118 = tpu.memref_slice %arg19[%add3A_15, %dma_wait3A_117] : memref<10240x128xf32, #tpu.memory_space<vmem_shared>> -> memref<64x128xf32, #tpu.memory_space<vmem_shared>>
      tpu.wait_dma2 semaphore(%run_scoped3A : memref<!tpu.dma_semaphore, #tpu.memory_space<semaphore_mem>>) src(%arg15 : memref<64x128xf32, #tpu.memory_space<vmem>>) dst(%dma_wait3A_118 : memref<64x128xf32, #tpu.memory_space<vmem_shared>>)
      tpu.yield
    }) : () -> ()
    %add3A_16 = arith.constant 512 : i32
    %add3A_17 = arith.addi %mul3A_0, %add3A_16 : i32
    "tpu.region"() ({
      %run_scoped3A = tpu.sem_alloc : memref<!tpu.dma_semaphore, #tpu.memory_space<semaphore_mem>>
      %dma_start3A = arith.constant 0 : i32
      %dma_start3A_113 = tpu.memref_slice %arg19[%add3A_17, %dma_start3A] : memref<10240x128xf32, #tpu.memory_space<vmem_shared>> -> memref<64x128xf32, #tpu.memory_space<vmem_shared>>
      %dma_start3A_114 = arith.constant 0 : i32
      %dma_start3A_115 = tpu.memref_slice %arg19[%add3A_17, %dma_start3A_114] : memref<10240x128xf32, #tpu.memory_space<vmem_shared>> -> memref<64x128xf32, #tpu.memory_space<vmem_shared>>
      tpu.enqueue_dma source(%arg15 : memref<64x128xf32, #tpu.memory_space<vmem>>) target(%dma_start3A_115 : memref<64x128xf32, #tpu.memory_space<vmem_shared>>) target_semaphore(%run_scoped3A : memref<!tpu.dma_semaphore, #tpu.memory_space<semaphore_mem>>)
      %dma_wait3A = arith.constant 0 : i32
      %dma_wait3A_116 = tpu.memref_slice %arg19[%add3A_17, %dma_wait3A] : memref<10240x128xf32, #tpu.memory_space<vmem_shared>> -> memref<64x128xf32, #tpu.memory_space<vmem_shared>>
      %dma_wait3A_117 = arith.constant 0 : i32
      %dma_wait3A_118 = tpu.memref_slice %arg19[%add3A_17, %dma_wait3A_117] : memref<10240x128xf32, #tpu.memory_space<vmem_shared>> -> memref<64x128xf32, #tpu.memory_space<vmem_shared>>
      tpu.wait_dma2 semaphore(%run_scoped3A : memref<!tpu.dma_semaphore, #tpu.memory_space<semaphore_mem>>) src(%arg15 : memref<64x128xf32, #tpu.memory_space<vmem>>) dst(%dma_wait3A_118 : memref<64x128xf32, #tpu.memory_space<vmem_shared>>)
      tpu.yield
    }) : () -> ()
    %add3A_18 = arith.constant 576 : i32
    %add3A_19 = arith.addi %mul3A_0, %add3A_18 : i32
    "tpu.region"() ({
      %run_scoped3A = tpu.sem_alloc : memref<!tpu.dma_semaphore, #tpu.memory_space<semaphore_mem>>
      %dma_start3A = arith.constant 0 : i32
      %dma_start3A_113 = tpu.memref_slice %arg19[%add3A_19, %dma_start3A] : memref<10240x128xf32, #tpu.memory_space<vmem_shared>> -> memref<64x128xf32, #tpu.memory_space<vmem_shared>>
      %dma_start3A_114 = arith.constant 0 : i32
      %dma_start3A_115 = tpu.memref_slice %arg19[%add3A_19, %dma_start3A_114] : memref<10240x128xf32, #tpu.memory_space<vmem_shared>> -> memref<64x128xf32, #tpu.memory_space<vmem_shared>>
      tpu.enqueue_dma source(%arg15 : memref<64x128xf32, #tpu.memory_space<vmem>>) target(%dma_start3A_115 : memref<64x128xf32, #tpu.memory_space<vmem_shared>>) target_semaphore(%run_scoped3A : memref<!tpu.dma_semaphore, #tpu.memory_space<semaphore_mem>>)
      %dma_wait3A = arith.constant 0 : i32
      %dma_wait3A_116 = tpu.memref_slice %arg19[%add3A_19, %dma_wait3A] : memref<10240x128xf32, #tpu.memory_space<vmem_shared>> -> memref<64x128xf32, #tpu.memory_space<vmem_shared>>
      %dma_wait3A_117 = arith.constant 0 : i32
      %dma_wait3A_118 = tpu.memref_slice %arg19[%add3A_19, %dma_wait3A_117] : memref<10240x128xf32, #tpu.memory_space<vmem_shared>> -> memref<64x128xf32, #tpu.memory_space<vmem_shared>>
      tpu.wait_dma2 semaphore(%run_scoped3A : memref<!tpu.dma_semaphore, #tpu.memory_space<semaphore_mem>>) src(%arg15 : memref<64x128xf32, #tpu.memory_space<vmem>>) dst(%dma_wait3A_118 : memref<64x128xf32, #tpu.memory_space<vmem_shared>>)
      tpu.yield
    }) : () -> ()
    %barrier3A = arith.constant 0 : index
    tpu.barrier barrier_id(%barrier3A)
    %scan3A = arith.constant 0 : i32
    %scan3A_20 = arith.constant 0 : i32
    %scan3A_21 = arith.constant 125 : i32
    %scan3A_22 = arith.addi %scan3A_20, %scan3A_21 : i32
    %scan3A_23 = arith.constant 1 : i32
    scf.for %scan3A_113 = %scan3A_20 to %scan3A_22 step %scan3A_23  : i32 {
      %mul3A_114 = arith.constant 10000 : i32
      %mul3A_115 = arith.muli %arg1, %mul3A_114 : i32
      %mul3A_116 = arith.constant 80 : i32
      %mul3A_117 = arith.muli %scan3A_113, %mul3A_116 : i32
      %add3A_118 = arith.addi %mul3A_115, %mul3A_117 : i32
      %eq3A_119 = arith.constant 0 : i32
      %eq3A_120 = arith.cmpi eq, %arg0, %eq3A_119 : i32
      %convert_element_type3A_121 = arith.extui %eq3A_120 : i1 to i32
      %cond3A_122 = arith.constant 0 : i32
      %cond3A_123 = arith.cmpi ne, %convert_element_type3A_121, %cond3A_122 : i32
      scf.if %cond3A_123 {
        "tpu.region"() ({
          %run_scoped3A = tpu.sem_alloc : memref<!tpu.dma_semaphore, #tpu.memory_space<semaphore_mem>>
          %dma_start3A = arith.constant 0 : i32
          %dma_start3A_129 = tpu.memref_slice %arg2[%add3A_118, %dma_start3A] : memref<160000x128xf32, #tpu.memory_space<hbm>> -> memref<80x128xf32, #tpu.memory_space<hbm>>
          %dma_start3A_130 = arith.constant 0 : i32
          %dma_start3A_131 = tpu.memref_slice %arg2[%add3A_118, %dma_start3A_130] : memref<160000x128xf32, #tpu.memory_space<hbm>> -> memref<80x128xf32, #tpu.memory_space<hbm>>
          tpu.enqueue_dma source(%dma_start3A_131 : memref<80x128xf32, #tpu.memory_space<hbm>>) target(%arg18 : memref<80x128xf32, #tpu.memory_space<vmem>>) target_semaphore(%run_scoped3A : memref<!tpu.dma_semaphore, #tpu.memory_space<semaphore_mem>>)
          %dma_wait3A = arith.constant 0 : i32
          %dma_wait3A_132 = tpu.memref_slice %arg2[%add3A_118, %dma_wait3A] : memref<160000x128xf32, #tpu.memory_space<hbm>> -> memref<80x128xf32, #tpu.memory_space<hbm>>
          %dma_wait3A_133 = arith.constant 0 : i32
          %dma_wait3A_134 = tpu.memref_slice %arg2[%add3A_118, %dma_wait3A_133] : memref<160000x128xf32, #tpu.memory_space<hbm>> -> memref<80x128xf32, #tpu.memory_space<hbm>>
          tpu.wait_dma2 semaphore(%run_scoped3A : memref<!tpu.dma_semaphore, #tpu.memory_space<semaphore_mem>>) src(%dma_wait3A_134 : memref<80x128xf32, #tpu.memory_space<hbm>>) dst(%arg18 : memref<80x128xf32, #tpu.memory_space<vmem>>)
          tpu.yield
        }) : () -> ()
      } else {
      }
      %eq3A_124 = arith.constant 1 : i32
      %eq3A_125 = arith.cmpi eq, %arg0, %eq3A_124 : i32
      %convert_element_type3A_126 = arith.extui %eq3A_125 : i1 to i32
      %cond3A_127 = arith.constant 0 : i32
      %cond3A_128 = arith.cmpi ne, %convert_element_type3A_126, %cond3A_127 : i32
      scf.if %cond3A_128 {
        "tpu.region"() ({
          %run_scoped3A = tpu.sem_alloc : memref<!tpu.dma_semaphore, #tpu.memory_space<semaphore_mem>>
          %dma_start3A = arith.constant 0 : i32
          %dma_start3A_129 = tpu.memref_slice %arg4[%add3A_118, %dma_start3A] : memref<160000x128xf32, #tpu.memory_space<hbm>> -> memref<80x128xf32, #tpu.memory_space<hbm>>
          %dma_start3A_130 = arith.constant 0 : i32
          %dma_start3A_131 = tpu.memref_slice %arg4[%add3A_118, %dma_start3A_130] : memref<160000x128xf32, #tpu.memory_space<hbm>> -> memref<80x128xf32, #tpu.memory_space<hbm>>
          tpu.enqueue_dma source(%dma_start3A_131 : memref<80x128xf32, #tpu.memory_space<hbm>>) target(%arg18 : memref<80x128xf32, #tpu.memory_space<vmem>>) target_semaphore(%run_scoped3A : memref<!tpu.dma_semaphore, #tpu.memory_space<semaphore_mem>>)
          %dma_wait3A = arith.constant 0 : i32
          %dma_wait3A_132 = tpu.memref_slice %arg4[%add3A_118, %dma_wait3A] : memref<160000x128xf32, #tpu.memory_space<hbm>> -> memref<80x128xf32, #tpu.memory_space<hbm>>
          %dma_wait3A_133 = arith.constant 0 : i32
          %dma_wait3A_134 = tpu.memref_slice %arg4[%add3A_118, %dma_wait3A_133] : memref<160000x128xf32, #tpu.memory_space<hbm>> -> memref<80x128xf32, #tpu.memory_space<hbm>>
          tpu.wait_dma2 semaphore(%run_scoped3A : memref<!tpu.dma_semaphore, #tpu.memory_space<semaphore_mem>>) src(%dma_wait3A_134 : memref<80x128xf32, #tpu.memory_space<hbm>>) dst(%arg18 : memref<80x128xf32, #tpu.memory_space<vmem>>)
          tpu.yield
        }) : () -> ()
      } else {
      }
      "tpu.region"() ({
        %run_scoped3A = tpu.sem_alloc : memref<!tpu.dma_semaphore, #tpu.memory_space<semaphore_mem>>
        %dma_start3A = arith.constant 0 : i32
        %dma_start3A_129 = tpu.memref_slice %arg17[%scan3A_113, %dma_start3A] : memref<125x80xi32, #tpu.memory_space<vmem>> -> memref<1x80xi32, #tpu.memory_space<vmem>>
        %dma_start3A_130 = tpu.memref_squeeze %dma_start3A_129 : memref<1x80xi32, #tpu.memory_space<vmem>> -> memref<80xi32, #tpu.memory_space<vmem>>
        %dma_start3A_131 = arith.constant 0 : i32
        %dma_start3A_132 = arith.constant 0 : i32
        %dma_start3A_133 = tpu.memref_slice %arg19[%dma_start3A_131, %dma_start3A_132] : memref<10240x128xf32, #tpu.memory_space<vmem_shared>> -> memref<10240x128xf32, #tpu.memory_space<vmem_shared>>
        tpu.enqueue_indirect_dma source(%arg18 : memref<80x128xf32, #tpu.memory_space<vmem>>) target(%dma_start3A_133 : memref<10240x128xf32, #tpu.memory_space<vmem_shared>>) offsets(%dma_start3A_130 : memref<80xi32, #tpu.memory_space<vmem>>) semaphore(%run_scoped3A : memref<!tpu.dma_semaphore, #tpu.memory_space<semaphore_mem>>) {add = true}
        %dma_wait3A = arith.constant 0 : i32
        %dma_wait3A_134 = tpu.memref_slice %arg17[%scan3A_113, %dma_wait3A] : memref<125x80xi32, #tpu.memory_space<vmem>> -> memref<1x80xi32, #tpu.memory_space<vmem>>
        %dma_wait3A_135 = tpu.memref_squeeze %dma_wait3A_134 : memref<1x80xi32, #tpu.memory_space<vmem>> -> memref<80xi32, #tpu.memory_space<vmem>>
        %dma_wait3A_136 = arith.constant 0 : i32
        %dma_wait3A_137 = arith.constant 0 : i32
        %dma_wait3A_138 = tpu.memref_slice %arg19[%dma_wait3A_136, %dma_wait3A_137] : memref<10240x128xf32, #tpu.memory_space<vmem_shared>> -> memref<10240x128xf32, #tpu.memory_space<vmem_shared>>
        tpu.wait_indirect_dma semaphore(%run_scoped3A : memref<!tpu.dma_semaphore, #tpu.memory_space<semaphore_mem>>) src(%arg18 : memref<80x128xf32, #tpu.memory_space<vmem>>) dst(%dma_wait3A_138 : memref<10240x128xf32, #tpu.memory_space<vmem_shared>>)
        tpu.yield
      }) : () -> ()
    }
    %scan3A_24 = arith.constant 125 : i32
    %barrier3A_25 = arith.constant 0 : index
    tpu.barrier barrier_id(%barrier3A_25)
    %eq3A = arith.constant 0 : i32
    %eq3A_26 = arith.cmpi eq, %arg0, %eq3A : i32
    %convert_element_type3A = arith.extui %eq3A_26 : i1 to i32
    %cond3A = arith.constant 0 : i32
    %cond3A_27 = arith.cmpi ne, %convert_element_type3A, %cond3A : i32
    scf.if %cond3A_27 {
      "tpu.region"() ({
        %run_scoped3A = tpu.sem_alloc : memref<!tpu.dma_semaphore, #tpu.memory_space<semaphore_mem>>
        %dma_start3A = arith.constant 0 : i32
        %dma_start3A_113 = tpu.memref_slice %arg9[%mul3A_0, %dma_start3A] : memref<10240x128xf32, #tpu.memory_space<hbm>> -> memref<640x128xf32, #tpu.memory_space<hbm>>
        %dma_start3A_114 = arith.constant 0 : i32
        %dma_start3A_115 = tpu.memref_slice %arg19[%mul3A_0, %dma_start3A_114] : memref<10240x128xf32, #tpu.memory_space<vmem_shared>> -> memref<640x128xf32, #tpu.memory_space<vmem_shared>>
        tpu.enqueue_dma source(%dma_start3A_115 : memref<640x128xf32, #tpu.memory_space<vmem_shared>>) target(%dma_start3A_113 : memref<640x128xf32, #tpu.memory_space<hbm>>) target_semaphore(%run_scoped3A : memref<!tpu.dma_semaphore, #tpu.memory_space<semaphore_mem>>)
        %dma_wait3A = arith.constant 0 : i32
        %dma_wait3A_116 = tpu.memref_slice %arg9[%mul3A_0, %dma_wait3A] : memref<10240x128xf32, #tpu.memory_space<hbm>> -> memref<640x128xf32, #tpu.memory_space<hbm>>
        %dma_wait3A_117 = arith.constant 0 : i32
        %dma_wait3A_118 = tpu.memref_slice %arg19[%mul3A_0, %dma_wait3A_117] : memref<10240x128xf32, #tpu.memory_space<vmem_shared>> -> memref<640x128xf32, #tpu.memory_space<vmem_shared>>
        tpu.wait_dma2 semaphore(%run_scoped3A : memref<!tpu.dma_semaphore, #tpu.memory_space<semaphore_mem>>) src(%dma_wait3A_118 : memref<640x128xf32, #tpu.memory_space<vmem_shared>>) dst(%dma_wait3A_116 : memref<640x128xf32, #tpu.memory_space<hbm>>)
        tpu.yield
      }) : () -> ()
    } else {
    }
    %eq3A_28 = arith.constant 1 : i32
    %eq3A_29 = arith.cmpi eq, %arg0, %eq3A_28 : i32
    %convert_element_type3A_30 = arith.extui %eq3A_29 : i1 to i32
    %cond3A_31 = arith.constant 0 : i32
    %cond3A_32 = arith.cmpi ne, %convert_element_type3A_30, %cond3A_31 : i32
    scf.if %cond3A_32 {
      "tpu.region"() ({
        %run_scoped3A = tpu.sem_alloc : memref<!tpu.dma_semaphore, #tpu.memory_space<semaphore_mem>>
        %dma_start3A = arith.constant 0 : i32
        %dma_start3A_113 = tpu.memref_slice %arg11[%mul3A_0, %dma_start3A] : memref<10240x128xf32, #tpu.memory_space<hbm>> -> memref<640x128xf32, #tpu.memory_space<hbm>>
        %dma_start3A_114 = arith.constant 0 : i32
        %dma_start3A_115 = tpu.memref_slice %arg19[%mul3A_0, %dma_start3A_114] : memref<10240x128xf32, #tpu.memory_space<vmem_shared>> -> memref<640x128xf32, #tpu.memory_space<vmem_shared>>
        tpu.enqueue_dma source(%dma_start3A_115 : memref<640x128xf32, #tpu.memory_space<vmem_shared>>) target(%dma_start3A_113 : memref<640x128xf32, #tpu.memory_space<hbm>>) target_semaphore(%run_scoped3A : memref<!tpu.dma_semaphore, #tpu.memory_space<semaphore_mem>>)
        %dma_wait3A = arith.constant 0 : i32
        %dma_wait3A_116 = tpu.memref_slice %arg11[%mul3A_0, %dma_wait3A] : memref<10240x128xf32, #tpu.memory_space<hbm>> -> memref<640x128xf32, #tpu.memory_space<hbm>>
        %dma_wait3A_117 = arith.constant 0 : i32
        %dma_wait3A_118 = tpu.memref_slice %arg19[%mul3A_0, %dma_wait3A_117] : memref<10240x128xf32, #tpu.memory_space<vmem_shared>> -> memref<640x128xf32, #tpu.memory_space<vmem_shared>>
        tpu.wait_dma2 semaphore(%run_scoped3A : memref<!tpu.dma_semaphore, #tpu.memory_space<semaphore_mem>>) src(%dma_wait3A_118 : memref<640x128xf32, #tpu.memory_space<vmem_shared>>) dst(%dma_wait3A_116 : memref<640x128xf32, #tpu.memory_space<hbm>>)
        tpu.yield
      }) : () -> ()
    } else {
    }
    %add3A_33 = arith.constant 0 : i32
    %add3A_34 = arith.addi %mul3A_0, %add3A_33 : i32
    "tpu.region"() ({
      %run_scoped3A = tpu.sem_alloc : memref<!tpu.dma_semaphore, #tpu.memory_space<semaphore_mem>>
      %dma_start3A = arith.constant 0 : i32
      %dma_start3A_113 = tpu.memref_slice %arg19[%add3A_34, %dma_start3A] : memref<10240x128xf32, #tpu.memory_space<vmem_shared>> -> memref<64x128xf32, #tpu.memory_space<vmem_shared>>
      %dma_start3A_114 = arith.constant 0 : i32
      %dma_start3A_115 = tpu.memref_slice %arg19[%add3A_34, %dma_start3A_114] : memref<10240x128xf32, #tpu.memory_space<vmem_shared>> -> memref<64x128xf32, #tpu.memory_space<vmem_shared>>
      tpu.enqueue_dma source(%arg15 : memref<64x128xf32, #tpu.memory_space<vmem>>) target(%dma_start3A_115 : memref<64x128xf32, #tpu.memory_space<vmem_shared>>) target_semaphore(%run_scoped3A : memref<!tpu.dma_semaphore, #tpu.memory_space<semaphore_mem>>)
      %dma_wait3A = arith.constant 0 : i32
      %dma_wait3A_116 = tpu.memref_slice %arg19[%add3A_34, %dma_wait3A] : memref<10240x128xf32, #tpu.memory_space<vmem_shared>> -> memref<64x128xf32, #tpu.memory_space<vmem_shared>>
      %dma_wait3A_117 = arith.constant 0 : i32
      %dma_wait3A_118 = tpu.memref_slice %arg19[%add3A_34, %dma_wait3A_117] : memref<10240x128xf32, #tpu.memory_space<vmem_shared>> -> memref<64x128xf32, #tpu.memory_space<vmem_shared>>
      tpu.wait_dma2 semaphore(%run_scoped3A : memref<!tpu.dma_semaphore, #tpu.memory_space<semaphore_mem>>) src(%arg15 : memref<64x128xf32, #tpu.memory_space<vmem>>) dst(%dma_wait3A_118 : memref<64x128xf32, #tpu.memory_space<vmem_shared>>)
      tpu.yield
    }) : () -> ()
    %add3A_35 = arith.constant 64 : i32
    %add3A_36 = arith.addi %mul3A_0, %add3A_35 : i32
    "tpu.region"() ({
      %run_scoped3A = tpu.sem_alloc : memref<!tpu.dma_semaphore, #tpu.memory_space<semaphore_mem>>
      %dma_start3A = arith.constant 0 : i32
      %dma_start3A_113 = tpu.memref_slice %arg19[%add3A_36, %dma_start3A] : memref<10240x128xf32, #tpu.memory_space<vmem_shared>> -> memref<64x128xf32, #tpu.memory_space<vmem_shared>>
      %dma_start3A_114 = arith.constant 0 : i32
      %dma_start3A_115 = tpu.memref_slice %arg19[%add3A_36, %dma_start3A_114] : memref<10240x128xf32, #tpu.memory_space<vmem_shared>> -> memref<64x128xf32, #tpu.memory_space<vmem_shared>>
      tpu.enqueue_dma source(%arg15 : memref<64x128xf32, #tpu.memory_space<vmem>>) target(%dma_start3A_115 : memref<64x128xf32, #tpu.memory_space<vmem_shared>>) target_semaphore(%run_scoped3A : memref<!tpu.dma_semaphore, #tpu.memory_space<semaphore_mem>>)
      %dma_wait3A = arith.constant 0 : i32
      %dma_wait3A_116 = tpu.memref_slice %arg19[%add3A_36, %dma_wait3A] : memref<10240x128xf32, #tpu.memory_space<vmem_shared>> -> memref<64x128xf32, #tpu.memory_space<vmem_shared>>
      %dma_wait3A_117 = arith.constant 0 : i32
      %dma_wait3A_118 = tpu.memref_slice %arg19[%add3A_36, %dma_wait3A_117] : memref<10240x128xf32, #tpu.memory_space<vmem_shared>> -> memref<64x128xf32, #tpu.memory_space<vmem_shared>>
      tpu.wait_dma2 semaphore(%run_scoped3A : memref<!tpu.dma_semaphore, #tpu.memory_space<semaphore_mem>>) src(%arg15 : memref<64x128xf32, #tpu.memory_space<vmem>>) dst(%dma_wait3A_118 : memref<64x128xf32, #tpu.memory_space<vmem_shared>>)
      tpu.yield
    }) : () -> ()
    %add3A_37 = arith.constant 128 : i32
    %add3A_38 = arith.addi %mul3A_0, %add3A_37 : i32
    "tpu.region"() ({
      %run_scoped3A = tpu.sem_alloc : memref<!tpu.dma_semaphore, #tpu.memory_space<semaphore_mem>>
      %dma_start3A = arith.constant 0 : i32
      %dma_start3A_113 = tpu.memref_slice %arg19[%add3A_38, %dma_start3A] : memref<10240x128xf32, #tpu.memory_space<vmem_shared>> -> memref<64x128xf32, #tpu.memory_space<vmem_shared>>
      %dma_start3A_114 = arith.constant 0 : i32
      %dma_start3A_115 = tpu.memref_slice %arg19[%add3A_38, %dma_start3A_114] : memref<10240x128xf32, #tpu.memory_space<vmem_shared>> -> memref<64x128xf32, #tpu.memory_space<vmem_shared>>
      tpu.enqueue_dma source(%arg15 : memref<64x128xf32, #tpu.memory_space<vmem>>) target(%dma_start3A_115 : memref<64x128xf32, #tpu.memory_space<vmem_shared>>) target_semaphore(%run_scoped3A : memref<!tpu.dma_semaphore, #tpu.memory_space<semaphore_mem>>)
      %dma_wait3A = arith.constant 0 : i32
      %dma_wait3A_116 = tpu.memref_slice %arg19[%add3A_38, %dma_wait3A] : memref<10240x128xf32, #tpu.memory_space<vmem_shared>> -> memref<64x128xf32, #tpu.memory_space<vmem_shared>>
      %dma_wait3A_117 = arith.constant 0 : i32
      %dma_wait3A_118 = tpu.memref_slice %arg19[%add3A_38, %dma_wait3A_117] : memref<10240x128xf32, #tpu.memory_space<vmem_shared>> -> memref<64x128xf32, #tpu.memory_space<vmem_shared>>
      tpu.wait_dma2 semaphore(%run_scoped3A : memref<!tpu.dma_semaphore, #tpu.memory_space<semaphore_mem>>) src(%arg15 : memref<64x128xf32, #tpu.memory_space<vmem>>) dst(%dma_wait3A_118 : memref<64x128xf32, #tpu.memory_space<vmem_shared>>)
      tpu.yield
    }) : () -> ()
    %add3A_39 = arith.constant 192 : i32
    %add3A_40 = arith.addi %mul3A_0, %add3A_39 : i32
    "tpu.region"() ({
      %run_scoped3A = tpu.sem_alloc : memref<!tpu.dma_semaphore, #tpu.memory_space<semaphore_mem>>
      %dma_start3A = arith.constant 0 : i32
      %dma_start3A_113 = tpu.memref_slice %arg19[%add3A_40, %dma_start3A] : memref<10240x128xf32, #tpu.memory_space<vmem_shared>> -> memref<64x128xf32, #tpu.memory_space<vmem_shared>>
      %dma_start3A_114 = arith.constant 0 : i32
      %dma_start3A_115 = tpu.memref_slice %arg19[%add3A_40, %dma_start3A_114] : memref<10240x128xf32, #tpu.memory_space<vmem_shared>> -> memref<64x128xf32, #tpu.memory_space<vmem_shared>>
      tpu.enqueue_dma source(%arg15 : memref<64x128xf32, #tpu.memory_space<vmem>>) target(%dma_start3A_115 : memref<64x128xf32, #tpu.memory_space<vmem_shared>>) target_semaphore(%run_scoped3A : memref<!tpu.dma_semaphore, #tpu.memory_space<semaphore_mem>>)
      %dma_wait3A = arith.constant 0 : i32
      %dma_wait3A_116 = tpu.memref_slice %arg19[%add3A_40, %dma_wait3A] : memref<10240x128xf32, #tpu.memory_space<vmem_shared>> -> memref<64x128xf32, #tpu.memory_space<vmem_shared>>
      %dma_wait3A_117 = arith.constant 0 : i32
      %dma_wait3A_118 = tpu.memref_slice %arg19[%add3A_40, %dma_wait3A_117] : memref<10240x128xf32, #tpu.memory_space<vmem_shared>> -> memref<64x128xf32, #tpu.memory_space<vmem_shared>>
      tpu.wait_dma2 semaphore(%run_scoped3A : memref<!tpu.dma_semaphore, #tpu.memory_space<semaphore_mem>>) src(%arg15 : memref<64x128xf32, #tpu.memory_space<vmem>>) dst(%dma_wait3A_118 : memref<64x128xf32, #tpu.memory_space<vmem_shared>>)
      tpu.yield
    }) : () -> ()
    %add3A_41 = arith.constant 256 : i32
    %add3A_42 = arith.addi %mul3A_0, %add3A_41 : i32
    "tpu.region"() ({
      %run_scoped3A = tpu.sem_alloc : memref<!tpu.dma_semaphore, #tpu.memory_space<semaphore_mem>>
      %dma_start3A = arith.constant 0 : i32
      %dma_start3A_113 = tpu.memref_slice %arg19[%add3A_42, %dma_start3A] : memref<10240x128xf32, #tpu.memory_space<vmem_shared>> -> memref<64x128xf32, #tpu.memory_space<vmem_shared>>
      %dma_start3A_114 = arith.constant 0 : i32
      %dma_start3A_115 = tpu.memref_slice %arg19[%add3A_42, %dma_start3A_114] : memref<10240x128xf32, #tpu.memory_space<vmem_shared>> -> memref<64x128xf32, #tpu.memory_space<vmem_shared>>
      tpu.enqueue_dma source(%arg15 : memref<64x128xf32, #tpu.memory_space<vmem>>) target(%dma_start3A_115 : memref<64x128xf32, #tpu.memory_space<vmem_shared>>) target_semaphore(%run_scoped3A : memref<!tpu.dma_semaphore, #tpu.memory_space<semaphore_mem>>)
      %dma_wait3A = arith.constant 0 : i32
      %dma_wait3A_116 = tpu.memref_slice %arg19[%add3A_42, %dma_wait3A] : memref<10240x128xf32, #tpu.memory_space<vmem_shared>> -> memref<64x128xf32, #tpu.memory_space<vmem_shared>>
      %dma_wait3A_117 = arith.constant 0 : i32
      %dma_wait3A_118 = tpu.memref_slice %arg19[%add3A_42, %dma_wait3A_117] : memref<10240x128xf32, #tpu.memory_space<vmem_shared>> -> memref<64x128xf32, #tpu.memory_space<vmem_shared>>
      tpu.wait_dma2 semaphore(%run_scoped3A : memref<!tpu.dma_semaphore, #tpu.memory_space<semaphore_mem>>) src(%arg15 : memref<64x128xf32, #tpu.memory_space<vmem>>) dst(%dma_wait3A_118 : memref<64x128xf32, #tpu.memory_space<vmem_shared>>)
      tpu.yield
    }) : () -> ()
    %add3A_43 = arith.constant 320 : i32
    %add3A_44 = arith.addi %mul3A_0, %add3A_43 : i32
    "tpu.region"() ({
      %run_scoped3A = tpu.sem_alloc : memref<!tpu.dma_semaphore, #tpu.memory_space<semaphore_mem>>
      %dma_start3A = arith.constant 0 : i32
      %dma_start3A_113 = tpu.memref_slice %arg19[%add3A_44, %dma_start3A] : memref<10240x128xf32, #tpu.memory_space<vmem_shared>> -> memref<64x128xf32, #tpu.memory_space<vmem_shared>>
      %dma_start3A_114 = arith.constant 0 : i32
      %dma_start3A_115 = tpu.memref_slice %arg19[%add3A_44, %dma_start3A_114] : memref<10240x128xf32, #tpu.memory_space<vmem_shared>> -> memref<64x128xf32, #tpu.memory_space<vmem_shared>>
      tpu.enqueue_dma source(%arg15 : memref<64x128xf32, #tpu.memory_space<vmem>>) target(%dma_start3A_115 : memref<64x128xf32, #tpu.memory_space<vmem_shared>>) target_semaphore(%run_scoped3A : memref<!tpu.dma_semaphore, #tpu.memory_space<semaphore_mem>>)
      %dma_wait3A = arith.constant 0 : i32
      %dma_wait3A_116 = tpu.memref_slice %arg19[%add3A_44, %dma_wait3A] : memref<10240x128xf32, #tpu.memory_space<vmem_shared>> -> memref<64x128xf32, #tpu.memory_space<vmem_shared>>
      %dma_wait3A_117 = arith.constant 0 : i32
      %dma_wait3A_118 = tpu.memref_slice %arg19[%add3A_44, %dma_wait3A_117] : memref<10240x128xf32, #tpu.memory_space<vmem_shared>> -> memref<64x128xf32, #tpu.memory_space<vmem_shared>>
      tpu.wait_dma2 semaphore(%run_scoped3A : memref<!tpu.dma_semaphore, #tpu.memory_space<semaphore_mem>>) src(%arg15 : memref<64x128xf32, #tpu.memory_space<vmem>>) dst(%dma_wait3A_118 : memref<64x128xf32, #tpu.memory_space<vmem_shared>>)
      tpu.yield
    }) : () -> ()
    %add3A_45 = arith.constant 384 : i32
    %add3A_46 = arith.addi %mul3A_0, %add3A_45 : i32
    "tpu.region"() ({
      %run_scoped3A = tpu.sem_alloc : memref<!tpu.dma_semaphore, #tpu.memory_space<semaphore_mem>>
      %dma_start3A = arith.constant 0 : i32
      %dma_start3A_113 = tpu.memref_slice %arg19[%add3A_46, %dma_start3A] : memref<10240x128xf32, #tpu.memory_space<vmem_shared>> -> memref<64x128xf32, #tpu.memory_space<vmem_shared>>
      %dma_start3A_114 = arith.constant 0 : i32
      %dma_start3A_115 = tpu.memref_slice %arg19[%add3A_46, %dma_start3A_114] : memref<10240x128xf32, #tpu.memory_space<vmem_shared>> -> memref<64x128xf32, #tpu.memory_space<vmem_shared>>
      tpu.enqueue_dma source(%arg15 : memref<64x128xf32, #tpu.memory_space<vmem>>) target(%dma_start3A_115 : memref<64x128xf32, #tpu.memory_space<vmem_shared>>) target_semaphore(%run_scoped3A : memref<!tpu.dma_semaphore, #tpu.memory_space<semaphore_mem>>)
      %dma_wait3A = arith.constant 0 : i32
      %dma_wait3A_116 = tpu.memref_slice %arg19[%add3A_46, %dma_wait3A] : memref<10240x128xf32, #tpu.memory_space<vmem_shared>> -> memref<64x128xf32, #tpu.memory_space<vmem_shared>>
      %dma_wait3A_117 = arith.constant 0 : i32
      %dma_wait3A_118 = tpu.memref_slice %arg19[%add3A_46, %dma_wait3A_117] : memref<10240x128xf32, #tpu.memory_space<vmem_shared>> -> memref<64x128xf32, #tpu.memory_space<vmem_shared>>
      tpu.wait_dma2 semaphore(%run_scoped3A : memref<!tpu.dma_semaphore, #tpu.memory_space<semaphore_mem>>) src(%arg15 : memref<64x128xf32, #tpu.memory_space<vmem>>) dst(%dma_wait3A_118 : memref<64x128xf32, #tpu.memory_space<vmem_shared>>)
      tpu.yield
    }) : () -> ()
    %add3A_47 = arith.constant 448 : i32
    %add3A_48 = arith.addi %mul3A_0, %add3A_47 : i32
    "tpu.region"() ({
      %run_scoped3A = tpu.sem_alloc : memref<!tpu.dma_semaphore, #tpu.memory_space<semaphore_mem>>
      %dma_start3A = arith.constant 0 : i32
      %dma_start3A_113 = tpu.memref_slice %arg19[%add3A_48, %dma_start3A] : memref<10240x128xf32, #tpu.memory_space<vmem_shared>> -> memref<64x128xf32, #tpu.memory_space<vmem_shared>>
      %dma_start3A_114 = arith.constant 0 : i32
      %dma_start3A_115 = tpu.memref_slice %arg19[%add3A_48, %dma_start3A_114] : memref<10240x128xf32, #tpu.memory_space<vmem_shared>> -> memref<64x128xf32, #tpu.memory_space<vmem_shared>>
      tpu.enqueue_dma source(%arg15 : memref<64x128xf32, #tpu.memory_space<vmem>>) target(%dma_start3A_115 : memref<64x128xf32, #tpu.memory_space<vmem_shared>>) target_semaphore(%run_scoped3A : memref<!tpu.dma_semaphore, #tpu.memory_space<semaphore_mem>>)
      %dma_wait3A = arith.constant 0 : i32
      %dma_wait3A_116 = tpu.memref_slice %arg19[%add3A_48, %dma_wait3A] : memref<10240x128xf32, #tpu.memory_space<vmem_shared>> -> memref<64x128xf32, #tpu.memory_space<vmem_shared>>
      %dma_wait3A_117 = arith.constant 0 : i32
      %dma_wait3A_118 = tpu.memref_slice %arg19[%add3A_48, %dma_wait3A_117] : memref<10240x128xf32, #tpu.memory_space<vmem_shared>> -> memref<64x128xf32, #tpu.memory_space<vmem_shared>>
      tpu.wait_dma2 semaphore(%run_scoped3A : memref<!tpu.dma_semaphore, #tpu.memory_space<semaphore_mem>>) src(%arg15 : memref<64x128xf32, #tpu.memory_space<vmem>>) dst(%dma_wait3A_118 : memref<64x128xf32, #tpu.memory_space<vmem_shared>>)
      tpu.yield
    }) : () -> ()
    %add3A_49 = arith.constant 512 : i32
    %add3A_50 = arith.addi %mul3A_0, %add3A_49 : i32
    "tpu.region"() ({
      %run_scoped3A = tpu.sem_alloc : memref<!tpu.dma_semaphore, #tpu.memory_space<semaphore_mem>>
      %dma_start3A = arith.constant 0 : i32
      %dma_start3A_113 = tpu.memref_slice %arg19[%add3A_50, %dma_start3A] : memref<10240x128xf32, #tpu.memory_space<vmem_shared>> -> memref<64x128xf32, #tpu.memory_space<vmem_shared>>
      %dma_start3A_114 = arith.constant 0 : i32
      %dma_start3A_115 = tpu.memref_slice %arg19[%add3A_50, %dma_start3A_114] : memref<10240x128xf32, #tpu.memory_space<vmem_shared>> -> memref<64x128xf32, #tpu.memory_space<vmem_shared>>
      tpu.enqueue_dma source(%arg15 : memref<64x128xf32, #tpu.memory_space<vmem>>) target(%dma_start3A_115 : memref<64x128xf32, #tpu.memory_space<vmem_shared>>) target_semaphore(%run_scoped3A : memref<!tpu.dma_semaphore, #tpu.memory_space<semaphore_mem>>)
      %dma_wait3A = arith.constant 0 : i32
      %dma_wait3A_116 = tpu.memref_slice %arg19[%add3A_50, %dma_wait3A] : memref<10240x128xf32, #tpu.memory_space<vmem_shared>> -> memref<64x128xf32, #tpu.memory_space<vmem_shared>>
      %dma_wait3A_117 = arith.constant 0 : i32
      %dma_wait3A_118 = tpu.memref_slice %arg19[%add3A_50, %dma_wait3A_117] : memref<10240x128xf32, #tpu.memory_space<vmem_shared>> -> memref<64x128xf32, #tpu.memory_space<vmem_shared>>
      tpu.wait_dma2 semaphore(%run_scoped3A : memref<!tpu.dma_semaphore, #tpu.memory_space<semaphore_mem>>) src(%arg15 : memref<64x128xf32, #tpu.memory_space<vmem>>) dst(%dma_wait3A_118 : memref<64x128xf32, #tpu.memory_space<vmem_shared>>)
      tpu.yield
    }) : () -> ()
    %add3A_51 = arith.constant 576 : i32
    %add3A_52 = arith.addi %mul3A_0, %add3A_51 : i32
    "tpu.region"() ({
      %run_scoped3A = tpu.sem_alloc : memref<!tpu.dma_semaphore, #tpu.memory_space<semaphore_mem>>
      %dma_start3A = arith.constant 0 : i32
      %dma_start3A_113 = tpu.memref_slice %arg19[%add3A_52, %dma_start3A] : memref<10240x128xf32, #tpu.memory_space<vmem_shared>> -> memref<64x128xf32, #tpu.memory_space<vmem_shared>>
      %dma_start3A_114 = arith.constant 0 : i32
      %dma_start3A_115 = tpu.memref_slice %arg19[%add3A_52, %dma_start3A_114] : memref<10240x128xf32, #tpu.memory_space<vmem_shared>> -> memref<64x128xf32, #tpu.memory_space<vmem_shared>>
      tpu.enqueue_dma source(%arg15 : memref<64x128xf32, #tpu.memory_space<vmem>>) target(%dma_start3A_115 : memref<64x128xf32, #tpu.memory_space<vmem_shared>>) target_semaphore(%run_scoped3A : memref<!tpu.dma_semaphore, #tpu.memory_space<semaphore_mem>>)
      %dma_wait3A = arith.constant 0 : i32
      %dma_wait3A_116 = tpu.memref_slice %arg19[%add3A_52, %dma_wait3A] : memref<10240x128xf32, #tpu.memory_space<vmem_shared>> -> memref<64x128xf32, #tpu.memory_space<vmem_shared>>
      %dma_wait3A_117 = arith.constant 0 : i32
      %dma_wait3A_118 = tpu.memref_slice %arg19[%add3A_52, %dma_wait3A_117] : memref<10240x128xf32, #tpu.memory_space<vmem_shared>> -> memref<64x128xf32, #tpu.memory_space<vmem_shared>>
      tpu.wait_dma2 semaphore(%run_scoped3A : memref<!tpu.dma_semaphore, #tpu.memory_space<semaphore_mem>>) src(%arg15 : memref<64x128xf32, #tpu.memory_space<vmem>>) dst(%dma_wait3A_118 : memref<64x128xf32, #tpu.memory_space<vmem_shared>>)
      tpu.yield
    }) : () -> ()
    %barrier3A_53 = arith.constant 0 : index
    tpu.barrier barrier_id(%barrier3A_53)
    %scan3A_54 = arith.constant 0 : i32
    %scan3A_55 = arith.constant 0 : i32
    %scan3A_56 = arith.constant 125 : i32
    %scan3A_57 = arith.addi %scan3A_55, %scan3A_56 : i32
    %scan3A_58 = arith.constant 1 : i32
    scf.for %scan3A_113 = %scan3A_55 to %scan3A_57 step %scan3A_58  : i32 {
      %mul3A_114 = arith.constant 10000 : i32
      %mul3A_115 = arith.muli %arg1, %mul3A_114 : i32
      %mul3A_116 = arith.constant 80 : i32
      %mul3A_117 = arith.muli %scan3A_113, %mul3A_116 : i32
      %add3A_118 = arith.addi %mul3A_115, %mul3A_117 : i32
      %eq3A_119 = arith.constant 0 : i32
      %eq3A_120 = arith.cmpi eq, %arg0, %eq3A_119 : i32
      %convert_element_type3A_121 = arith.extui %eq3A_120 : i1 to i32
      %cond3A_122 = arith.constant 0 : i32
      %cond3A_123 = arith.cmpi ne, %convert_element_type3A_121, %cond3A_122 : i32
      scf.if %cond3A_123 {
        "tpu.region"() ({
          %run_scoped3A = tpu.sem_alloc : memref<!tpu.dma_semaphore, #tpu.memory_space<semaphore_mem>>
          %dma_start3A = arith.constant 0 : i32
          %dma_start3A_129 = tpu.memref_slice %arg3[%add3A_118, %dma_start3A] : memref<160000x128xf32, #tpu.memory_space<hbm>> -> memref<80x128xf32, #tpu.memory_space<hbm>>
          %dma_start3A_130 = arith.constant 0 : i32
          %dma_start3A_131 = tpu.memref_slice %arg3[%add3A_118, %dma_start3A_130] : memref<160000x128xf32, #tpu.memory_space<hbm>> -> memref<80x128xf32, #tpu.memory_space<hbm>>
          tpu.enqueue_dma source(%dma_start3A_131 : memref<80x128xf32, #tpu.memory_space<hbm>>) target(%arg18 : memref<80x128xf32, #tpu.memory_space<vmem>>) target_semaphore(%run_scoped3A : memref<!tpu.dma_semaphore, #tpu.memory_space<semaphore_mem>>)
          %dma_wait3A = arith.constant 0 : i32
          %dma_wait3A_132 = tpu.memref_slice %arg3[%add3A_118, %dma_wait3A] : memref<160000x128xf32, #tpu.memory_space<hbm>> -> memref<80x128xf32, #tpu.memory_space<hbm>>
          %dma_wait3A_133 = arith.constant 0 : i32
          %dma_wait3A_134 = tpu.memref_slice %arg3[%add3A_118, %dma_wait3A_133] : memref<160000x128xf32, #tpu.memory_space<hbm>> -> memref<80x128xf32, #tpu.memory_space<hbm>>
          tpu.wait_dma2 semaphore(%run_scoped3A : memref<!tpu.dma_semaphore, #tpu.memory_space<semaphore_mem>>) src(%dma_wait3A_134 : memref<80x128xf32, #tpu.memory_space<hbm>>) dst(%arg18 : memref<80x128xf32, #tpu.memory_space<vmem>>)
          tpu.yield
        }) : () -> ()
      } else {
      }
      %eq3A_124 = arith.constant 1 : i32
      %eq3A_125 = arith.cmpi eq, %arg0, %eq3A_124 : i32
      %convert_element_type3A_126 = arith.extui %eq3A_125 : i1 to i32
      %cond3A_127 = arith.constant 0 : i32
      %cond3A_128 = arith.cmpi ne, %convert_element_type3A_126, %cond3A_127 : i32
      scf.if %cond3A_128 {
        "tpu.region"() ({
          %run_scoped3A = tpu.sem_alloc : memref<!tpu.dma_semaphore, #tpu.memory_space<semaphore_mem>>
          %dma_start3A = arith.constant 0 : i32
          %dma_start3A_129 = tpu.memref_slice %arg5[%add3A_118, %dma_start3A] : memref<160000x128xf32, #tpu.memory_space<hbm>> -> memref<80x128xf32, #tpu.memory_space<hbm>>
          %dma_start3A_130 = arith.constant 0 : i32
          %dma_start3A_131 = tpu.memref_slice %arg5[%add3A_118, %dma_start3A_130] : memref<160000x128xf32, #tpu.memory_space<hbm>> -> memref<80x128xf32, #tpu.memory_space<hbm>>
          tpu.enqueue_dma source(%dma_start3A_131 : memref<80x128xf32, #tpu.memory_space<hbm>>) target(%arg18 : memref<80x128xf32, #tpu.memory_space<vmem>>) target_semaphore(%run_scoped3A : memref<!tpu.dma_semaphore, #tpu.memory_space<semaphore_mem>>)
          %dma_wait3A = arith.constant 0 : i32
          %dma_wait3A_132 = tpu.memref_slice %arg5[%add3A_118, %dma_wait3A] : memref<160000x128xf32, #tpu.memory_space<hbm>> -> memref<80x128xf32, #tpu.memory_space<hbm>>
          %dma_wait3A_133 = arith.constant 0 : i32
          %dma_wait3A_134 = tpu.memref_slice %arg5[%add3A_118, %dma_wait3A_133] : memref<160000x128xf32, #tpu.memory_space<hbm>> -> memref<80x128xf32, #tpu.memory_space<hbm>>
          tpu.wait_dma2 semaphore(%run_scoped3A : memref<!tpu.dma_semaphore, #tpu.memory_space<semaphore_mem>>) src(%dma_wait3A_134 : memref<80x128xf32, #tpu.memory_space<hbm>>) dst(%arg18 : memref<80x128xf32, #tpu.memory_space<vmem>>)
          tpu.yield
        }) : () -> ()
      } else {
      }
      "tpu.region"() ({
        %run_scoped3A = tpu.sem_alloc : memref<!tpu.dma_semaphore, #tpu.memory_space<semaphore_mem>>
        %dma_start3A = arith.constant 0 : i32
        %dma_start3A_129 = tpu.memref_slice %arg17[%scan3A_113, %dma_start3A] : memref<125x80xi32, #tpu.memory_space<vmem>> -> memref<1x80xi32, #tpu.memory_space<vmem>>
        %dma_start3A_130 = tpu.memref_squeeze %dma_start3A_129 : memref<1x80xi32, #tpu.memory_space<vmem>> -> memref<80xi32, #tpu.memory_space<vmem>>
        %dma_start3A_131 = arith.constant 0 : i32
        %dma_start3A_132 = arith.constant 0 : i32
        %dma_start3A_133 = tpu.memref_slice %arg19[%dma_start3A_131, %dma_start3A_132] : memref<10240x128xf32, #tpu.memory_space<vmem_shared>> -> memref<10240x128xf32, #tpu.memory_space<vmem_shared>>
        tpu.enqueue_indirect_dma source(%arg18 : memref<80x128xf32, #tpu.memory_space<vmem>>) target(%dma_start3A_133 : memref<10240x128xf32, #tpu.memory_space<vmem_shared>>) offsets(%dma_start3A_130 : memref<80xi32, #tpu.memory_space<vmem>>) semaphore(%run_scoped3A : memref<!tpu.dma_semaphore, #tpu.memory_space<semaphore_mem>>) {add = true}
        %dma_wait3A = arith.constant 0 : i32
        %dma_wait3A_134 = tpu.memref_slice %arg17[%scan3A_113, %dma_wait3A] : memref<125x80xi32, #tpu.memory_space<vmem>> -> memref<1x80xi32, #tpu.memory_space<vmem>>
        %dma_wait3A_135 = tpu.memref_squeeze %dma_wait3A_134 : memref<1x80xi32, #tpu.memory_space<vmem>> -> memref<80xi32, #tpu.memory_space<vmem>>
        %dma_wait3A_136 = arith.constant 0 : i32
        %dma_wait3A_137 = arith.constant 0 : i32
        %dma_wait3A_138 = tpu.memref_slice %arg19[%dma_wait3A_136, %dma_wait3A_137] : memref<10240x128xf32, #tpu.memory_space<vmem_shared>> -> memref<10240x128xf32, #tpu.memory_space<vmem_shared>>
        tpu.wait_indirect_dma semaphore(%run_scoped3A : memref<!tpu.dma_semaphore, #tpu.memory_space<semaphore_mem>>) src(%arg18 : memref<80x128xf32, #tpu.memory_space<vmem>>) dst(%dma_wait3A_138 : memref<10240x128xf32, #tpu.memory_space<vmem_shared>>)
        tpu.yield
      }) : () -> ()
    }
    %scan3A_59 = arith.constant 125 : i32
    %barrier3A_60 = arith.constant 0 : index
    tpu.barrier barrier_id(%barrier3A_60)
    %eq3A_61 = arith.constant 0 : i32
    %eq3A_62 = arith.cmpi eq, %arg0, %eq3A_61 : i32
    %convert_element_type3A_63 = arith.extui %eq3A_62 : i1 to i32
    %cond3A_64 = arith.constant 0 : i32
    %cond3A_65 = arith.cmpi ne, %convert_element_type3A_63, %cond3A_64 : i32
    scf.if %cond3A_65 {
      "tpu.region"() ({
        %run_scoped3A = tpu.sem_alloc : memref<!tpu.dma_semaphore, #tpu.memory_space<semaphore_mem>>
        %dma_start3A = arith.constant 0 : i32
        %dma_start3A_113 = tpu.memref_slice %arg10[%mul3A_0, %dma_start3A] : memref<10240x128xf32, #tpu.memory_space<hbm>> -> memref<640x128xf32, #tpu.memory_space<hbm>>
        %dma_start3A_114 = arith.constant 0 : i32
        %dma_start3A_115 = tpu.memref_slice %arg19[%mul3A_0, %dma_start3A_114] : memref<10240x128xf32, #tpu.memory_space<vmem_shared>> -> memref<640x128xf32, #tpu.memory_space<vmem_shared>>
        tpu.enqueue_dma source(%dma_start3A_115 : memref<640x128xf32, #tpu.memory_space<vmem_shared>>) target(%dma_start3A_113 : memref<640x128xf32, #tpu.memory_space<hbm>>) target_semaphore(%run_scoped3A : memref<!tpu.dma_semaphore, #tpu.memory_space<semaphore_mem>>)
        %dma_wait3A = arith.constant 0 : i32
        %dma_wait3A_116 = tpu.memref_slice %arg10[%mul3A_0, %dma_wait3A] : memref<10240x128xf32, #tpu.memory_space<hbm>> -> memref<640x128xf32, #tpu.memory_space<hbm>>
        %dma_wait3A_117 = arith.constant 0 : i32
        %dma_wait3A_118 = tpu.memref_slice %arg19[%mul3A_0, %dma_wait3A_117] : memref<10240x128xf32, #tpu.memory_space<vmem_shared>> -> memref<640x128xf32, #tpu.memory_space<vmem_shared>>
        tpu.wait_dma2 semaphore(%run_scoped3A : memref<!tpu.dma_semaphore, #tpu.memory_space<semaphore_mem>>) src(%dma_wait3A_118 : memref<640x128xf32, #tpu.memory_space<vmem_shared>>) dst(%dma_wait3A_116 : memref<640x128xf32, #tpu.memory_space<hbm>>)
        tpu.yield
      }) : () -> ()
    } else {
    }
    %eq3A_66 = arith.constant 1 : i32
    %eq3A_67 = arith.cmpi eq, %arg0, %eq3A_66 : i32
    %convert_element_type3A_68 = arith.extui %eq3A_67 : i1 to i32
    %cond3A_69 = arith.constant 0 : i32
    %cond3A_70 = arith.cmpi ne, %convert_element_type3A_68, %cond3A_69 : i32
    scf.if %cond3A_70 {
      "tpu.region"() ({
        %run_scoped3A = tpu.sem_alloc : memref<!tpu.dma_semaphore, #tpu.memory_space<semaphore_mem>>
        %dma_start3A = arith.constant 0 : i32
        %dma_start3A_113 = tpu.memref_slice %arg12[%mul3A_0, %dma_start3A] : memref<10240x128xf32, #tpu.memory_space<hbm>> -> memref<640x128xf32, #tpu.memory_space<hbm>>
        %dma_start3A_114 = arith.constant 0 : i32
        %dma_start3A_115 = tpu.memref_slice %arg19[%mul3A_0, %dma_start3A_114] : memref<10240x128xf32, #tpu.memory_space<vmem_shared>> -> memref<640x128xf32, #tpu.memory_space<vmem_shared>>
        tpu.enqueue_dma source(%dma_start3A_115 : memref<640x128xf32, #tpu.memory_space<vmem_shared>>) target(%dma_start3A_113 : memref<640x128xf32, #tpu.memory_space<hbm>>) target_semaphore(%run_scoped3A : memref<!tpu.dma_semaphore, #tpu.memory_space<semaphore_mem>>)
        %dma_wait3A = arith.constant 0 : i32
        %dma_wait3A_116 = tpu.memref_slice %arg12[%mul3A_0, %dma_wait3A] : memref<10240x128xf32, #tpu.memory_space<hbm>> -> memref<640x128xf32, #tpu.memory_space<hbm>>
        %dma_wait3A_117 = arith.constant 0 : i32
        %dma_wait3A_118 = tpu.memref_slice %arg19[%mul3A_0, %dma_wait3A_117] : memref<10240x128xf32, #tpu.memory_space<vmem_shared>> -> memref<640x128xf32, #tpu.memory_space<vmem_shared>>
        tpu.wait_dma2 semaphore(%run_scoped3A : memref<!tpu.dma_semaphore, #tpu.memory_space<semaphore_mem>>) src(%dma_wait3A_118 : memref<640x128xf32, #tpu.memory_space<vmem_shared>>) dst(%dma_wait3A_116 : memref<640x128xf32, #tpu.memory_space<hbm>>)
        tpu.yield
      }) : () -> ()
    } else {
    }
    %add3A_71 = arith.constant 0 : i32
    %add3A_72 = arith.addi %mul3A_0, %add3A_71 : i32
    "tpu.region"() ({
      %run_scoped3A = tpu.sem_alloc : memref<!tpu.dma_semaphore, #tpu.memory_space<semaphore_mem>>
      %dma_start3A = arith.constant 0 : i32
      %dma_start3A_113 = tpu.memref_slice %arg19[%add3A_72, %dma_start3A] : memref<10240x128xf32, #tpu.memory_space<vmem_shared>> -> memref<64x128xf32, #tpu.memory_space<vmem_shared>>
      %dma_start3A_114 = arith.constant 0 : i32
      %dma_start3A_115 = tpu.memref_slice %arg19[%add3A_72, %dma_start3A_114] : memref<10240x128xf32, #tpu.memory_space<vmem_shared>> -> memref<64x128xf32, #tpu.memory_space<vmem_shared>>
      tpu.enqueue_dma source(%arg15 : memref<64x128xf32, #tpu.memory_space<vmem>>) target(%dma_start3A_115 : memref<64x128xf32, #tpu.memory_space<vmem_shared>>) target_semaphore(%run_scoped3A : memref<!tpu.dma_semaphore, #tpu.memory_space<semaphore_mem>>)
      %dma_wait3A = arith.constant 0 : i32
      %dma_wait3A_116 = tpu.memref_slice %arg19[%add3A_72, %dma_wait3A] : memref<10240x128xf32, #tpu.memory_space<vmem_shared>> -> memref<64x128xf32, #tpu.memory_space<vmem_shared>>
      %dma_wait3A_117 = arith.constant 0 : i32
      %dma_wait3A_118 = tpu.memref_slice %arg19[%add3A_72, %dma_wait3A_117] : memref<10240x128xf32, #tpu.memory_space<vmem_shared>> -> memref<64x128xf32, #tpu.memory_space<vmem_shared>>
      tpu.wait_dma2 semaphore(%run_scoped3A : memref<!tpu.dma_semaphore, #tpu.memory_space<semaphore_mem>>) src(%arg15 : memref<64x128xf32, #tpu.memory_space<vmem>>) dst(%dma_wait3A_118 : memref<64x128xf32, #tpu.memory_space<vmem_shared>>)
      tpu.yield
    }) : () -> ()
    %add3A_73 = arith.constant 64 : i32
    %add3A_74 = arith.addi %mul3A_0, %add3A_73 : i32
    "tpu.region"() ({
      %run_scoped3A = tpu.sem_alloc : memref<!tpu.dma_semaphore, #tpu.memory_space<semaphore_mem>>
      %dma_start3A = arith.constant 0 : i32
      %dma_start3A_113 = tpu.memref_slice %arg19[%add3A_74, %dma_start3A] : memref<10240x128xf32, #tpu.memory_space<vmem_shared>> -> memref<64x128xf32, #tpu.memory_space<vmem_shared>>
      %dma_start3A_114 = arith.constant 0 : i32
      %dma_start3A_115 = tpu.memref_slice %arg19[%add3A_74, %dma_start3A_114] : memref<10240x128xf32, #tpu.memory_space<vmem_shared>> -> memref<64x128xf32, #tpu.memory_space<vmem_shared>>
      tpu.enqueue_dma source(%arg15 : memref<64x128xf32, #tpu.memory_space<vmem>>) target(%dma_start3A_115 : memref<64x128xf32, #tpu.memory_space<vmem_shared>>) target_semaphore(%run_scoped3A : memref<!tpu.dma_semaphore, #tpu.memory_space<semaphore_mem>>)
      %dma_wait3A = arith.constant 0 : i32
      %dma_wait3A_116 = tpu.memref_slice %arg19[%add3A_74, %dma_wait3A] : memref<10240x128xf32, #tpu.memory_space<vmem_shared>> -> memref<64x128xf32, #tpu.memory_space<vmem_shared>>
      %dma_wait3A_117 = arith.constant 0 : i32
      %dma_wait3A_118 = tpu.memref_slice %arg19[%add3A_74, %dma_wait3A_117] : memref<10240x128xf32, #tpu.memory_space<vmem_shared>> -> memref<64x128xf32, #tpu.memory_space<vmem_shared>>
      tpu.wait_dma2 semaphore(%run_scoped3A : memref<!tpu.dma_semaphore, #tpu.memory_space<semaphore_mem>>) src(%arg15 : memref<64x128xf32, #tpu.memory_space<vmem>>) dst(%dma_wait3A_118 : memref<64x128xf32, #tpu.memory_space<vmem_shared>>)
      tpu.yield
    }) : () -> ()
    %add3A_75 = arith.constant 128 : i32
    %add3A_76 = arith.addi %mul3A_0, %add3A_75 : i32
    "tpu.region"() ({
      %run_scoped3A = tpu.sem_alloc : memref<!tpu.dma_semaphore, #tpu.memory_space<semaphore_mem>>
      %dma_start3A = arith.constant 0 : i32
      %dma_start3A_113 = tpu.memref_slice %arg19[%add3A_76, %dma_start3A] : memref<10240x128xf32, #tpu.memory_space<vmem_shared>> -> memref<64x128xf32, #tpu.memory_space<vmem_shared>>
      %dma_start3A_114 = arith.constant 0 : i32
      %dma_start3A_115 = tpu.memref_slice %arg19[%add3A_76, %dma_start3A_114] : memref<10240x128xf32, #tpu.memory_space<vmem_shared>> -> memref<64x128xf32, #tpu.memory_space<vmem_shared>>
      tpu.enqueue_dma source(%arg15 : memref<64x128xf32, #tpu.memory_space<vmem>>) target(%dma_start3A_115 : memref<64x128xf32, #tpu.memory_space<vmem_shared>>) target_semaphore(%run_scoped3A : memref<!tpu.dma_semaphore, #tpu.memory_space<semaphore_mem>>)
      %dma_wait3A = arith.constant 0 : i32
      %dma_wait3A_116 = tpu.memref_slice %arg19[%add3A_76, %dma_wait3A] : memref<10240x128xf32, #tpu.memory_space<vmem_shared>> -> memref<64x128xf32, #tpu.memory_space<vmem_shared>>
      %dma_wait3A_117 = arith.constant 0 : i32
      %dma_wait3A_118 = tpu.memref_slice %arg19[%add3A_76, %dma_wait3A_117] : memref<10240x128xf32, #tpu.memory_space<vmem_shared>> -> memref<64x128xf32, #tpu.memory_space<vmem_shared>>
      tpu.wait_dma2 semaphore(%run_scoped3A : memref<!tpu.dma_semaphore, #tpu.memory_space<semaphore_mem>>) src(%arg15 : memref<64x128xf32, #tpu.memory_space<vmem>>) dst(%dma_wait3A_118 : memref<64x128xf32, #tpu.memory_space<vmem_shared>>)
      tpu.yield
    }) : () -> ()
    %add3A_77 = arith.constant 192 : i32
    %add3A_78 = arith.addi %mul3A_0, %add3A_77 : i32
    "tpu.region"() ({
      %run_scoped3A = tpu.sem_alloc : memref<!tpu.dma_semaphore, #tpu.memory_space<semaphore_mem>>
      %dma_start3A = arith.constant 0 : i32
      %dma_start3A_113 = tpu.memref_slice %arg19[%add3A_78, %dma_start3A] : memref<10240x128xf32, #tpu.memory_space<vmem_shared>> -> memref<64x128xf32, #tpu.memory_space<vmem_shared>>
      %dma_start3A_114 = arith.constant 0 : i32
      %dma_start3A_115 = tpu.memref_slice %arg19[%add3A_78, %dma_start3A_114] : memref<10240x128xf32, #tpu.memory_space<vmem_shared>> -> memref<64x128xf32, #tpu.memory_space<vmem_shared>>
      tpu.enqueue_dma source(%arg15 : memref<64x128xf32, #tpu.memory_space<vmem>>) target(%dma_start3A_115 : memref<64x128xf32, #tpu.memory_space<vmem_shared>>) target_semaphore(%run_scoped3A : memref<!tpu.dma_semaphore, #tpu.memory_space<semaphore_mem>>)
      %dma_wait3A = arith.constant 0 : i32
      %dma_wait3A_116 = tpu.memref_slice %arg19[%add3A_78, %dma_wait3A] : memref<10240x128xf32, #tpu.memory_space<vmem_shared>> -> memref<64x128xf32, #tpu.memory_space<vmem_shared>>
      %dma_wait3A_117 = arith.constant 0 : i32
      %dma_wait3A_118 = tpu.memref_slice %arg19[%add3A_78, %dma_wait3A_117] : memref<10240x128xf32, #tpu.memory_space<vmem_shared>> -> memref<64x128xf32, #tpu.memory_space<vmem_shared>>
      tpu.wait_dma2 semaphore(%run_scoped3A : memref<!tpu.dma_semaphore, #tpu.memory_space<semaphore_mem>>) src(%arg15 : memref<64x128xf32, #tpu.memory_space<vmem>>) dst(%dma_wait3A_118 : memref<64x128xf32, #tpu.memory_space<vmem_shared>>)
      tpu.yield
    }) : () -> ()
    %add3A_79 = arith.constant 256 : i32
    %add3A_80 = arith.addi %mul3A_0, %add3A_79 : i32
    "tpu.region"() ({
      %run_scoped3A = tpu.sem_alloc : memref<!tpu.dma_semaphore, #tpu.memory_space<semaphore_mem>>
      %dma_start3A = arith.constant 0 : i32
      %dma_start3A_113 = tpu.memref_slice %arg19[%add3A_80, %dma_start3A] : memref<10240x128xf32, #tpu.memory_space<vmem_shared>> -> memref<64x128xf32, #tpu.memory_space<vmem_shared>>
      %dma_start3A_114 = arith.constant 0 : i32
      %dma_start3A_115 = tpu.memref_slice %arg19[%add3A_80, %dma_start3A_114] : memref<10240x128xf32, #tpu.memory_space<vmem_shared>> -> memref<64x128xf32, #tpu.memory_space<vmem_shared>>
      tpu.enqueue_dma source(%arg15 : memref<64x128xf32, #tpu.memory_space<vmem>>) target(%dma_start3A_115 : memref<64x128xf32, #tpu.memory_space<vmem_shared>>) target_semaphore(%run_scoped3A : memref<!tpu.dma_semaphore, #tpu.memory_space<semaphore_mem>>)
      %dma_wait3A = arith.constant 0 : i32
      %dma_wait3A_116 = tpu.memref_slice %arg19[%add3A_80, %dma_wait3A] : memref<10240x128xf32, #tpu.memory_space<vmem_shared>> -> memref<64x128xf32, #tpu.memory_space<vmem_shared>>
      %dma_wait3A_117 = arith.constant 0 : i32
      %dma_wait3A_118 = tpu.memref_slice %arg19[%add3A_80, %dma_wait3A_117] : memref<10240x128xf32, #tpu.memory_space<vmem_shared>> -> memref<64x128xf32, #tpu.memory_space<vmem_shared>>
      tpu.wait_dma2 semaphore(%run_scoped3A : memref<!tpu.dma_semaphore, #tpu.memory_space<semaphore_mem>>) src(%arg15 : memref<64x128xf32, #tpu.memory_space<vmem>>) dst(%dma_wait3A_118 : memref<64x128xf32, #tpu.memory_space<vmem_shared>>)
      tpu.yield
    }) : () -> ()
    %add3A_81 = arith.constant 320 : i32
    %add3A_82 = arith.addi %mul3A_0, %add3A_81 : i32
    "tpu.region"() ({
      %run_scoped3A = tpu.sem_alloc : memref<!tpu.dma_semaphore, #tpu.memory_space<semaphore_mem>>
      %dma_start3A = arith.constant 0 : i32
      %dma_start3A_113 = tpu.memref_slice %arg19[%add3A_82, %dma_start3A] : memref<10240x128xf32, #tpu.memory_space<vmem_shared>> -> memref<64x128xf32, #tpu.memory_space<vmem_shared>>
      %dma_start3A_114 = arith.constant 0 : i32
      %dma_start3A_115 = tpu.memref_slice %arg19[%add3A_82, %dma_start3A_114] : memref<10240x128xf32, #tpu.memory_space<vmem_shared>> -> memref<64x128xf32, #tpu.memory_space<vmem_shared>>
      tpu.enqueue_dma source(%arg15 : memref<64x128xf32, #tpu.memory_space<vmem>>) target(%dma_start3A_115 : memref<64x128xf32, #tpu.memory_space<vmem_shared>>) target_semaphore(%run_scoped3A : memref<!tpu.dma_semaphore, #tpu.memory_space<semaphore_mem>>)
      %dma_wait3A = arith.constant 0 : i32
      %dma_wait3A_116 = tpu.memref_slice %arg19[%add3A_82, %dma_wait3A] : memref<10240x128xf32, #tpu.memory_space<vmem_shared>> -> memref<64x128xf32, #tpu.memory_space<vmem_shared>>
      %dma_wait3A_117 = arith.constant 0 : i32
      %dma_wait3A_118 = tpu.memref_slice %arg19[%add3A_82, %dma_wait3A_117] : memref<10240x128xf32, #tpu.memory_space<vmem_shared>> -> memref<64x128xf32, #tpu.memory_space<vmem_shared>>
      tpu.wait_dma2 semaphore(%run_scoped3A : memref<!tpu.dma_semaphore, #tpu.memory_space<semaphore_mem>>) src(%arg15 : memref<64x128xf32, #tpu.memory_space<vmem>>) dst(%dma_wait3A_118 : memref<64x128xf32, #tpu.memory_space<vmem_shared>>)
      tpu.yield
    }) : () -> ()
    %add3A_83 = arith.constant 384 : i32
    %add3A_84 = arith.addi %mul3A_0, %add3A_83 : i32
    "tpu.region"() ({
      %run_scoped3A = tpu.sem_alloc : memref<!tpu.dma_semaphore, #tpu.memory_space<semaphore_mem>>
      %dma_start3A = arith.constant 0 : i32
      %dma_start3A_113 = tpu.memref_slice %arg19[%add3A_84, %dma_start3A] : memref<10240x128xf32, #tpu.memory_space<vmem_shared>> -> memref<64x128xf32, #tpu.memory_space<vmem_shared>>
      %dma_start3A_114 = arith.constant 0 : i32
      %dma_start3A_115 = tpu.memref_slice %arg19[%add3A_84, %dma_start3A_114] : memref<10240x128xf32, #tpu.memory_space<vmem_shared>> -> memref<64x128xf32, #tpu.memory_space<vmem_shared>>
      tpu.enqueue_dma source(%arg15 : memref<64x128xf32, #tpu.memory_space<vmem>>) target(%dma_start3A_115 : memref<64x128xf32, #tpu.memory_space<vmem_shared>>) target_semaphore(%run_scoped3A : memref<!tpu.dma_semaphore, #tpu.memory_space<semaphore_mem>>)
      %dma_wait3A = arith.constant 0 : i32
      %dma_wait3A_116 = tpu.memref_slice %arg19[%add3A_84, %dma_wait3A] : memref<10240x128xf32, #tpu.memory_space<vmem_shared>> -> memref<64x128xf32, #tpu.memory_space<vmem_shared>>
      %dma_wait3A_117 = arith.constant 0 : i32
      %dma_wait3A_118 = tpu.memref_slice %arg19[%add3A_84, %dma_wait3A_117] : memref<10240x128xf32, #tpu.memory_space<vmem_shared>> -> memref<64x128xf32, #tpu.memory_space<vmem_shared>>
      tpu.wait_dma2 semaphore(%run_scoped3A : memref<!tpu.dma_semaphore, #tpu.memory_space<semaphore_mem>>) src(%arg15 : memref<64x128xf32, #tpu.memory_space<vmem>>) dst(%dma_wait3A_118 : memref<64x128xf32, #tpu.memory_space<vmem_shared>>)
      tpu.yield
    }) : () -> ()
    %add3A_85 = arith.constant 448 : i32
    %add3A_86 = arith.addi %mul3A_0, %add3A_85 : i32
    "tpu.region"() ({
      %run_scoped3A = tpu.sem_alloc : memref<!tpu.dma_semaphore, #tpu.memory_space<semaphore_mem>>
      %dma_start3A = arith.constant 0 : i32
      %dma_start3A_113 = tpu.memref_slice %arg19[%add3A_86, %dma_start3A] : memref<10240x128xf32, #tpu.memory_space<vmem_shared>> -> memref<64x128xf32, #tpu.memory_space<vmem_shared>>
      %dma_start3A_114 = arith.constant 0 : i32
      %dma_start3A_115 = tpu.memref_slice %arg19[%add3A_86, %dma_start3A_114] : memref<10240x128xf32, #tpu.memory_space<vmem_shared>> -> memref<64x128xf32, #tpu.memory_space<vmem_shared>>
      tpu.enqueue_dma source(%arg15 : memref<64x128xf32, #tpu.memory_space<vmem>>) target(%dma_start3A_115 : memref<64x128xf32, #tpu.memory_space<vmem_shared>>) target_semaphore(%run_scoped3A : memref<!tpu.dma_semaphore, #tpu.memory_space<semaphore_mem>>)
      %dma_wait3A = arith.constant 0 : i32
      %dma_wait3A_116 = tpu.memref_slice %arg19[%add3A_86, %dma_wait3A] : memref<10240x128xf32, #tpu.memory_space<vmem_shared>> -> memref<64x128xf32, #tpu.memory_space<vmem_shared>>
      %dma_wait3A_117 = arith.constant 0 : i32
      %dma_wait3A_118 = tpu.memref_slice %arg19[%add3A_86, %dma_wait3A_117] : memref<10240x128xf32, #tpu.memory_space<vmem_shared>> -> memref<64x128xf32, #tpu.memory_space<vmem_shared>>
      tpu.wait_dma2 semaphore(%run_scoped3A : memref<!tpu.dma_semaphore, #tpu.memory_space<semaphore_mem>>) src(%arg15 : memref<64x128xf32, #tpu.memory_space<vmem>>) dst(%dma_wait3A_118 : memref<64x128xf32, #tpu.memory_space<vmem_shared>>)
      tpu.yield
    }) : () -> ()
    %add3A_87 = arith.constant 512 : i32
    %add3A_88 = arith.addi %mul3A_0, %add3A_87 : i32
    "tpu.region"() ({
      %run_scoped3A = tpu.sem_alloc : memref<!tpu.dma_semaphore, #tpu.memory_space<semaphore_mem>>
      %dma_start3A = arith.constant 0 : i32
      %dma_start3A_113 = tpu.memref_slice %arg19[%add3A_88, %dma_start3A] : memref<10240x128xf32, #tpu.memory_space<vmem_shared>> -> memref<64x128xf32, #tpu.memory_space<vmem_shared>>
      %dma_start3A_114 = arith.constant 0 : i32
      %dma_start3A_115 = tpu.memref_slice %arg19[%add3A_88, %dma_start3A_114] : memref<10240x128xf32, #tpu.memory_space<vmem_shared>> -> memref<64x128xf32, #tpu.memory_space<vmem_shared>>
      tpu.enqueue_dma source(%arg15 : memref<64x128xf32, #tpu.memory_space<vmem>>) target(%dma_start3A_115 : memref<64x128xf32, #tpu.memory_space<vmem_shared>>) target_semaphore(%run_scoped3A : memref<!tpu.dma_semaphore, #tpu.memory_space<semaphore_mem>>)
      %dma_wait3A = arith.constant 0 : i32
      %dma_wait3A_116 = tpu.memref_slice %arg19[%add3A_88, %dma_wait3A] : memref<10240x128xf32, #tpu.memory_space<vmem_shared>> -> memref<64x128xf32, #tpu.memory_space<vmem_shared>>
      %dma_wait3A_117 = arith.constant 0 : i32
      %dma_wait3A_118 = tpu.memref_slice %arg19[%add3A_88, %dma_wait3A_117] : memref<10240x128xf32, #tpu.memory_space<vmem_shared>> -> memref<64x128xf32, #tpu.memory_space<vmem_shared>>
      tpu.wait_dma2 semaphore(%run_scoped3A : memref<!tpu.dma_semaphore, #tpu.memory_space<semaphore_mem>>) src(%arg15 : memref<64x128xf32, #tpu.memory_space<vmem>>) dst(%dma_wait3A_118 : memref<64x128xf32, #tpu.memory_space<vmem_shared>>)
      tpu.yield
    }) : () -> ()
    %add3A_89 = arith.constant 576 : i32
    %add3A_90 = arith.addi %mul3A_0, %add3A_89 : i32
    "tpu.region"() ({
      %run_scoped3A = tpu.sem_alloc : memref<!tpu.dma_semaphore, #tpu.memory_space<semaphore_mem>>
      %dma_start3A = arith.constant 0 : i32
      %dma_start3A_113 = tpu.memref_slice %arg19[%add3A_90, %dma_start3A] : memref<10240x128xf32, #tpu.memory_space<vmem_shared>> -> memref<64x128xf32, #tpu.memory_space<vmem_shared>>
      %dma_start3A_114 = arith.constant 0 : i32
      %dma_start3A_115 = tpu.memref_slice %arg19[%add3A_90, %dma_start3A_114] : memref<10240x128xf32, #tpu.memory_space<vmem_shared>> -> memref<64x128xf32, #tpu.memory_space<vmem_shared>>
      tpu.enqueue_dma source(%arg15 : memref<64x128xf32, #tpu.memory_space<vmem>>) target(%dma_start3A_115 : memref<64x128xf32, #tpu.memory_space<vmem_shared>>) target_semaphore(%run_scoped3A : memref<!tpu.dma_semaphore, #tpu.memory_space<semaphore_mem>>)
      %dma_wait3A = arith.constant 0 : i32
      %dma_wait3A_116 = tpu.memref_slice %arg19[%add3A_90, %dma_wait3A] : memref<10240x128xf32, #tpu.memory_space<vmem_shared>> -> memref<64x128xf32, #tpu.memory_space<vmem_shared>>
      %dma_wait3A_117 = arith.constant 0 : i32
      %dma_wait3A_118 = tpu.memref_slice %arg19[%add3A_90, %dma_wait3A_117] : memref<10240x128xf32, #tpu.memory_space<vmem_shared>> -> memref<64x128xf32, #tpu.memory_space<vmem_shared>>
      tpu.wait_dma2 semaphore(%run_scoped3A : memref<!tpu.dma_semaphore, #tpu.memory_space<semaphore_mem>>) src(%arg15 : memref<64x128xf32, #tpu.memory_space<vmem>>) dst(%dma_wait3A_118 : memref<64x128xf32, #tpu.memory_space<vmem_shared>>)
      tpu.yield
    }) : () -> ()
    %barrier3A_91 = arith.constant 0 : index
    tpu.barrier barrier_id(%barrier3A_91)
    %eq3A_92 = arith.constant 0 : i32
    %eq3A_93 = arith.cmpi eq, %arg0, %eq3A_92 : i32
    %convert_element_type3A_94 = arith.extui %eq3A_93 : i1 to i32
    %cond3A_95 = arith.constant 0 : i32
    %cond3A_96 = arith.cmpi ne, %convert_element_type3A_94, %cond3A_95 : i32
    scf.if %cond3A_96 {
      %scan3A_113 = arith.constant 0 : i32
      %scan3A_114 = arith.constant 0 : i32
      %scan3A_115 = arith.constant 63 : i32
      %scan3A_116 = arith.addi %scan3A_114, %scan3A_115 : i32
      %scan3A_117 = arith.constant 1 : i32
      scf.for %scan3A_119 = %scan3A_114 to %scan3A_116 step %scan3A_117  : i32 {
        %mul3A_120 = arith.constant 2 : i32
        %mul3A_121 = arith.muli %mul3A_120, %scan3A_119 : i32
        "tpu.region"() ({
          %run_scoped3A = tpu.sem_alloc : memref<!tpu.dma_semaphore, #tpu.memory_space<semaphore_mem>>
          %dma_start3A = arith.constant 0 : i32
          %dma_start3A_122 = tpu.memref_slice %arg17[%mul3A_121, %dma_start3A] : memref<125x80xi32, #tpu.memory_space<vmem>> -> memref<1x80xi32, #tpu.memory_space<vmem>>
          %dma_start3A_123 = tpu.memref_squeeze %dma_start3A_122 : memref<1x80xi32, #tpu.memory_space<vmem>> -> memref<80xi32, #tpu.memory_space<vmem>>
          %dma_start3A_124 = arith.constant 0 : i32
          %dma_start3A_125 = arith.constant 0 : i32
          %dma_start3A_126 = tpu.memref_slice %arg19[%dma_start3A_124, %dma_start3A_125] : memref<10240x128xf32, #tpu.memory_space<vmem_shared>> -> memref<10240x128xf32, #tpu.memory_space<vmem_shared>>
          tpu.enqueue_indirect_dma source(%arg16 : memref<80x128xf32, #tpu.memory_space<vmem>>) target(%dma_start3A_126 : memref<10240x128xf32, #tpu.memory_space<vmem_shared>>) offsets(%dma_start3A_123 : memref<80xi32, #tpu.memory_space<vmem>>) semaphore(%run_scoped3A : memref<!tpu.dma_semaphore, #tpu.memory_space<semaphore_mem>>) {add = true}
          %dma_wait3A = arith.constant 0 : i32
          %dma_wait3A_127 = tpu.memref_slice %arg17[%mul3A_121, %dma_wait3A] : memref<125x80xi32, #tpu.memory_space<vmem>> -> memref<1x80xi32, #tpu.memory_space<vmem>>
          %dma_wait3A_128 = tpu.memref_squeeze %dma_wait3A_127 : memref<1x80xi32, #tpu.memory_space<vmem>> -> memref<80xi32, #tpu.memory_space<vmem>>
          %dma_wait3A_129 = arith.constant 0 : i32
          %dma_wait3A_130 = arith.constant 0 : i32
          %dma_wait3A_131 = tpu.memref_slice %arg19[%dma_wait3A_129, %dma_wait3A_130] : memref<10240x128xf32, #tpu.memory_space<vmem_shared>> -> memref<10240x128xf32, #tpu.memory_space<vmem_shared>>
          tpu.wait_indirect_dma semaphore(%run_scoped3A : memref<!tpu.dma_semaphore, #tpu.memory_space<semaphore_mem>>) src(%arg16 : memref<80x128xf32, #tpu.memory_space<vmem>>) dst(%dma_wait3A_131 : memref<10240x128xf32, #tpu.memory_space<vmem_shared>>)
          tpu.yield
        }) : () -> ()
      }
      %scan3A_118 = arith.constant 63 : i32
    } else {
    }
    %eq3A_97 = arith.constant 1 : i32
    %eq3A_98 = arith.cmpi eq, %arg0, %eq3A_97 : i32
    %convert_element_type3A_99 = arith.extui %eq3A_98 : i1 to i32
    %cond3A_100 = arith.constant 0 : i32
    %cond3A_101 = arith.cmpi ne, %convert_element_type3A_99, %cond3A_100 : i32
    scf.if %cond3A_101 {
      %scan3A_113 = arith.constant 0 : i32
      %scan3A_114 = arith.constant 0 : i32
      %scan3A_115 = arith.constant 62 : i32
      %scan3A_116 = arith.addi %scan3A_114, %scan3A_115 : i32
      %scan3A_117 = arith.constant 1 : i32
      scf.for %scan3A_119 = %scan3A_114 to %scan3A_116 step %scan3A_117  : i32 {
        %mul3A_120 = arith.constant 2 : i32
        %mul3A_121 = arith.muli %mul3A_120, %scan3A_119 : i32
        %add3A_122 = arith.constant 1 : i32
        %add3A_123 = arith.addi %mul3A_121, %add3A_122 : i32
        "tpu.region"() ({
          %run_scoped3A = tpu.sem_alloc : memref<!tpu.dma_semaphore, #tpu.memory_space<semaphore_mem>>
          %dma_start3A = arith.constant 0 : i32
          %dma_start3A_124 = tpu.memref_slice %arg17[%add3A_123, %dma_start3A] : memref<125x80xi32, #tpu.memory_space<vmem>> -> memref<1x80xi32, #tpu.memory_space<vmem>>
          %dma_start3A_125 = tpu.memref_squeeze %dma_start3A_124 : memref<1x80xi32, #tpu.memory_space<vmem>> -> memref<80xi32, #tpu.memory_space<vmem>>
          %dma_start3A_126 = arith.constant 0 : i32
          %dma_start3A_127 = arith.constant 0 : i32
          %dma_start3A_128 = tpu.memref_slice %arg19[%dma_start3A_126, %dma_start3A_127] : memref<10240x128xf32, #tpu.memory_space<vmem_shared>> -> memref<10240x128xf32, #tpu.memory_space<vmem_shared>>
          tpu.enqueue_indirect_dma source(%arg16 : memref<80x128xf32, #tpu.memory_space<vmem>>) target(%dma_start3A_128 : memref<10240x128xf32, #tpu.memory_space<vmem_shared>>) offsets(%dma_start3A_125 : memref<80xi32, #tpu.memory_space<vmem>>) semaphore(%run_scoped3A : memref<!tpu.dma_semaphore, #tpu.memory_space<semaphore_mem>>) {add = true}
          %dma_wait3A = arith.constant 0 : i32
          %dma_wait3A_129 = tpu.memref_slice %arg17[%add3A_123, %dma_wait3A] : memref<125x80xi32, #tpu.memory_space<vmem>> -> memref<1x80xi32, #tpu.memory_space<vmem>>
          %dma_wait3A_130 = tpu.memref_squeeze %dma_wait3A_129 : memref<1x80xi32, #tpu.memory_space<vmem>> -> memref<80xi32, #tpu.memory_space<vmem>>
          %dma_wait3A_131 = arith.constant 0 : i32
          %dma_wait3A_132 = arith.constant 0 : i32
          %dma_wait3A_133 = tpu.memref_slice %arg19[%dma_wait3A_131, %dma_wait3A_132] : memref<10240x128xf32, #tpu.memory_space<vmem_shared>> -> memref<10240x128xf32, #tpu.memory_space<vmem_shared>>
          tpu.wait_indirect_dma semaphore(%run_scoped3A : memref<!tpu.dma_semaphore, #tpu.memory_space<semaphore_mem>>) src(%arg16 : memref<80x128xf32, #tpu.memory_space<vmem>>) dst(%dma_wait3A_133 : memref<10240x128xf32, #tpu.memory_space<vmem_shared>>)
          tpu.yield
        }) : () -> ()
      }
      %scan3A_118 = arith.constant 62 : i32
    } else {
    }
    %barrier3A_102 = arith.constant 0 : index
    tpu.barrier barrier_id(%barrier3A_102)
    %eq3A_103 = arith.constant 0 : i32
    %eq3A_104 = arith.cmpi eq, %arg0, %eq3A_103 : i32
    %convert_element_type3A_105 = arith.extui %eq3A_104 : i1 to i32
    %cond3A_106 = arith.constant 0 : i32
    %cond3A_107 = arith.cmpi ne, %convert_element_type3A_105, %cond3A_106 : i32
    scf.if %cond3A_107 {
      "tpu.region"() ({
        %run_scoped3A = tpu.sem_alloc : memref<!tpu.dma_semaphore, #tpu.memory_space<semaphore_mem>>
        %dma_start3A = arith.constant 0 : i32
        %dma_start3A_113 = tpu.memref_slice %arg13[%mul3A_0, %dma_start3A] : memref<10240x128xf32, #tpu.memory_space<hbm>> -> memref<640x128xf32, #tpu.memory_space<hbm>>
        %dma_start3A_114 = arith.constant 0 : i32
        %dma_start3A_115 = tpu.memref_slice %arg19[%mul3A_0, %dma_start3A_114] : memref<10240x128xf32, #tpu.memory_space<vmem_shared>> -> memref<640x128xf32, #tpu.memory_space<vmem_shared>>
        tpu.enqueue_dma source(%dma_start3A_115 : memref<640x128xf32, #tpu.memory_space<vmem_shared>>) target(%dma_start3A_113 : memref<640x128xf32, #tpu.memory_space<hbm>>) target_semaphore(%run_scoped3A : memref<!tpu.dma_semaphore, #tpu.memory_space<semaphore_mem>>)
        %dma_wait3A = arith.constant 0 : i32
        %dma_wait3A_116 = tpu.memref_slice %arg13[%mul3A_0, %dma_wait3A] : memref<10240x128xf32, #tpu.memory_space<hbm>> -> memref<640x128xf32, #tpu.memory_space<hbm>>
        %dma_wait3A_117 = arith.constant 0 : i32
        %dma_wait3A_118 = tpu.memref_slice %arg19[%mul3A_0, %dma_wait3A_117] : memref<10240x128xf32, #tpu.memory_space<vmem_shared>> -> memref<640x128xf32, #tpu.memory_space<vmem_shared>>
        tpu.wait_dma2 semaphore(%run_scoped3A : memref<!tpu.dma_semaphore, #tpu.memory_space<semaphore_mem>>) src(%dma_wait3A_118 : memref<640x128xf32, #tpu.memory_space<vmem_shared>>) dst(%dma_wait3A_116 : memref<640x128xf32, #tpu.memory_space<hbm>>)
        tpu.yield
      }) : () -> ()
    } else {
    }
    %eq3A_108 = arith.constant 1 : i32
    %eq3A_109 = arith.cmpi eq, %arg0, %eq3A_108 : i32
    %convert_element_type3A_110 = arith.extui %eq3A_109 : i1 to i32
    %cond3A_111 = arith.constant 0 : i32
    %cond3A_112 = arith.cmpi ne, %convert_element_type3A_110, %cond3A_111 : i32
    scf.if %cond3A_112 {
      "tpu.region"() ({
        %run_scoped3A = tpu.sem_alloc : memref<!tpu.dma_semaphore, #tpu.memory_space<semaphore_mem>>
        %dma_start3A = arith.constant 0 : i32
        %dma_start3A_113 = tpu.memref_slice %arg14[%mul3A_0, %dma_start3A] : memref<10240x128xf32, #tpu.memory_space<hbm>> -> memref<640x128xf32, #tpu.memory_space<hbm>>
        %dma_start3A_114 = arith.constant 0 : i32
        %dma_start3A_115 = tpu.memref_slice %arg19[%mul3A_0, %dma_start3A_114] : memref<10240x128xf32, #tpu.memory_space<vmem_shared>> -> memref<640x128xf32, #tpu.memory_space<vmem_shared>>
        tpu.enqueue_dma source(%dma_start3A_115 : memref<640x128xf32, #tpu.memory_space<vmem_shared>>) target(%dma_start3A_113 : memref<640x128xf32, #tpu.memory_space<hbm>>) target_semaphore(%run_scoped3A : memref<!tpu.dma_semaphore, #tpu.memory_space<semaphore_mem>>)
        %dma_wait3A = arith.constant 0 : i32
        %dma_wait3A_116 = tpu.memref_slice %arg14[%mul3A_0, %dma_wait3A] : memref<10240x128xf32, #tpu.memory_space<hbm>> -> memref<640x128xf32, #tpu.memory_space<hbm>>
        %dma_wait3A_117 = arith.constant 0 : i32
        %dma_wait3A_118 = tpu.memref_slice %arg19[%mul3A_0, %dma_wait3A_117] : memref<10240x128xf32, #tpu.memory_space<vmem_shared>> -> memref<640x128xf32, #tpu.memory_space<vmem_shared>>
        tpu.wait_dma2 semaphore(%run_scoped3A : memref<!tpu.dma_semaphore, #tpu.memory_space<semaphore_mem>>) src(%dma_wait3A_118 : memref<640x128xf32, #tpu.memory_space<vmem_shared>>) dst(%dma_wait3A_116 : memref<640x128xf32, #tpu.memory_space<hbm>>)
        tpu.yield
      }) : () -> ()
    } else {
    }
    return
  }
}

#map = affine_map<(d0, d1) -> (0, 0)>
#map1 = affine_map<(d0, d1) -> (0)>
module attributes {stable_mosaic.version = 14 : i64} {
  func.func @_gather_body(%arg0: i32, %arg1: i32, %arg2: memref<10000x128xf32, #tpu.memory_space<hbm>>, %arg3: memref<10000x384xf32, #tpu.memory_space<hbm>>, %arg4: memref<160000xi32, #tpu.memory_space<hbm>>, %arg5: memref<160000xi32, #tpu.memory_space<hbm>>, %arg6: memref<160000x128xf32, #tpu.memory_space<hbm>>, %arg7: memref<160000x128xf32, #tpu.memory_space<hbm>>, %arg8: memref<160000x384xf32, #tpu.memory_space<hbm>>, %arg9: memref<5000xi32, #tpu.memory_space<vmem>>, %arg10: memref<5000xi32, #tpu.memory_space<vmem>>, %arg11: memref<128x128xf32, #tpu.memory_space<vmem>>, %arg12: memref<128x128xf32, #tpu.memory_space<vmem>>, %arg13: memref<128x384xf32, #tpu.memory_space<vmem>>, %arg14: memref<!tpu.dma_semaphore, #tpu.memory_space<semaphore_mem>>) attributes {dimension_semantics = [#tpu.dimension_semantics<core_parallel>, #tpu.dimension_semantics<subcore_parallel>], iteration_bounds = array<i64: 2, 16>, scalar_prefetch = 0 : i64, scratch_operands = 6 : i64, tpu.core_type = #tpu.core_type<sc_vector_subcore>, window_params = [{transform_indices = #map}, {transform_indices = #map}, {transform_indices = #map1}, {transform_indices = #map1}, {transform_indices = #map}, {transform_indices = #map}, {transform_indices = #map}]} {
    %mul3A = arith.constant 2 : i32
    %mul3A_0 = arith.muli %arg1, %mul3A : i32
    %add3A = arith.addi %mul3A_0, %arg0 : i32
    %mul3A_1 = arith.constant 5000 : i32
    %mul3A_2 = arith.muli %add3A, %mul3A_1 : i32
    "tpu.region"() ({
      %run_scoped3A = tpu.sem_alloc : memref<!tpu.dma_semaphore, #tpu.memory_space<semaphore_mem>>
      %dma_start3A_42 = tpu.memref_slice %arg4[%mul3A_2] : memref<160000xi32, #tpu.memory_space<hbm>> -> memref<5000xi32, #tpu.memory_space<hbm>>
      %dma_start3A_43 = tpu.memref_slice %arg4[%mul3A_2] : memref<160000xi32, #tpu.memory_space<hbm>> -> memref<5000xi32, #tpu.memory_space<hbm>>
      tpu.enqueue_dma source(%dma_start3A_43 : memref<5000xi32, #tpu.memory_space<hbm>>) target(%arg9 : memref<5000xi32, #tpu.memory_space<vmem>>) target_semaphore(%run_scoped3A : memref<!tpu.dma_semaphore, #tpu.memory_space<semaphore_mem>>)
      %dma_wait3A_44 = tpu.memref_slice %arg4[%mul3A_2] : memref<160000xi32, #tpu.memory_space<hbm>> -> memref<5000xi32, #tpu.memory_space<hbm>>
      %dma_wait3A_45 = tpu.memref_slice %arg4[%mul3A_2] : memref<160000xi32, #tpu.memory_space<hbm>> -> memref<5000xi32, #tpu.memory_space<hbm>>
      tpu.wait_dma2 semaphore(%run_scoped3A : memref<!tpu.dma_semaphore, #tpu.memory_space<semaphore_mem>>) src(%dma_wait3A_45 : memref<5000xi32, #tpu.memory_space<hbm>>) dst(%arg9 : memref<5000xi32, #tpu.memory_space<vmem>>)
      tpu.yield
    }) : () -> ()
    "tpu.region"() ({
      %run_scoped3A = tpu.sem_alloc : memref<!tpu.dma_semaphore, #tpu.memory_space<semaphore_mem>>
      %dma_start3A_42 = tpu.memref_slice %arg5[%mul3A_2] : memref<160000xi32, #tpu.memory_space<hbm>> -> memref<5000xi32, #tpu.memory_space<hbm>>
      %dma_start3A_43 = tpu.memref_slice %arg5[%mul3A_2] : memref<160000xi32, #tpu.memory_space<hbm>> -> memref<5000xi32, #tpu.memory_space<hbm>>
      tpu.enqueue_dma source(%dma_start3A_43 : memref<5000xi32, #tpu.memory_space<hbm>>) target(%arg10 : memref<5000xi32, #tpu.memory_space<vmem>>) target_semaphore(%run_scoped3A : memref<!tpu.dma_semaphore, #tpu.memory_space<semaphore_mem>>)
      %dma_wait3A_44 = tpu.memref_slice %arg5[%mul3A_2] : memref<160000xi32, #tpu.memory_space<hbm>> -> memref<5000xi32, #tpu.memory_space<hbm>>
      %dma_wait3A_45 = tpu.memref_slice %arg5[%mul3A_2] : memref<160000xi32, #tpu.memory_space<hbm>> -> memref<5000xi32, #tpu.memory_space<hbm>>
      tpu.wait_dma2 semaphore(%run_scoped3A : memref<!tpu.dma_semaphore, #tpu.memory_space<semaphore_mem>>) src(%dma_wait3A_45 : memref<5000xi32, #tpu.memory_space<hbm>>) dst(%arg10 : memref<5000xi32, #tpu.memory_space<vmem>>)
      tpu.yield
    }) : () -> ()
    %scan3A = arith.constant 0 : i32
    %scan3A_3 = arith.constant 0 : i32
    %scan3A_4 = arith.constant 39 : i32
    %scan3A_5 = arith.addi %scan3A_3, %scan3A_4 : i32
    %scan3A_6 = arith.constant 1 : i32
    scf.for %scan3A_42 = %scan3A_3 to %scan3A_5 step %scan3A_6  : i32 {
      %mul3A_43 = arith.constant 128 : i32
      %mul3A_44 = arith.muli %scan3A_42, %mul3A_43 : i32
      %dma_start3A_45 = tpu.memref_slice %arg9[%mul3A_44] : memref<5000xi32, #tpu.memory_space<vmem>> -> memref<128xi32, #tpu.memory_space<vmem>>
      %dma_start3A_46 = arith.constant 0 : i32
      %dma_start3A_47 = arith.constant 0 : i32
      %dma_start3A_48 = tpu.memref_slice %arg2[%dma_start3A_46, %dma_start3A_47] : memref<10000x128xf32, #tpu.memory_space<hbm>> -> memref<10000x128xf32, #tpu.memory_space<hbm>>
      tpu.enqueue_indirect_dma source(%dma_start3A_48 : memref<10000x128xf32, #tpu.memory_space<hbm>>) target(%arg11 : memref<128x128xf32, #tpu.memory_space<vmem>>) offsets(%dma_start3A_45 : memref<128xi32, #tpu.memory_space<vmem>>) semaphore(%arg14 : memref<!tpu.dma_semaphore, #tpu.memory_space<semaphore_mem>>)
      %dma_start3A_49 = tpu.memref_slice %arg10[%mul3A_44] : memref<5000xi32, #tpu.memory_space<vmem>> -> memref<128xi32, #tpu.memory_space<vmem>>
      %dma_start3A_50 = arith.constant 0 : i32
      %dma_start3A_51 = arith.constant 0 : i32
      %dma_start3A_52 = tpu.memref_slice %arg2[%dma_start3A_50, %dma_start3A_51] : memref<10000x128xf32, #tpu.memory_space<hbm>> -> memref<10000x128xf32, #tpu.memory_space<hbm>>
      tpu.enqueue_indirect_dma source(%dma_start3A_52 : memref<10000x128xf32, #tpu.memory_space<hbm>>) target(%arg12 : memref<128x128xf32, #tpu.memory_space<vmem>>) offsets(%dma_start3A_49 : memref<128xi32, #tpu.memory_space<vmem>>) semaphore(%arg14 : memref<!tpu.dma_semaphore, #tpu.memory_space<semaphore_mem>>)
      %dma_start3A_53 = tpu.memref_slice %arg9[%mul3A_44] : memref<5000xi32, #tpu.memory_space<vmem>> -> memref<128xi32, #tpu.memory_space<vmem>>
      %dma_start3A_54 = arith.constant 0 : i32
      %dma_start3A_55 = arith.constant 0 : i32
      %dma_start3A_56 = tpu.memref_slice %arg3[%dma_start3A_54, %dma_start3A_55] : memref<10000x384xf32, #tpu.memory_space<hbm>> -> memref<10000x384xf32, #tpu.memory_space<hbm>>
      tpu.enqueue_indirect_dma source(%dma_start3A_56 : memref<10000x384xf32, #tpu.memory_space<hbm>>) target(%arg13 : memref<128x384xf32, #tpu.memory_space<vmem>>) offsets(%dma_start3A_53 : memref<128xi32, #tpu.memory_space<vmem>>) semaphore(%arg14 : memref<!tpu.dma_semaphore, #tpu.memory_space<semaphore_mem>>)
      %dma_wait3A_57 = tpu.memref_slice %arg9[%mul3A_44] : memref<5000xi32, #tpu.memory_space<vmem>> -> memref<128xi32, #tpu.memory_space<vmem>>
      %dma_wait3A_58 = arith.constant 0 : i32
      %dma_wait3A_59 = arith.constant 0 : i32
      %dma_wait3A_60 = tpu.memref_slice %arg2[%dma_wait3A_58, %dma_wait3A_59] : memref<10000x128xf32, #tpu.memory_space<hbm>> -> memref<10000x128xf32, #tpu.memory_space<hbm>>
      tpu.wait_indirect_dma semaphore(%arg14 : memref<!tpu.dma_semaphore, #tpu.memory_space<semaphore_mem>>) src(%dma_wait3A_60 : memref<10000x128xf32, #tpu.memory_space<hbm>>) dst(%arg11 : memref<128x128xf32, #tpu.memory_space<vmem>>)
      %dma_wait3A_61 = tpu.memref_slice %arg10[%mul3A_44] : memref<5000xi32, #tpu.memory_space<vmem>> -> memref<128xi32, #tpu.memory_space<vmem>>
      %dma_wait3A_62 = arith.constant 0 : i32
      %dma_wait3A_63 = arith.constant 0 : i32
      %dma_wait3A_64 = tpu.memref_slice %arg2[%dma_wait3A_62, %dma_wait3A_63] : memref<10000x128xf32, #tpu.memory_space<hbm>> -> memref<10000x128xf32, #tpu.memory_space<hbm>>
      tpu.wait_indirect_dma semaphore(%arg14 : memref<!tpu.dma_semaphore, #tpu.memory_space<semaphore_mem>>) src(%dma_wait3A_64 : memref<10000x128xf32, #tpu.memory_space<hbm>>) dst(%arg12 : memref<128x128xf32, #tpu.memory_space<vmem>>)
      %dma_wait3A_65 = tpu.memref_slice %arg9[%mul3A_44] : memref<5000xi32, #tpu.memory_space<vmem>> -> memref<128xi32, #tpu.memory_space<vmem>>
      %dma_wait3A_66 = arith.constant 0 : i32
      %dma_wait3A_67 = arith.constant 0 : i32
      %dma_wait3A_68 = tpu.memref_slice %arg3[%dma_wait3A_66, %dma_wait3A_67] : memref<10000x384xf32, #tpu.memory_space<hbm>> -> memref<10000x384xf32, #tpu.memory_space<hbm>>
      tpu.wait_indirect_dma semaphore(%arg14 : memref<!tpu.dma_semaphore, #tpu.memory_space<semaphore_mem>>) src(%dma_wait3A_68 : memref<10000x384xf32, #tpu.memory_space<hbm>>) dst(%arg13 : memref<128x384xf32, #tpu.memory_space<vmem>>)
      %add3A_69 = arith.addi %mul3A_2, %mul3A_44 : i32
      "tpu.region"() ({
        %run_scoped3A = tpu.sem_alloc : memref<!tpu.dma_semaphore, #tpu.memory_space<semaphore_mem>>
        %dma_start3A_72 = arith.constant 0 : i32
        %dma_start3A_73 = tpu.memref_slice %arg6[%add3A_69, %dma_start3A_72] : memref<160000x128xf32, #tpu.memory_space<hbm>> -> memref<128x128xf32, #tpu.memory_space<hbm>>
        %dma_start3A_74 = arith.constant 0 : i32
        %dma_start3A_75 = tpu.memref_slice %arg6[%add3A_69, %dma_start3A_74] : memref<160000x128xf32, #tpu.memory_space<hbm>> -> memref<128x128xf32, #tpu.memory_space<hbm>>
        tpu.enqueue_dma source(%arg11 : memref<128x128xf32, #tpu.memory_space<vmem>>) target(%dma_start3A_75 : memref<128x128xf32, #tpu.memory_space<hbm>>) target_semaphore(%run_scoped3A : memref<!tpu.dma_semaphore, #tpu.memory_space<semaphore_mem>>)
        %dma_wait3A_76 = arith.constant 0 : i32
        %dma_wait3A_77 = tpu.memref_slice %arg6[%add3A_69, %dma_wait3A_76] : memref<160000x128xf32, #tpu.memory_space<hbm>> -> memref<128x128xf32, #tpu.memory_space<hbm>>
        %dma_wait3A_78 = arith.constant 0 : i32
        %dma_wait3A_79 = tpu.memref_slice %arg6[%add3A_69, %dma_wait3A_78] : memref<160000x128xf32, #tpu.memory_space<hbm>> -> memref<128x128xf32, #tpu.memory_space<hbm>>
        tpu.wait_dma2 semaphore(%run_scoped3A : memref<!tpu.dma_semaphore, #tpu.memory_space<semaphore_mem>>) src(%arg11 : memref<128x128xf32, #tpu.memory_space<vmem>>) dst(%dma_wait3A_79 : memref<128x128xf32, #tpu.memory_space<hbm>>)
        tpu.yield
      }) : () -> ()
      %add3A_70 = arith.addi %mul3A_2, %mul3A_44 : i32
      "tpu.region"() ({
        %run_scoped3A = tpu.sem_alloc : memref<!tpu.dma_semaphore, #tpu.memory_space<semaphore_mem>>
        %dma_start3A_72 = arith.constant 0 : i32
        %dma_start3A_73 = tpu.memref_slice %arg7[%add3A_70, %dma_start3A_72] : memref<160000x128xf32, #tpu.memory_space<hbm>> -> memref<128x128xf32, #tpu.memory_space<hbm>>
        %dma_start3A_74 = arith.constant 0 : i32
        %dma_start3A_75 = tpu.memref_slice %arg7[%add3A_70, %dma_start3A_74] : memref<160000x128xf32, #tpu.memory_space<hbm>> -> memref<128x128xf32, #tpu.memory_space<hbm>>
        tpu.enqueue_dma source(%arg12 : memref<128x128xf32, #tpu.memory_space<vmem>>) target(%dma_start3A_75 : memref<128x128xf32, #tpu.memory_space<hbm>>) target_semaphore(%run_scoped3A : memref<!tpu.dma_semaphore, #tpu.memory_space<semaphore_mem>>)
        %dma_wait3A_76 = arith.constant 0 : i32
        %dma_wait3A_77 = tpu.memref_slice %arg7[%add3A_70, %dma_wait3A_76] : memref<160000x128xf32, #tpu.memory_space<hbm>> -> memref<128x128xf32, #tpu.memory_space<hbm>>
        %dma_wait3A_78 = arith.constant 0 : i32
        %dma_wait3A_79 = tpu.memref_slice %arg7[%add3A_70, %dma_wait3A_78] : memref<160000x128xf32, #tpu.memory_space<hbm>> -> memref<128x128xf32, #tpu.memory_space<hbm>>
        tpu.wait_dma2 semaphore(%run_scoped3A : memref<!tpu.dma_semaphore, #tpu.memory_space<semaphore_mem>>) src(%arg12 : memref<128x128xf32, #tpu.memory_space<vmem>>) dst(%dma_wait3A_79 : memref<128x128xf32, #tpu.memory_space<hbm>>)
        tpu.yield
      }) : () -> ()
      %add3A_71 = arith.addi %mul3A_2, %mul3A_44 : i32
      "tpu.region"() ({
        %run_scoped3A = tpu.sem_alloc : memref<!tpu.dma_semaphore, #tpu.memory_space<semaphore_mem>>
        %dma_start3A_72 = arith.constant 0 : i32
        %dma_start3A_73 = tpu.memref_slice %arg8[%add3A_71, %dma_start3A_72] : memref<160000x384xf32, #tpu.memory_space<hbm>> -> memref<128x384xf32, #tpu.memory_space<hbm>>
        %dma_start3A_74 = arith.constant 0 : i32
        %dma_start3A_75 = tpu.memref_slice %arg8[%add3A_71, %dma_start3A_74] : memref<160000x384xf32, #tpu.memory_space<hbm>> -> memref<128x384xf32, #tpu.memory_space<hbm>>
        tpu.enqueue_dma source(%arg13 : memref<128x384xf32, #tpu.memory_space<vmem>>) target(%dma_start3A_75 : memref<128x384xf32, #tpu.memory_space<hbm>>) target_semaphore(%run_scoped3A : memref<!tpu.dma_semaphore, #tpu.memory_space<semaphore_mem>>)
        %dma_wait3A_76 = arith.constant 0 : i32
        %dma_wait3A_77 = tpu.memref_slice %arg8[%add3A_71, %dma_wait3A_76] : memref<160000x384xf32, #tpu.memory_space<hbm>> -> memref<128x384xf32, #tpu.memory_space<hbm>>
        %dma_wait3A_78 = arith.constant 0 : i32
        %dma_wait3A_79 = tpu.memref_slice %arg8[%add3A_71, %dma_wait3A_78] : memref<160000x384xf32, #tpu.memory_space<hbm>> -> memref<128x384xf32, #tpu.memory_space<hbm>>
        tpu.wait_dma2 semaphore(%run_scoped3A : memref<!tpu.dma_semaphore, #tpu.memory_space<semaphore_mem>>) src(%arg13 : memref<128x384xf32, #tpu.memory_space<vmem>>) dst(%dma_wait3A_79 : memref<128x384xf32, #tpu.memory_space<hbm>>)
        tpu.yield
      }) : () -> ()
    }
    %scan3A_7 = arith.constant 39 : i32
    %dma_start3A = arith.constant 4872 : i32
    %dma_start3A_8 = tpu.memref_slice %arg9[%dma_start3A] : memref<5000xi32, #tpu.memory_space<vmem>> -> memref<128xi32, #tpu.memory_space<vmem>>
    %dma_start3A_9 = arith.constant 0 : i32
    %dma_start3A_10 = arith.constant 0 : i32
    %dma_start3A_11 = tpu.memref_slice %arg2[%dma_start3A_9, %dma_start3A_10] : memref<10000x128xf32, #tpu.memory_space<hbm>> -> memref<10000x128xf32, #tpu.memory_space<hbm>>
    tpu.enqueue_indirect_dma source(%dma_start3A_11 : memref<10000x128xf32, #tpu.memory_space<hbm>>) target(%arg11 : memref<128x128xf32, #tpu.memory_space<vmem>>) offsets(%dma_start3A_8 : memref<128xi32, #tpu.memory_space<vmem>>) semaphore(%arg14 : memref<!tpu.dma_semaphore, #tpu.memory_space<semaphore_mem>>)
    %dma_start3A_12 = arith.constant 4872 : i32
    %dma_start3A_13 = tpu.memref_slice %arg10[%dma_start3A_12] : memref<5000xi32, #tpu.memory_space<vmem>> -> memref<128xi32, #tpu.memory_space<vmem>>
    %dma_start3A_14 = arith.constant 0 : i32
    %dma_start3A_15 = arith.constant 0 : i32
    %dma_start3A_16 = tpu.memref_slice %arg2[%dma_start3A_14, %dma_start3A_15] : memref<10000x128xf32, #tpu.memory_space<hbm>> -> memref<10000x128xf32, #tpu.memory_space<hbm>>
    tpu.enqueue_indirect_dma source(%dma_start3A_16 : memref<10000x128xf32, #tpu.memory_space<hbm>>) target(%arg12 : memref<128x128xf32, #tpu.memory_space<vmem>>) offsets(%dma_start3A_13 : memref<128xi32, #tpu.memory_space<vmem>>) semaphore(%arg14 : memref<!tpu.dma_semaphore, #tpu.memory_space<semaphore_mem>>)
    %dma_start3A_17 = arith.constant 4872 : i32
    %dma_start3A_18 = tpu.memref_slice %arg9[%dma_start3A_17] : memref<5000xi32, #tpu.memory_space<vmem>> -> memref<128xi32, #tpu.memory_space<vmem>>
    %dma_start3A_19 = arith.constant 0 : i32
    %dma_start3A_20 = arith.constant 0 : i32
    %dma_start3A_21 = tpu.memref_slice %arg3[%dma_start3A_19, %dma_start3A_20] : memref<10000x384xf32, #tpu.memory_space<hbm>> -> memref<10000x384xf32, #tpu.memory_space<hbm>>
    tpu.enqueue_indirect_dma source(%dma_start3A_21 : memref<10000x384xf32, #tpu.memory_space<hbm>>) target(%arg13 : memref<128x384xf32, #tpu.memory_space<vmem>>) offsets(%dma_start3A_18 : memref<128xi32, #tpu.memory_space<vmem>>) semaphore(%arg14 : memref<!tpu.dma_semaphore, #tpu.memory_space<semaphore_mem>>)
    %dma_wait3A = arith.constant 4872 : i32
    %dma_wait3A_22 = tpu.memref_slice %arg9[%dma_wait3A] : memref<5000xi32, #tpu.memory_space<vmem>> -> memref<128xi32, #tpu.memory_space<vmem>>
    %dma_wait3A_23 = arith.constant 0 : i32
    %dma_wait3A_24 = arith.constant 0 : i32
    %dma_wait3A_25 = tpu.memref_slice %arg2[%dma_wait3A_23, %dma_wait3A_24] : memref<10000x128xf32, #tpu.memory_space<hbm>> -> memref<10000x128xf32, #tpu.memory_space<hbm>>
    tpu.wait_indirect_dma semaphore(%arg14 : memref<!tpu.dma_semaphore, #tpu.memory_space<semaphore_mem>>) src(%dma_wait3A_25 : memref<10000x128xf32, #tpu.memory_space<hbm>>) dst(%arg11 : memref<128x128xf32, #tpu.memory_space<vmem>>)
    %dma_wait3A_26 = arith.constant 4872 : i32
    %dma_wait3A_27 = tpu.memref_slice %arg10[%dma_wait3A_26] : memref<5000xi32, #tpu.memory_space<vmem>> -> memref<128xi32, #tpu.memory_space<vmem>>
    %dma_wait3A_28 = arith.constant 0 : i32
    %dma_wait3A_29 = arith.constant 0 : i32
    %dma_wait3A_30 = tpu.memref_slice %arg2[%dma_wait3A_28, %dma_wait3A_29] : memref<10000x128xf32, #tpu.memory_space<hbm>> -> memref<10000x128xf32, #tpu.memory_space<hbm>>
    tpu.wait_indirect_dma semaphore(%arg14 : memref<!tpu.dma_semaphore, #tpu.memory_space<semaphore_mem>>) src(%dma_wait3A_30 : memref<10000x128xf32, #tpu.memory_space<hbm>>) dst(%arg12 : memref<128x128xf32, #tpu.memory_space<vmem>>)
    %dma_wait3A_31 = arith.constant 4872 : i32
    %dma_wait3A_32 = tpu.memref_slice %arg9[%dma_wait3A_31] : memref<5000xi32, #tpu.memory_space<vmem>> -> memref<128xi32, #tpu.memory_space<vmem>>
    %dma_wait3A_33 = arith.constant 0 : i32
    %dma_wait3A_34 = arith.constant 0 : i32
    %dma_wait3A_35 = tpu.memref_slice %arg3[%dma_wait3A_33, %dma_wait3A_34] : memref<10000x384xf32, #tpu.memory_space<hbm>> -> memref<10000x384xf32, #tpu.memory_space<hbm>>
    tpu.wait_indirect_dma semaphore(%arg14 : memref<!tpu.dma_semaphore, #tpu.memory_space<semaphore_mem>>) src(%dma_wait3A_35 : memref<10000x384xf32, #tpu.memory_space<hbm>>) dst(%arg13 : memref<128x384xf32, #tpu.memory_space<vmem>>)
    %add3A_36 = arith.constant 4872 : i32
    %add3A_37 = arith.addi %mul3A_2, %add3A_36 : i32
    "tpu.region"() ({
      %run_scoped3A = tpu.sem_alloc : memref<!tpu.dma_semaphore, #tpu.memory_space<semaphore_mem>>
      %dma_start3A_42 = arith.constant 0 : i32
      %dma_start3A_43 = tpu.memref_slice %arg6[%add3A_37, %dma_start3A_42] : memref<160000x128xf32, #tpu.memory_space<hbm>> -> memref<128x128xf32, #tpu.memory_space<hbm>>
      %dma_start3A_44 = arith.constant 0 : i32
      %dma_start3A_45 = tpu.memref_slice %arg6[%add3A_37, %dma_start3A_44] : memref<160000x128xf32, #tpu.memory_space<hbm>> -> memref<128x128xf32, #tpu.memory_space<hbm>>
      tpu.enqueue_dma source(%arg11 : memref<128x128xf32, #tpu.memory_space<vmem>>) target(%dma_start3A_45 : memref<128x128xf32, #tpu.memory_space<hbm>>) target_semaphore(%run_scoped3A : memref<!tpu.dma_semaphore, #tpu.memory_space<semaphore_mem>>)
      %dma_wait3A_46 = arith.constant 0 : i32
      %dma_wait3A_47 = tpu.memref_slice %arg6[%add3A_37, %dma_wait3A_46] : memref<160000x128xf32, #tpu.memory_space<hbm>> -> memref<128x128xf32, #tpu.memory_space<hbm>>
      %dma_wait3A_48 = arith.constant 0 : i32
      %dma_wait3A_49 = tpu.memref_slice %arg6[%add3A_37, %dma_wait3A_48] : memref<160000x128xf32, #tpu.memory_space<hbm>> -> memref<128x128xf32, #tpu.memory_space<hbm>>
      tpu.wait_dma2 semaphore(%run_scoped3A : memref<!tpu.dma_semaphore, #tpu.memory_space<semaphore_mem>>) src(%arg11 : memref<128x128xf32, #tpu.memory_space<vmem>>) dst(%dma_wait3A_49 : memref<128x128xf32, #tpu.memory_space<hbm>>)
      tpu.yield
    }) : () -> ()
    %add3A_38 = arith.constant 4872 : i32
    %add3A_39 = arith.addi %mul3A_2, %add3A_38 : i32
    "tpu.region"() ({
      %run_scoped3A = tpu.sem_alloc : memref<!tpu.dma_semaphore, #tpu.memory_space<semaphore_mem>>
      %dma_start3A_42 = arith.constant 0 : i32
      %dma_start3A_43 = tpu.memref_slice %arg7[%add3A_39, %dma_start3A_42] : memref<160000x128xf32, #tpu.memory_space<hbm>> -> memref<128x128xf32, #tpu.memory_space<hbm>>
      %dma_start3A_44 = arith.constant 0 : i32
      %dma_start3A_45 = tpu.memref_slice %arg7[%add3A_39, %dma_start3A_44] : memref<160000x128xf32, #tpu.memory_space<hbm>> -> memref<128x128xf32, #tpu.memory_space<hbm>>
      tpu.enqueue_dma source(%arg12 : memref<128x128xf32, #tpu.memory_space<vmem>>) target(%dma_start3A_45 : memref<128x128xf32, #tpu.memory_space<hbm>>) target_semaphore(%run_scoped3A : memref<!tpu.dma_semaphore, #tpu.memory_space<semaphore_mem>>)
      %dma_wait3A_46 = arith.constant 0 : i32
      %dma_wait3A_47 = tpu.memref_slice %arg7[%add3A_39, %dma_wait3A_46] : memref<160000x128xf32, #tpu.memory_space<hbm>> -> memref<128x128xf32, #tpu.memory_space<hbm>>
      %dma_wait3A_48 = arith.constant 0 : i32
      %dma_wait3A_49 = tpu.memref_slice %arg7[%add3A_39, %dma_wait3A_48] : memref<160000x128xf32, #tpu.memory_space<hbm>> -> memref<128x128xf32, #tpu.memory_space<hbm>>
      tpu.wait_dma2 semaphore(%run_scoped3A : memref<!tpu.dma_semaphore, #tpu.memory_space<semaphore_mem>>) src(%arg12 : memref<128x128xf32, #tpu.memory_space<vmem>>) dst(%dma_wait3A_49 : memref<128x128xf32, #tpu.memory_space<hbm>>)
      tpu.yield
    }) : () -> ()
    %add3A_40 = arith.constant 4872 : i32
    %add3A_41 = arith.addi %mul3A_2, %add3A_40 : i32
    "tpu.region"() ({
      %run_scoped3A = tpu.sem_alloc : memref<!tpu.dma_semaphore, #tpu.memory_space<semaphore_mem>>
      %dma_start3A_42 = arith.constant 0 : i32
      %dma_start3A_43 = tpu.memref_slice %arg8[%add3A_41, %dma_start3A_42] : memref<160000x384xf32, #tpu.memory_space<hbm>> -> memref<128x384xf32, #tpu.memory_space<hbm>>
      %dma_start3A_44 = arith.constant 0 : i32
      %dma_start3A_45 = tpu.memref_slice %arg8[%add3A_41, %dma_start3A_44] : memref<160000x384xf32, #tpu.memory_space<hbm>> -> memref<128x384xf32, #tpu.memory_space<hbm>>
      tpu.enqueue_dma source(%arg13 : memref<128x384xf32, #tpu.memory_space<vmem>>) target(%dma_start3A_45 : memref<128x384xf32, #tpu.memory_space<hbm>>) target_semaphore(%run_scoped3A : memref<!tpu.dma_semaphore, #tpu.memory_space<semaphore_mem>>)
      %dma_wait3A_46 = arith.constant 0 : i32
      %dma_wait3A_47 = tpu.memref_slice %arg8[%add3A_41, %dma_wait3A_46] : memref<160000x384xf32, #tpu.memory_space<hbm>> -> memref<128x384xf32, #tpu.memory_space<hbm>>
      %dma_wait3A_48 = arith.constant 0 : i32
      %dma_wait3A_49 = tpu.memref_slice %arg8[%add3A_41, %dma_wait3A_48] : memref<160000x384xf32, #tpu.memory_space<hbm>> -> memref<128x384xf32, #tpu.memory_space<hbm>>
      tpu.wait_dma2 semaphore(%run_scoped3A : memref<!tpu.dma_semaphore, #tpu.memory_space<semaphore_mem>>) src(%arg13 : memref<128x384xf32, #tpu.memory_space<vmem>>) dst(%dma_wait3A_49 : memref<128x384xf32, #tpu.memory_space<hbm>>)
      tpu.yield
    }) : () -> ()
    return
  }
}

module attributes {stable_mosaic.version = 14 : i64} {
  func.func @_edge_body(%arg0: i32, %arg1: memref<640x128xf32, #tpu.memory_space<vmem>>, %arg2: memref<640x128xf32, #tpu.memory_space<vmem>>, %arg3: memref<640x128xf32, #tpu.memory_space<vmem>>, %arg4: memref<640x384xf32, #tpu.memory_space<vmem>>, %arg5: memref<640x384xf32, #tpu.memory_space<vmem>>, %arg6: memref<640x1xf32, #tpu.memory_space<vmem>>, %arg7: memref<640x1xf32, #tpu.memory_space<vmem>>, %arg8: memref<640x1xf32, #tpu.memory_space<vmem>>, %arg9: memref<640x1xf32, #tpu.memory_space<vmem>>, %arg10: memref<128x128xf32, #tpu.memory_space<vmem>>, %arg11: memref<128x128xf32, #tpu.memory_space<vmem>>, %arg12: memref<1x128xf32, #tpu.memory_space<vmem>>, %arg13: memref<128x128xf32, #tpu.memory_space<vmem>>, %arg14: memref<1x128xf32, #tpu.memory_space<vmem>>, %arg15: memref<128x128xf32, #tpu.memory_space<vmem>>, %arg16: memref<1x128xf32, #tpu.memory_space<vmem>>, %arg17: memref<128x128xf32, #tpu.memory_space<vmem>>, %arg18: memref<1x128xf32, #tpu.memory_space<vmem>>, %arg19: memref<128x128xf32, #tpu.memory_space<vmem>>, %arg20: memref<1x128xf32, #tpu.memory_space<vmem>>, %arg21: memref<128x384xf32, #tpu.memory_space<vmem>>, %arg22: memref<1x384xf32, #tpu.memory_space<vmem>>, %arg23: memref<640x128xf32, #tpu.memory_space<vmem>>, %arg24: memref<640x128xf32, #tpu.memory_space<vmem>>, %arg25: memref<640x128xf32, #tpu.memory_space<vmem>>, %arg26: memref<640x128xf32, #tpu.memory_space<vmem>>, %arg27: memref<640x128xf32, #tpu.memory_space<vmem>>, %arg28: memref<640x384xf32, #tpu.memory_space<vmem>>) attributes {dimension_semantics = [#tpu.dimension_semantics<arbitrary>], iteration_bounds = array<i64: 250>, scalar_prefetch = 0 : i64, scratch_operands = 0 : i64, tpu.core_type = #tpu.core_type<tc>, window_params = [{transform_indices = @transform_0, window_bounds = array<i64: 640, 128>}, {transform_indices = @transform_1, window_bounds = array<i64: 640, 128>}, {transform_indices = @transform_2, window_bounds = array<i64: 640, 128>}, {transform_indices = @transform_3, window_bounds = array<i64: 640, 384>}, {transform_indices = @transform_4, window_bounds = array<i64: 640, 384>}, {transform_indices = @transform_5, window_bounds = array<i64: 640, 1>}, {transform_indices = @transform_6, window_bounds = array<i64: 640, 1>}, {transform_indices = @transform_7, window_bounds = array<i64: 640, 1>}, {transform_indices = @transform_8, window_bounds = array<i64: 640, 1>}, {pipeline_mode = #tpu.pipeline_mode<synchronous>, transform_indices = @transform_9, window_bounds = array<i64: 128, 128>}, {pipeline_mode = #tpu.pipeline_mode<synchronous>, transform_indices = @transform_10, window_bounds = array<i64: 128, 128>}, {pipeline_mode = #tpu.pipeline_mode<synchronous>, transform_indices = @transform_11, window_bounds = array<i64: 1, 128>}, {pipeline_mode = #tpu.pipeline_mode<synchronous>, transform_indices = @transform_12, window_bounds = array<i64: 128, 128>}, {pipeline_mode = #tpu.pipeline_mode<synchronous>, transform_indices = @transform_13, window_bounds = array<i64: 1, 128>}, {pipeline_mode = #tpu.pipeline_mode<synchronous>, transform_indices = @transform_14, window_bounds = array<i64: 128, 128>}, {pipeline_mode = #tpu.pipeline_mode<synchronous>, transform_indices = @transform_15, window_bounds = array<i64: 1, 128>}, {pipeline_mode = #tpu.pipeline_mode<synchronous>, transform_indices = @transform_16, window_bounds = array<i64: 128, 128>}, {pipeline_mode = #tpu.pipeline_mode<synchronous>, transform_indices = @transform_17, window_bounds = array<i64: 1, 128>}, {pipeline_mode = #tpu.pipeline_mode<synchronous>, transform_indices = @transform_18, window_bounds = array<i64: 128, 128>}, {pipeline_mode = #tpu.pipeline_mode<synchronous>, transform_indices = @transform_19, window_bounds = array<i64: 1, 128>}, {pipeline_mode = #tpu.pipeline_mode<synchronous>, transform_indices = @transform_20, window_bounds = array<i64: 128, 384>}, {pipeline_mode = #tpu.pipeline_mode<synchronous>, transform_indices = @transform_21, window_bounds = array<i64: 1, 384>}, {transform_indices = @transform_22, window_bounds = array<i64: 640, 128>}, {transform_indices = @transform_23, window_bounds = array<i64: 640, 128>}, {transform_indices = @transform_24, window_bounds = array<i64: 640, 128>}, {transform_indices = @transform_25, window_bounds = array<i64: 640, 128>}, {transform_indices = @transform_26, window_bounds = array<i64: 640, 128>}, {transform_indices = @transform_27, window_bounds = array<i64: 640, 384>}]} {
    %get3A = arith.constant 0 : index
    %get3A_0 = arith.constant 0 : index
    %get3A_1 = vector.load %arg1[%get3A, %get3A_0] : memref<640x128xf32, #tpu.memory_space<vmem>>, vector<640x128xf32>
    %get3A_2 = arith.constant 0 : index
    %get3A_3 = arith.constant 0 : index
    %get3A_4 = vector.load %arg10[%get3A_2, %get3A_3] : memref<128x128xf32, #tpu.memory_space<vmem>>, vector<128x128xf32>
    %dot_general3A = arith.constant dense<0.000000e+00> : vector<640x128xf32>
    %dot_general3A_5 = tpu.matmul %get3A_1, %get3A_4, %dot_general3A {dimension_numbers = #tpu.dot_dimension_numbers<[1], [0], [0], [1], [0, 0, 1, 1], [], []>, transpose_lhs_hint = false} : vector<640x128xf32>, vector<128x128xf32>, vector<640x128xf32> -> vector<640x128xf32>
    %get3A_6 = arith.constant 0 : index
    %get3A_7 = arith.constant 0 : index
    %get3A_8 = vector.load %arg2[%get3A_6, %get3A_7] : memref<640x128xf32, #tpu.memory_space<vmem>>, vector<640x128xf32>
    %get3A_9 = arith.constant 0 : index
    %get3A_10 = arith.constant 0 : index
    %get3A_11 = vector.load %arg11[%get3A_9, %get3A_10] : memref<128x128xf32, #tpu.memory_space<vmem>>, vector<128x128xf32>
    %dot_general3A_12 = arith.constant dense<0.000000e+00> : vector<640x128xf32>
    %dot_general3A_13 = tpu.matmul %get3A_8, %get3A_11, %dot_general3A_12 {dimension_numbers = #tpu.dot_dimension_numbers<[1], [0], [0], [1], [0, 0, 1, 1], [], []>, transpose_lhs_hint = false} : vector<640x128xf32>, vector<128x128xf32>, vector<640x128xf32> -> vector<640x128xf32>
    %add3A = arith.addf %dot_general3A_5, %dot_general3A_13 : vector<640x128xf32>
    %get3A_14 = arith.constant 0 : index
    %get3A_15 = arith.constant 0 : index
    %get3A_16 = vector.load %arg12[%get3A_14, %get3A_15] : memref<1x128xf32, #tpu.memory_space<vmem>>, vector<1x128xf32>
    %add3A_17 = vector.broadcast %get3A_16 : vector<1x128xf32> to vector<640x128xf32>
    %add3A_18 = arith.addf %add3A, %add3A_17 : vector<640x128xf32>
    %get3A_19 = arith.constant 0 : index
    %get3A_20 = arith.constant 0 : index
    %get3A_21 = vector.load %arg3[%get3A_19, %get3A_20] : memref<640x128xf32, #tpu.memory_space<vmem>>, vector<640x128xf32>
    %get3A_22 = arith.constant 0 : index
    %get3A_23 = arith.constant 0 : index
    %get3A_24 = vector.load %arg13[%get3A_22, %get3A_23] : memref<128x128xf32, #tpu.memory_space<vmem>>, vector<128x128xf32>
    %dot_general3A_25 = arith.constant dense<0.000000e+00> : vector<640x128xf32>
    %dot_general3A_26 = tpu.matmul %get3A_21, %get3A_24, %dot_general3A_25 {dimension_numbers = #tpu.dot_dimension_numbers<[1], [0], [0], [1], [0, 0, 1, 1], [], []>, transpose_lhs_hint = false} : vector<640x128xf32>, vector<128x128xf32>, vector<640x128xf32> -> vector<640x128xf32>
    %get3A_27 = arith.constant 0 : index
    %get3A_28 = arith.constant 0 : index
    %get3A_29 = vector.load %arg14[%get3A_27, %get3A_28] : memref<1x128xf32, #tpu.memory_space<vmem>>, vector<1x128xf32>
    %add3A_30 = vector.broadcast %get3A_29 : vector<1x128xf32> to vector<640x128xf32>
    %add3A_31 = arith.addf %dot_general3A_26, %add3A_30 : vector<640x128xf32>
    %mul3A = arith.mulf %add3A_18, %add3A_31 : vector<640x128xf32>
    %get3A_32 = arith.constant 0 : index
    %get3A_33 = arith.constant 0 : index
    %get3A_34 = vector.load %arg15[%get3A_32, %get3A_33] : memref<128x128xf32, #tpu.memory_space<vmem>>, vector<128x128xf32>
    %dot_general3A_35 = arith.constant dense<0.000000e+00> : vector<640x128xf32>
    %dot_general3A_36 = tpu.matmul %mul3A, %get3A_34, %dot_general3A_35 {dimension_numbers = #tpu.dot_dimension_numbers<[1], [0], [0], [1], [0, 0, 1, 1], [], []>, transpose_lhs_hint = false} : vector<640x128xf32>, vector<128x128xf32>, vector<640x128xf32> -> vector<640x128xf32>
    %get3A_37 = arith.constant 0 : index
    %get3A_38 = arith.constant 0 : index
    %get3A_39 = vector.load %arg16[%get3A_37, %get3A_38] : memref<1x128xf32, #tpu.memory_space<vmem>>, vector<1x128xf32>
    %add3A_40 = vector.broadcast %get3A_39 : vector<1x128xf32> to vector<640x128xf32>
    %add3A_41 = arith.addf %dot_general3A_36, %add3A_40 : vector<640x128xf32>
    %logistic3A = arith.negf %add3A_41 : vector<640x128xf32>
    %logistic3A_42 = math.exp %logistic3A : vector<640x128xf32>
    %logistic3A_43 = arith.constant 1.000000e+00 : f32
    %logistic3A_44 = vector.broadcast %logistic3A_43 : f32 to vector<640x128xf32>
    %logistic3A_45 = arith.addf %logistic3A_44, %logistic3A_42 : vector<640x128xf32>
    %logistic3A_46 = arith.divf %logistic3A_44, %logistic3A_45 : vector<640x128xf32>
    %mul3A_47 = arith.mulf %add3A_41, %logistic3A_46 : vector<640x128xf32>
    %get3A_48 = arith.constant 0 : index
    %get3A_49 = arith.constant 0 : index
    %get3A_50 = vector.load %arg17[%get3A_48, %get3A_49] : memref<128x128xf32, #tpu.memory_space<vmem>>, vector<128x128xf32>
    %dot_general3A_51 = arith.constant dense<0.000000e+00> : vector<640x128xf32>
    %dot_general3A_52 = tpu.matmul %mul3A, %get3A_50, %dot_general3A_51 {dimension_numbers = #tpu.dot_dimension_numbers<[1], [0], [0], [1], [0, 0, 1, 1], [], []>, transpose_lhs_hint = false} : vector<640x128xf32>, vector<128x128xf32>, vector<640x128xf32> -> vector<640x128xf32>
    %get3A_53 = arith.constant 0 : index
    %get3A_54 = arith.constant 0 : index
    %get3A_55 = vector.load %arg18[%get3A_53, %get3A_54] : memref<1x128xf32, #tpu.memory_space<vmem>>, vector<1x128xf32>
    %add3A_56 = vector.broadcast %get3A_55 : vector<1x128xf32> to vector<640x128xf32>
    %add3A_57 = arith.addf %dot_general3A_52, %add3A_56 : vector<640x128xf32>
    %logistic3A_58 = arith.negf %add3A_57 : vector<640x128xf32>
    %logistic3A_59 = math.exp %logistic3A_58 : vector<640x128xf32>
    %logistic3A_60 = arith.constant 1.000000e+00 : f32
    %logistic3A_61 = vector.broadcast %logistic3A_60 : f32 to vector<640x128xf32>
    %logistic3A_62 = arith.addf %logistic3A_61, %logistic3A_59 : vector<640x128xf32>
    %logistic3A_63 = arith.divf %logistic3A_61, %logistic3A_62 : vector<640x128xf32>
    %get3A_64 = arith.constant 0 : index
    %get3A_65 = arith.constant 0 : index
    %get3A_66 = vector.load %arg19[%get3A_64, %get3A_65] : memref<128x128xf32, #tpu.memory_space<vmem>>, vector<128x128xf32>
    %dot_general3A_67 = arith.constant dense<0.000000e+00> : vector<640x128xf32>
    %dot_general3A_68 = tpu.matmul %mul3A_47, %get3A_66, %dot_general3A_67 {dimension_numbers = #tpu.dot_dimension_numbers<[1], [0], [0], [1], [0, 0, 1, 1], [], []>, transpose_lhs_hint = false} : vector<640x128xf32>, vector<128x128xf32>, vector<640x128xf32> -> vector<640x128xf32>
    %get3A_69 = arith.constant 0 : index
    %get3A_70 = arith.constant 0 : index
    %get3A_71 = vector.load %arg20[%get3A_69, %get3A_70] : memref<1x128xf32, #tpu.memory_space<vmem>>, vector<1x128xf32>
    %add3A_72 = vector.broadcast %get3A_71 : vector<1x128xf32> to vector<640x128xf32>
    %add3A_73 = arith.addf %dot_general3A_68, %add3A_72 : vector<640x128xf32>
    %mul3A_74 = arith.mulf %add3A_73, %logistic3A_63 : vector<640x128xf32>
    %get3A_75 = arith.constant 0 : index
    %get3A_76 = arith.constant 0 : index
    %get3A_77 = vector.load %arg6[%get3A_75, %get3A_76] : memref<640x1xf32, #tpu.memory_space<vmem>>, vector<640x1xf32>
    %mul3A_78 = arith.constant 0.628318548 : f32
    %mul3A_79 = vector.broadcast %mul3A_78 : f32 to vector<640x1xf32>
    %mul3A_80 = arith.mulf %mul3A_79, %get3A_77 : vector<640x1xf32>
    %cos3A = math.cos %mul3A_80 : vector<640x1xf32>
    %add3A_81 = arith.constant 1.000000e+00 : f32
    %add3A_82 = vector.broadcast %add3A_81 : f32 to vector<640x1xf32>
    %add3A_83 = arith.addf %cos3A, %add3A_82 : vector<640x1xf32>
    %mul3A_84 = arith.constant 5.000000e-01 : f32
    %mul3A_85 = vector.broadcast %mul3A_84 : f32 to vector<640x1xf32>
    %mul3A_86 = arith.mulf %mul3A_85, %add3A_83 : vector<640x1xf32>
    %lt3A = arith.constant 5.000000e+00 : f32
    %lt3A_87 = vector.broadcast %lt3A : f32 to vector<640x1xf32>
    %lt3A_88 = arith.cmpf olt, %get3A_77, %lt3A_87 : vector<640x1xf32>
    %convert_element_type3A = arith.extui %lt3A_88 : vector<640x1xi1> to vector<640x1xi32>
    %convert_element_type3A_89 = arith.sitofp %convert_element_type3A : vector<640x1xi32> to vector<640x1xf32>
    %mul3A_90 = arith.mulf %mul3A_86, %convert_element_type3A_89 : vector<640x1xf32>
    %mul3A_91 = vector.broadcast %mul3A_90 : vector<640x1xf32> to vector<640x128xf32>
    %mul3A_92 = arith.mulf %mul3A_74, %mul3A_91 : vector<640x128xf32>
    %get3A_93 = arith.constant 0 : index
    %get3A_94 = arith.constant 0 : index
    %get3A_95 = vector.load %arg21[%get3A_93, %get3A_94] : memref<128x384xf32, #tpu.memory_space<vmem>>, vector<128x384xf32>
    %dot_general3A_96 = arith.constant dense<0.000000e+00> : vector<640x384xf32>
    %dot_general3A_97 = tpu.matmul %mul3A_92, %get3A_95, %dot_general3A_96 {dimension_numbers = #tpu.dot_dimension_numbers<[1], [0], [0], [1], [0, 0, 1, 1], [], []>, transpose_lhs_hint = false} : vector<640x128xf32>, vector<128x384xf32>, vector<640x384xf32> -> vector<640x384xf32>
    %get3A_98 = arith.constant 0 : index
    %get3A_99 = arith.constant 0 : index
    %get3A_100 = vector.load %arg22[%get3A_98, %get3A_99] : memref<1x384xf32, #tpu.memory_space<vmem>>, vector<1x384xf32>
    %add3A_101 = vector.broadcast %get3A_100 : vector<1x384xf32> to vector<640x384xf32>
    %add3A_102 = arith.addf %dot_general3A_97, %add3A_101 : vector<640x384xf32>
    %slice3A = vector.extract_strided_slice %add3A_102 {offsets = [0, 0], sizes = [640, 128], strides = [1, 1]} : vector<640x384xf32> to vector<640x128xf32>
    %slice3A_103 = vector.extract_strided_slice %add3A_102 {offsets = [0, 128], sizes = [640, 128], strides = [1, 1]} : vector<640x384xf32> to vector<640x128xf32>
    %slice3A_104 = vector.extract_strided_slice %add3A_102 {offsets = [0, 256], sizes = [640, 128], strides = [1, 1]} : vector<640x384xf32> to vector<640x128xf32>
    %get3A_105 = arith.constant 0 : index
    %get3A_106 = arith.constant 0 : index
    %get3A_107 = vector.load %arg5[%get3A_105, %get3A_106] : memref<640x384xf32, #tpu.memory_space<vmem>>, vector<640x384xf32>
    %get3A_108 = arith.constant 0 : index
    %get3A_109 = arith.constant 0 : index
    %get3A_110 = vector.load %arg4[%get3A_108, %get3A_109] : memref<640x384xf32, #tpu.memory_space<vmem>>, vector<640x384xf32>
    %get3A_111 = arith.constant 0 : index
    %get3A_112 = arith.constant 0 : index
    %get3A_113 = vector.load %arg7[%get3A_111, %get3A_112] : memref<640x1xf32, #tpu.memory_space<vmem>>, vector<640x1xf32>
    %get3A_114 = arith.constant 0 : index
    %get3A_115 = arith.constant 0 : index
    %get3A_116 = vector.load %arg8[%get3A_114, %get3A_115] : memref<640x1xf32, #tpu.memory_space<vmem>>, vector<640x1xf32>
    %get3A_117 = arith.constant 0 : index
    %get3A_118 = arith.constant 0 : index
    %get3A_119 = vector.load %arg9[%get3A_117, %get3A_118] : memref<640x1xf32, #tpu.memory_space<vmem>>, vector<640x1xf32>
    %slice3A_120 = vector.extract_strided_slice %get3A_110 {offsets = [0, 0], sizes = [640, 128], strides = [1, 1]} : vector<640x384xf32> to vector<640x128xf32>
    %mul3A_121 = arith.mulf %slice3A_120, %slice3A : vector<640x128xf32>
    %slice3A_122 = vector.extract_strided_slice %get3A_107 {offsets = [0, 0], sizes = [640, 128], strides = [1, 1]} : vector<640x384xf32> to vector<640x128xf32>
    %mul3A_123 = arith.mulf %slice3A_122, %slice3A_103 : vector<640x128xf32>
    %add3A_124 = arith.addf %mul3A_121, %mul3A_123 : vector<640x128xf32>
    %mul3A_125 = vector.broadcast %get3A_113 : vector<640x1xf32> to vector<640x128xf32>
    %mul3A_126 = arith.mulf %mul3A_125, %slice3A_104 : vector<640x128xf32>
    %add3A_127 = arith.addf %add3A_124, %mul3A_126 : vector<640x128xf32>
    %mul3A_128 = vector.broadcast %mul3A_90 : vector<640x1xf32> to vector<640x128xf32>
    %mul3A_129 = arith.mulf %add3A_127, %mul3A_128 : vector<640x128xf32>
    %swap3A = arith.constant 0 : index
    %swap3A_130 = arith.constant 0 : index
    %swap3A_131 = vector.load %arg24[%swap3A, %swap3A_130] : memref<640x128xf32, #tpu.memory_space<vmem>>, vector<640x128xf32>
    tpu.vector_store %arg24[%swap3A, %swap3A_130], %mul3A_129 {strides = array<i32>} : memref<640x128xf32, #tpu.memory_space<vmem>>, vector<640x128xf32>,
    %slice3A_132 = vector.extract_strided_slice %get3A_107 {offsets = [0, 0], sizes = [640, 128], strides = [1, 1]} : vector<640x384xf32> to vector<640x128xf32>
    %add3A_133 = arith.addf %mul3A_129, %slice3A_132 : vector<640x128xf32>
    %slice3A_134 = vector.extract_strided_slice %get3A_110 {offsets = [0, 128], sizes = [640, 128], strides = [1, 1]} : vector<640x384xf32> to vector<640x128xf32>
    %mul3A_135 = arith.mulf %slice3A_134, %slice3A : vector<640x128xf32>
    %slice3A_136 = vector.extract_strided_slice %get3A_107 {offsets = [0, 128], sizes = [640, 128], strides = [1, 1]} : vector<640x384xf32> to vector<640x128xf32>
    %mul3A_137 = arith.mulf %slice3A_136, %slice3A_103 : vector<640x128xf32>
    %add3A_138 = arith.addf %mul3A_135, %mul3A_137 : vector<640x128xf32>
    %mul3A_139 = vector.broadcast %get3A_116 : vector<640x1xf32> to vector<640x128xf32>
    %mul3A_140 = arith.mulf %mul3A_139, %slice3A_104 : vector<640x128xf32>
    %add3A_141 = arith.addf %add3A_138, %mul3A_140 : vector<640x128xf32>
    %mul3A_142 = vector.broadcast %mul3A_90 : vector<640x1xf32> to vector<640x128xf32>
    %mul3A_143 = arith.mulf %add3A_141, %mul3A_142 : vector<640x128xf32>
    %swap3A_144 = arith.constant 0 : index
    %swap3A_145 = arith.constant 0 : index
    %swap3A_146 = vector.load %arg25[%swap3A_144, %swap3A_145] : memref<640x128xf32, #tpu.memory_space<vmem>>, vector<640x128xf32>
    tpu.vector_store %arg25[%swap3A_144, %swap3A_145], %mul3A_143 {strides = array<i32>} : memref<640x128xf32, #tpu.memory_space<vmem>>, vector<640x128xf32>,
    %slice3A_147 = vector.extract_strided_slice %get3A_107 {offsets = [0, 128], sizes = [640, 128], strides = [1, 1]} : vector<640x384xf32> to vector<640x128xf32>
    %add3A_148 = arith.addf %mul3A_143, %slice3A_147 : vector<640x128xf32>
    %slice3A_149 = vector.extract_strided_slice %get3A_110 {offsets = [0, 256], sizes = [640, 128], strides = [1, 1]} : vector<640x384xf32> to vector<640x128xf32>
    %mul3A_150 = arith.mulf %slice3A_149, %slice3A : vector<640x128xf32>
    %slice3A_151 = vector.extract_strided_slice %get3A_107 {offsets = [0, 256], sizes = [640, 128], strides = [1, 1]} : vector<640x384xf32> to vector<640x128xf32>
    %mul3A_152 = arith.mulf %slice3A_151, %slice3A_103 : vector<640x128xf32>
    %add3A_153 = arith.addf %mul3A_150, %mul3A_152 : vector<640x128xf32>
    %mul3A_154 = vector.broadcast %get3A_119 : vector<640x1xf32> to vector<640x128xf32>
    %mul3A_155 = arith.mulf %mul3A_154, %slice3A_104 : vector<640x128xf32>
    %add3A_156 = arith.addf %add3A_153, %mul3A_155 : vector<640x128xf32>
    %mul3A_157 = vector.broadcast %mul3A_90 : vector<640x1xf32> to vector<640x128xf32>
    %mul3A_158 = arith.mulf %add3A_156, %mul3A_157 : vector<640x128xf32>
    %swap3A_159 = arith.constant 0 : index
    %swap3A_160 = arith.constant 0 : index
    %swap3A_161 = vector.load %arg26[%swap3A_159, %swap3A_160] : memref<640x128xf32, #tpu.memory_space<vmem>>, vector<640x128xf32>
    tpu.vector_store %arg26[%swap3A_159, %swap3A_160], %mul3A_158 {strides = array<i32>} : memref<640x128xf32, #tpu.memory_space<vmem>>, vector<640x128xf32>,
    %slice3A_162 = vector.extract_strided_slice %get3A_107 {offsets = [0, 256], sizes = [640, 128], strides = [1, 1]} : vector<640x384xf32> to vector<640x128xf32>
    %add3A_163 = arith.addf %mul3A_158, %slice3A_162 : vector<640x128xf32>
    %swap3A_164 = arith.constant 0 : index
    %swap3A_165 = arith.constant 0 : index
    %swap3A_166 = vector.load %arg23[%swap3A_164, %swap3A_165] : memref<640x128xf32, #tpu.memory_space<vmem>>, vector<640x128xf32>
    tpu.vector_store %arg23[%swap3A_164, %swap3A_165], %mul3A_92 {strides = array<i32>} : memref<640x128xf32, #tpu.memory_space<vmem>>, vector<640x128xf32>,
    %get3A_167 = arith.constant 0 : index
    %get3A_168 = arith.constant 0 : index
    %get3A_169 = vector.load %arg3[%get3A_167, %get3A_168] : memref<640x128xf32, #tpu.memory_space<vmem>>, vector<640x128xf32>
    %add3A_170 = arith.addf %mul3A_92, %get3A_169 : vector<640x128xf32>
    %swap3A_171 = arith.constant 0 : index
    %swap3A_172 = arith.constant 0 : index
    %swap3A_173 = vector.load %arg27[%swap3A_171, %swap3A_172] : memref<640x128xf32, #tpu.memory_space<vmem>>, vector<640x128xf32>
    tpu.vector_store %arg27[%swap3A_171, %swap3A_172], %add3A_170 {strides = array<i32>} : memref<640x128xf32, #tpu.memory_space<vmem>>, vector<640x128xf32>,
    %concatenate3A = tpu.concatenate %add3A_133, %add3A_148, %add3A_163 in 1 : vector<640x128xf32>, vector<640x128xf32>, vector<640x128xf32> -> vector<640x384xf32>
    %swap3A_174 = arith.constant 0 : index
    %swap3A_175 = arith.constant 0 : index
    %swap3A_176 = vector.load %arg28[%swap3A_174, %swap3A_175] : memref<640x384xf32, #tpu.memory_space<vmem>>, vector<640x384xf32>
    tpu.vector_store %arg28[%swap3A_174, %swap3A_175], %concatenate3A {strides = array<i32>} : memref<640x384xf32, #tpu.memory_space<vmem>>, vector<640x384xf32>,
    return
  }
  func.func @transform_0(%arg0: i32) -> (i32, i32) {
    %c0_i32 = arith.constant 0 : i32
    %c0_i32_0 = arith.constant 0 : i32
    return %arg0, %c0_i32 : i32, i32
  }
  func.func @transform_1(%arg0: i32) -> (i32, i32) {
    %c0_i32 = arith.constant 0 : i32
    %c0_i32_0 = arith.constant 0 : i32
    return %arg0, %c0_i32 : i32, i32
  }
  func.func @transform_2(%arg0: i32) -> (i32, i32) {
    %c0_i32 = arith.constant 0 : i32
    %c0_i32_0 = arith.constant 0 : i32
    return %arg0, %c0_i32 : i32, i32
  }
  func.func @transform_3(%arg0: i32) -> (i32, i32) {
    %c0_i32 = arith.constant 0 : i32
    %c0_i32_0 = arith.constant 0 : i32
    return %arg0, %c0_i32 : i32, i32
  }
  func.func @transform_4(%arg0: i32) -> (i32, i32) {
    %c0_i32 = arith.constant 0 : i32
    %c0_i32_0 = arith.constant 0 : i32
    return %arg0, %c0_i32 : i32, i32
  }
  func.func @transform_5(%arg0: i32) -> (i32, i32) {
    %c0_i32 = arith.constant 0 : i32
    %c0_i32_0 = arith.constant 0 : i32
    return %arg0, %c0_i32 : i32, i32
  }
  func.func @transform_6(%arg0: i32) -> (i32, i32) {
    %c0_i32 = arith.constant 0 : i32
    %c0_i32_0 = arith.constant 0 : i32
    return %arg0, %c0_i32 : i32, i32
  }
  func.func @transform_7(%arg0: i32) -> (i32, i32) {
    %c0_i32 = arith.constant 0 : i32
    %c0_i32_0 = arith.constant 0 : i32
    return %arg0, %c0_i32 : i32, i32
  }
  func.func @transform_8(%arg0: i32) -> (i32, i32) {
    %c0_i32 = arith.constant 0 : i32
    %c0_i32_0 = arith.constant 0 : i32
    return %arg0, %c0_i32 : i32, i32
  }
  func.func @transform_9(%arg0: i32) -> (i32, i32) {
    %c0_i32 = arith.constant 0 : i32
    %c0_i32_0 = arith.constant 0 : i32
    %c0_i32_1 = arith.constant 0 : i32
    return %c0_i32, %c0_i32_0 : i32, i32
  }
  func.func @transform_10(%arg0: i32) -> (i32, i32) {
    %c0_i32 = arith.constant 0 : i32
    %c0_i32_0 = arith.constant 0 : i32
    %c0_i32_1 = arith.constant 0 : i32
    return %c0_i32, %c0_i32_0 : i32, i32
  }
  func.func @transform_11(%arg0: i32) -> (i32, i32) {
    %c0_i32 = arith.constant 0 : i32
    %c0_i32_0 = arith.constant 0 : i32
    %c0_i32_1 = arith.constant 0 : i32
    return %c0_i32, %c0_i32_0 : i32, i32
  }
  func.func @transform_12(%arg0: i32) -> (i32, i32) {
    %c0_i32 = arith.constant 0 : i32
    %c0_i32_0 = arith.constant 0 : i32
    %c0_i32_1 = arith.constant 0 : i32
    return %c0_i32, %c0_i32_0 : i32, i32
  }
  func.func @transform_13(%arg0: i32) -> (i32, i32) {
    %c0_i32 = arith.constant 0 : i32
    %c0_i32_0 = arith.constant 0 : i32
    %c0_i32_1 = arith.constant 0 : i32
    return %c0_i32, %c0_i32_0 : i32, i32
  }
  func.func @transform_14(%arg0: i32) -> (i32, i32) {
    %c0_i32 = arith.constant 0 : i32
    %c0_i32_0 = arith.constant 0 : i32
    %c0_i32_1 = arith.constant 0 : i32
    return %c0_i32, %c0_i32_0 : i32, i32
  }
  func.func @transform_15(%arg0: i32) -> (i32, i32) {
    %c0_i32 = arith.constant 0 : i32
    %c0_i32_0 = arith.constant 0 : i32
    %c0_i32_1 = arith.constant 0 : i32
    return %c0_i32, %c0_i32_0 : i32, i32
  }
  func.func @transform_16(%arg0: i32) -> (i32, i32) {
    %c0_i32 = arith.constant 0 : i32
    %c0_i32_0 = arith.constant 0 : i32
    %c0_i32_1 = arith.constant 0 : i32
    return %c0_i32, %c0_i32_0 : i32, i32
  }
  func.func @transform_17(%arg0: i32) -> (i32, i32) {
    %c0_i32 = arith.constant 0 : i32
    %c0_i32_0 = arith.constant 0 : i32
    %c0_i32_1 = arith.constant 0 : i32
    return %c0_i32, %c0_i32_0 : i32, i32
  }
  func.func @transform_18(%arg0: i32) -> (i32, i32) {
    %c0_i32 = arith.constant 0 : i32
    %c0_i32_0 = arith.constant 0 : i32
    %c0_i32_1 = arith.constant 0 : i32
    return %c0_i32, %c0_i32_0 : i32, i32
  }
  func.func @transform_19(%arg0: i32) -> (i32, i32) {
    %c0_i32 = arith.constant 0 : i32
    %c0_i32_0 = arith.constant 0 : i32
    %c0_i32_1 = arith.constant 0 : i32
    return %c0_i32, %c0_i32_0 : i32, i32
  }
  func.func @transform_20(%arg0: i32) -> (i32, i32) {
    %c0_i32 = arith.constant 0 : i32
    %c0_i32_0 = arith.constant 0 : i32
    %c0_i32_1 = arith.constant 0 : i32
    return %c0_i32, %c0_i32_0 : i32, i32
  }
  func.func @transform_21(%arg0: i32) -> (i32, i32) {
    %c0_i32 = arith.constant 0 : i32
    %c0_i32_0 = arith.constant 0 : i32
    %c0_i32_1 = arith.constant 0 : i32
    return %c0_i32, %c0_i32_0 : i32, i32
  }
  func.func @transform_22(%arg0: i32) -> (i32, i32) {
    %c0_i32 = arith.constant 0 : i32
    %c0_i32_0 = arith.constant 0 : i32
    return %arg0, %c0_i32 : i32, i32
  }
  func.func @transform_23(%arg0: i32) -> (i32, i32) {
    %c0_i32 = arith.constant 0 : i32
    %c0_i32_0 = arith.constant 0 : i32
    return %arg0, %c0_i32 : i32, i32
  }
  func.func @transform_24(%arg0: i32) -> (i32, i32) {
    %c0_i32 = arith.constant 0 : i32
    %c0_i32_0 = arith.constant 0 : i32
    return %arg0, %c0_i32 : i32, i32
  }
  func.func @transform_25(%arg0: i32) -> (i32, i32) {
    %c0_i32 = arith.constant 0 : i32
    %c0_i32_0 = arith.constant 0 : i32
    return %arg0, %c0_i32 : i32, i32
  }
  func.func @transform_26(%arg0: i32) -> (i32, i32) {
    %c0_i32 = arith.constant 0 : i32
    %c0_i32_0 = arith.constant 0 : i32
    return %arg0, %c0_i32 : i32, i32
  }
  func.func @transform_27(%arg0: i32) -> (i32, i32) {
    %c0_i32 = arith.constant 0 : i32
    %c0_i32_0 = arith.constant 0 : i32
    return %arg0, %c0_i32 : i32, i32
  }
}

module attributes {stable_mosaic.version = 14 : i64} {
  func.func @_node_body(%arg0: i32, %arg1: memref<1000x128xf32, #tpu.memory_space<vmem>>, %arg2: memref<1000x128xf32, #tpu.memory_space<vmem>>, %arg3: memref<1000x128xf32, #tpu.memory_space<vmem>>, %arg4: memref<1000x128xf32, #tpu.memory_space<vmem>>, %arg5: memref<1000x128xf32, #tpu.memory_space<vmem>>, %arg6: memref<1000x128xf32, #tpu.memory_space<vmem>>, %arg7: memref<1000x128xf32, #tpu.memory_space<vmem>>, %arg8: memref<1000x384xf32, #tpu.memory_space<vmem>>, %arg9: memref<128x384xf32, #tpu.memory_space<vmem>>, %arg10: memref<128x128xf32, #tpu.memory_space<vmem>>, %arg11: memref<128x128xf32, #tpu.memory_space<vmem>>, %arg12: memref<1x128xf32, #tpu.memory_space<vmem>>, %arg13: memref<128x256xf32, #tpu.memory_space<vmem>>, %arg14: memref<128x256xf32, #tpu.memory_space<vmem>>, %arg15: memref<1x256xf32, #tpu.memory_space<vmem>>, %arg16: memref<1x128xf32, #tpu.memory_space<vmem>>, %arg17: memref<1x128xf32, #tpu.memory_space<vmem>>, %arg18: memref<1x128xf32, #tpu.memory_space<vmem>>, %arg19: memref<1000x128xf32, #tpu.memory_space<vmem>>, %arg20: memref<1000x384xf32, #tpu.memory_space<vmem>>) attributes {dimension_semantics = [#tpu.dimension_semantics<arbitrary>], iteration_bounds = array<i64: 10>, scalar_prefetch = 0 : i64, scratch_operands = 0 : i64, tpu.core_type = #tpu.core_type<tc>, window_params = [{transform_indices = @transform_0, window_bounds = array<i64: 1000, 128>}, {transform_indices = @transform_1, window_bounds = array<i64: 1000, 128>}, {transform_indices = @transform_2, window_bounds = array<i64: 1000, 128>}, {transform_indices = @transform_3, window_bounds = array<i64: 1000, 128>}, {transform_indices = @transform_4, window_bounds = array<i64: 1000, 128>}, {transform_indices = @transform_5, window_bounds = array<i64: 1000, 128>}, {transform_indices = @transform_6, window_bounds = array<i64: 1000, 128>}, {transform_indices = @transform_7, window_bounds = array<i64: 1000, 384>}, {pipeline_mode = #tpu.pipeline_mode<synchronous>, transform_indices = @transform_8, window_bounds = array<i64: 128, 384>}, {pipeline_mode = #tpu.pipeline_mode<synchronous>, transform_indices = @transform_9, window_bounds = array<i64: 128, 128>}, {pipeline_mode = #tpu.pipeline_mode<synchronous>, transform_indices = @transform_10, window_bounds = array<i64: 128, 128>}, {pipeline_mode = #tpu.pipeline_mode<synchronous>, transform_indices = @transform_11, window_bounds = array<i64: 1, 128>}, {pipeline_mode = #tpu.pipeline_mode<synchronous>, transform_indices = @transform_12, window_bounds = array<i64: 128, 256>}, {pipeline_mode = #tpu.pipeline_mode<synchronous>, transform_indices = @transform_13, window_bounds = array<i64: 128, 256>}, {pipeline_mode = #tpu.pipeline_mode<synchronous>, transform_indices = @transform_14, window_bounds = array<i64: 1, 256>}, {pipeline_mode = #tpu.pipeline_mode<synchronous>, transform_indices = @transform_15, window_bounds = array<i64: 1, 128>}, {pipeline_mode = #tpu.pipeline_mode<synchronous>, transform_indices = @transform_16, window_bounds = array<i64: 1, 128>}, {pipeline_mode = #tpu.pipeline_mode<synchronous>, transform_indices = @transform_17, window_bounds = array<i64: 1, 128>}, {transform_indices = @transform_18, window_bounds = array<i64: 1000, 128>}, {transform_indices = @transform_19, window_bounds = array<i64: 1000, 384>}]} {
    %get3A = arith.constant 0 : index
    %get3A_0 = arith.constant 0 : index
    %get3A_1 = vector.load %arg5[%get3A, %get3A_0] : memref<1000x128xf32, #tpu.memory_space<vmem>>, vector<1000x128xf32>
    %slice3A = vector.extract_strided_slice %get3A_1 {offsets = [0, 0], sizes = [1000, 1], strides = [1, 1]} : vector<1000x128xf32> to vector<1000x1xf32>
    %get3A_2 = arith.constant 0 : index
    %get3A_3 = arith.constant 0 : index
    %get3A_4 = vector.load %arg6[%get3A_2, %get3A_3] : memref<1000x128xf32, #tpu.memory_space<vmem>>, vector<1000x128xf32>
    %slice3A_5 = vector.extract_strided_slice %get3A_4 {offsets = [0, 0], sizes = [1000, 1], strides = [1, 1]} : vector<1000x128xf32> to vector<1000x1xf32>
    %add3A = arith.addf %slice3A, %slice3A_5 : vector<1000x1xf32>
    %max3A = arith.constant 1.000000e+00 : f32
    %max3A_6 = vector.broadcast %max3A : f32 to vector<1000x1xf32>
    %max3A_7 = arith.maximumf %add3A, %max3A_6 : vector<1000x1xf32>
    %div3A = arith.constant 1.000000e+00 : f32
    %div3A_8 = vector.broadcast %div3A : f32 to vector<1000x1xf32>
    %div3A_9 = arith.divf %div3A_8, %max3A_7 : vector<1000x1xf32>
    %get3A_10 = arith.constant 0 : index
    %get3A_11 = arith.constant 0 : index
    %get3A_12 = vector.load %arg1[%get3A_10, %get3A_11] : memref<1000x128xf32, #tpu.memory_space<vmem>>, vector<1000x128xf32>
    %mul3A = vector.broadcast %div3A_9 : vector<1000x1xf32> to vector<1000x128xf32>
    %mul3A_13 = arith.mulf %get3A_12, %mul3A : vector<1000x128xf32>
    %get3A_14 = arith.constant 0 : index
    %get3A_15 = arith.constant 0 : index
    %get3A_16 = vector.load %arg2[%get3A_14, %get3A_15] : memref<1000x128xf32, #tpu.memory_space<vmem>>, vector<1000x128xf32>
    %mul3A_17 = vector.broadcast %div3A_9 : vector<1000x1xf32> to vector<1000x128xf32>
    %mul3A_18 = arith.mulf %get3A_16, %mul3A_17 : vector<1000x128xf32>
    %get3A_19 = arith.constant 0 : index
    %get3A_20 = arith.constant 0 : index
    %get3A_21 = vector.load %arg3[%get3A_19, %get3A_20] : memref<1000x128xf32, #tpu.memory_space<vmem>>, vector<1000x128xf32>
    %mul3A_22 = vector.broadcast %div3A_9 : vector<1000x1xf32> to vector<1000x128xf32>
    %mul3A_23 = arith.mulf %get3A_21, %mul3A_22 : vector<1000x128xf32>
    %get3A_24 = arith.constant 0 : index
    %get3A_25 = arith.constant 0 : index
    %get3A_26 = vector.load %arg4[%get3A_24, %get3A_25] : memref<1000x128xf32, #tpu.memory_space<vmem>>, vector<1000x128xf32>
    %mul3A_27 = vector.broadcast %div3A_9 : vector<1000x1xf32> to vector<1000x128xf32>
    %mul3A_28 = arith.mulf %get3A_26, %mul3A_27 : vector<1000x128xf32>
    %get3A_29 = arith.constant 0 : index
    %get3A_30 = arith.constant 0 : index
    %get3A_31 = vector.load %arg9[%get3A_29, %get3A_30] : memref<128x384xf32, #tpu.memory_space<vmem>>, vector<128x384xf32>
    %dot_general3A = arith.constant dense<0.000000e+00> : vector<1000x384xf32>
    %dot_general3A_32 = tpu.matmul %mul3A_18, %get3A_31, %dot_general3A {dimension_numbers = #tpu.dot_dimension_numbers<[1], [0], [0], [1], [0, 0, 1, 1], [], []>, transpose_lhs_hint = false} : vector<1000x128xf32>, vector<128x384xf32>, vector<1000x384xf32> -> vector<1000x384xf32>
    %get3A_33 = arith.constant 0 : index
    %get3A_34 = arith.constant 0 : index
    %get3A_35 = vector.load %arg9[%get3A_33, %get3A_34] : memref<128x384xf32, #tpu.memory_space<vmem>>, vector<128x384xf32>
    %dot_general3A_36 = arith.constant dense<0.000000e+00> : vector<1000x384xf32>
    %dot_general3A_37 = tpu.matmul %mul3A_23, %get3A_35, %dot_general3A_36 {dimension_numbers = #tpu.dot_dimension_numbers<[1], [0], [0], [1], [0, 0, 1, 1], [], []>, transpose_lhs_hint = false} : vector<1000x128xf32>, vector<128x384xf32>, vector<1000x384xf32> -> vector<1000x384xf32>
    %get3A_38 = arith.constant 0 : index
    %get3A_39 = arith.constant 0 : index
    %get3A_40 = vector.load %arg9[%get3A_38, %get3A_39] : memref<128x384xf32, #tpu.memory_space<vmem>>, vector<128x384xf32>
    %dot_general3A_41 = arith.constant dense<0.000000e+00> : vector<1000x384xf32>
    %dot_general3A_42 = tpu.matmul %mul3A_28, %get3A_40, %dot_general3A_41 {dimension_numbers = #tpu.dot_dimension_numbers<[1], [0], [0], [1], [0, 0, 1, 1], [], []>, transpose_lhs_hint = false} : vector<1000x128xf32>, vector<128x384xf32>, vector<1000x384xf32> -> vector<1000x384xf32>
    %slice3A_43 = vector.extract_strided_slice %dot_general3A_32 {offsets = [0, 0], sizes = [1000, 128], strides = [1, 1]} : vector<1000x384xf32> to vector<1000x128xf32>
    %slice3A_44 = vector.extract_strided_slice %dot_general3A_37 {offsets = [0, 0], sizes = [1000, 128], strides = [1, 1]} : vector<1000x384xf32> to vector<1000x128xf32>
    %slice3A_45 = vector.extract_strided_slice %dot_general3A_42 {offsets = [0, 0], sizes = [1000, 128], strides = [1, 1]} : vector<1000x384xf32> to vector<1000x128xf32>
    %slice3A_46 = vector.extract_strided_slice %dot_general3A_32 {offsets = [0, 128], sizes = [1000, 128], strides = [1, 1]} : vector<1000x384xf32> to vector<1000x128xf32>
    %slice3A_47 = vector.extract_strided_slice %dot_general3A_37 {offsets = [0, 128], sizes = [1000, 128], strides = [1, 1]} : vector<1000x384xf32> to vector<1000x128xf32>
    %slice3A_48 = vector.extract_strided_slice %dot_general3A_42 {offsets = [0, 128], sizes = [1000, 128], strides = [1, 1]} : vector<1000x384xf32> to vector<1000x128xf32>
    %slice3A_49 = vector.extract_strided_slice %dot_general3A_32 {offsets = [0, 256], sizes = [1000, 128], strides = [1, 1]} : vector<1000x384xf32> to vector<1000x128xf32>
    %slice3A_50 = vector.extract_strided_slice %dot_general3A_37 {offsets = [0, 256], sizes = [1000, 128], strides = [1, 1]} : vector<1000x384xf32> to vector<1000x128xf32>
    %slice3A_51 = vector.extract_strided_slice %dot_general3A_42 {offsets = [0, 256], sizes = [1000, 128], strides = [1, 1]} : vector<1000x384xf32> to vector<1000x128xf32>
    %mul3A_52 = arith.mulf %slice3A_49, %slice3A_49 : vector<1000x128xf32>
    %mul3A_53 = arith.mulf %slice3A_50, %slice3A_50 : vector<1000x128xf32>
    %add3A_54 = arith.addf %mul3A_52, %mul3A_53 : vector<1000x128xf32>
    %mul3A_55 = arith.mulf %slice3A_51, %slice3A_51 : vector<1000x128xf32>
    %add3A_56 = arith.addf %add3A_54, %mul3A_55 : vector<1000x128xf32>
    %sqrt3A = math.sqrt %add3A_56 : vector<1000x128xf32>
    %get3A_57 = arith.constant 0 : index
    %get3A_58 = arith.constant 0 : index
    %get3A_59 = vector.load %arg10[%get3A_57, %get3A_58] : memref<128x128xf32, #tpu.memory_space<vmem>>, vector<128x128xf32>
    %dot_general3A_60 = arith.constant dense<0.000000e+00> : vector<1000x128xf32>
    %dot_general3A_61 = tpu.matmul %mul3A_13, %get3A_59, %dot_general3A_60 {dimension_numbers = #tpu.dot_dimension_numbers<[1], [0], [0], [1], [0, 0, 1, 1], [], []>, transpose_lhs_hint = false} : vector<1000x128xf32>, vector<128x128xf32>, vector<1000x128xf32> -> vector<1000x128xf32>
    %get3A_62 = arith.constant 0 : index
    %get3A_63 = arith.constant 0 : index
    %get3A_64 = vector.load %arg11[%get3A_62, %get3A_63] : memref<128x128xf32, #tpu.memory_space<vmem>>, vector<128x128xf32>
    %dot_general3A_65 = arith.constant dense<0.000000e+00> : vector<1000x128xf32>
    %dot_general3A_66 = tpu.matmul %sqrt3A, %get3A_64, %dot_general3A_65 {dimension_numbers = #tpu.dot_dimension_numbers<[1], [0], [0], [1], [0, 0, 1, 1], [], []>, transpose_lhs_hint = false} : vector<1000x128xf32>, vector<128x128xf32>, vector<1000x128xf32> -> vector<1000x128xf32>
    %add3A_67 = arith.addf %dot_general3A_61, %dot_general3A_66 : vector<1000x128xf32>
    %get3A_68 = arith.constant 0 : index
    %get3A_69 = arith.constant 0 : index
    %get3A_70 = vector.load %arg12[%get3A_68, %get3A_69] : memref<1x128xf32, #tpu.memory_space<vmem>>, vector<1x128xf32>
    %add3A_71 = vector.broadcast %get3A_70 : vector<1x128xf32> to vector<1000x128xf32>
    %add3A_72 = arith.addf %add3A_67, %add3A_71 : vector<1000x128xf32>
    %mul3A_73 = arith.mulf %slice3A_43, %add3A_72 : vector<1000x128xf32>
    %add3A_74 = arith.addf %mul3A_73, %slice3A_46 : vector<1000x128xf32>
    %mul3A_75 = arith.mulf %slice3A_44, %add3A_72 : vector<1000x128xf32>
    %add3A_76 = arith.addf %mul3A_75, %slice3A_47 : vector<1000x128xf32>
    %mul3A_77 = arith.mulf %slice3A_45, %add3A_72 : vector<1000x128xf32>
    %add3A_78 = arith.addf %mul3A_77, %slice3A_48 : vector<1000x128xf32>
    %get3A_79 = arith.constant 0 : index
    %get3A_80 = arith.constant 0 : index
    %get3A_81 = vector.load %arg13[%get3A_79, %get3A_80] : memref<128x256xf32, #tpu.memory_space<vmem>>, vector<128x256xf32>
    %dot_general3A_82 = arith.constant dense<0.000000e+00> : vector<1000x256xf32>
    %dot_general3A_83 = tpu.matmul %add3A_74, %get3A_81, %dot_general3A_82 {dimension_numbers = #tpu.dot_dimension_numbers<[1], [0], [0], [1], [0, 0, 1, 1], [], []>, transpose_lhs_hint = false} : vector<1000x128xf32>, vector<128x256xf32>, vector<1000x256xf32> -> vector<1000x256xf32>
    %get3A_84 = arith.constant 0 : index
    %get3A_85 = arith.constant 0 : index
    %get3A_86 = vector.load %arg13[%get3A_84, %get3A_85] : memref<128x256xf32, #tpu.memory_space<vmem>>, vector<128x256xf32>
    %dot_general3A_87 = arith.constant dense<0.000000e+00> : vector<1000x256xf32>
    %dot_general3A_88 = tpu.matmul %add3A_76, %get3A_86, %dot_general3A_87 {dimension_numbers = #tpu.dot_dimension_numbers<[1], [0], [0], [1], [0, 0, 1, 1], [], []>, transpose_lhs_hint = false} : vector<1000x128xf32>, vector<128x256xf32>, vector<1000x256xf32> -> vector<1000x256xf32>
    %get3A_89 = arith.constant 0 : index
    %get3A_90 = arith.constant 0 : index
    %get3A_91 = vector.load %arg13[%get3A_89, %get3A_90] : memref<128x256xf32, #tpu.memory_space<vmem>>, vector<128x256xf32>
    %dot_general3A_92 = arith.constant dense<0.000000e+00> : vector<1000x256xf32>
    %dot_general3A_93 = tpu.matmul %add3A_78, %get3A_91, %dot_general3A_92 {dimension_numbers = #tpu.dot_dimension_numbers<[1], [0], [0], [1], [0, 0, 1, 1], [], []>, transpose_lhs_hint = false} : vector<1000x128xf32>, vector<128x256xf32>, vector<1000x256xf32> -> vector<1000x256xf32>
    %slice3A_94 = vector.extract_strided_slice %dot_general3A_83 {offsets = [0, 0], sizes = [1000, 128], strides = [1, 1]} : vector<1000x256xf32> to vector<1000x128xf32>
    %slice3A_95 = vector.extract_strided_slice %dot_general3A_83 {offsets = [0, 128], sizes = [1000, 128], strides = [1, 1]} : vector<1000x256xf32> to vector<1000x128xf32>
    %mul3A_96 = arith.mulf %slice3A_94, %slice3A_95 : vector<1000x128xf32>
    %add3A_97 = arith.constant 0.000000e+00 : f32
    %add3A_98 = vector.broadcast %add3A_97 : f32 to vector<1000x128xf32>
    %add3A_99 = arith.addf %add3A_98, %mul3A_96 : vector<1000x128xf32>
    %slice3A_100 = vector.extract_strided_slice %dot_general3A_88 {offsets = [0, 0], sizes = [1000, 128], strides = [1, 1]} : vector<1000x256xf32> to vector<1000x128xf32>
    %slice3A_101 = vector.extract_strided_slice %dot_general3A_88 {offsets = [0, 128], sizes = [1000, 128], strides = [1, 1]} : vector<1000x256xf32> to vector<1000x128xf32>
    %mul3A_102 = arith.mulf %slice3A_100, %slice3A_101 : vector<1000x128xf32>
    %add3A_103 = arith.addf %add3A_99, %mul3A_102 : vector<1000x128xf32>
    %slice3A_104 = vector.extract_strided_slice %dot_general3A_93 {offsets = [0, 0], sizes = [1000, 128], strides = [1, 1]} : vector<1000x256xf32> to vector<1000x128xf32>
    %slice3A_105 = vector.extract_strided_slice %dot_general3A_93 {offsets = [0, 128], sizes = [1000, 128], strides = [1, 1]} : vector<1000x256xf32> to vector<1000x128xf32>
    %mul3A_106 = arith.mulf %slice3A_104, %slice3A_105 : vector<1000x128xf32>
    %add3A_107 = arith.addf %add3A_103, %mul3A_106 : vector<1000x128xf32>
    %get3A_108 = arith.constant 0 : index
    %get3A_109 = arith.constant 0 : index
    %get3A_110 = vector.load %arg14[%get3A_108, %get3A_109] : memref<128x256xf32, #tpu.memory_space<vmem>>, vector<128x256xf32>
    %dot_general3A_111 = arith.constant dense<0.000000e+00> : vector<1000x256xf32>
    %dot_general3A_112 = tpu.matmul %mul3A_13, %get3A_110, %dot_general3A_111 {dimension_numbers = #tpu.dot_dimension_numbers<[1], [0], [0], [1], [0, 0, 1, 1], [], []>, transpose_lhs_hint = false} : vector<1000x128xf32>, vector<128x256xf32>, vector<1000x256xf32> -> vector<1000x256xf32>
    %get3A_113 = arith.constant 0 : index
    %get3A_114 = arith.constant 0 : index
    %get3A_115 = vector.load %arg15[%get3A_113, %get3A_114] : memref<1x256xf32, #tpu.memory_space<vmem>>, vector<1x256xf32>
    %add3A_116 = vector.broadcast %get3A_115 : vector<1x256xf32> to vector<1000x256xf32>
    %add3A_117 = arith.addf %dot_general3A_112, %add3A_116 : vector<1000x256xf32>
    %logistic3A = arith.negf %add3A_117 : vector<1000x256xf32>
    %logistic3A_118 = math.exp %logistic3A : vector<1000x256xf32>
    %logistic3A_119 = arith.constant 1.000000e+00 : f32
    %logistic3A_120 = vector.broadcast %logistic3A_119 : f32 to vector<1000x256xf32>
    %logistic3A_121 = arith.addf %logistic3A_120, %logistic3A_118 : vector<1000x256xf32>
    %logistic3A_122 = arith.divf %logistic3A_120, %logistic3A_121 : vector<1000x256xf32>
    %mul3A_123 = arith.mulf %add3A_117, %logistic3A_122 : vector<1000x256xf32>
    %slice3A_124 = vector.extract_strided_slice %mul3A_123 {offsets = [0, 0], sizes = [1000, 128], strides = [1, 1]} : vector<1000x256xf32> to vector<1000x128xf32>
    %mul3A_125 = arith.mulf %add3A_107, %slice3A_124 : vector<1000x128xf32>
    %slice3A_126 = vector.extract_strided_slice %mul3A_123 {offsets = [0, 128], sizes = [1000, 128], strides = [1, 1]} : vector<1000x256xf32> to vector<1000x128xf32>
    %add3A_127 = arith.addf %mul3A_125, %slice3A_126 : vector<1000x128xf32>
    %get3A_128 = arith.constant 0 : index
    %get3A_129 = arith.constant 0 : index
    %get3A_130 = vector.load %arg7[%get3A_128, %get3A_129] : memref<1000x128xf32, #tpu.memory_space<vmem>>, vector<1000x128xf32>
    %add3A_131 = arith.addf %add3A_127, %get3A_130 : vector<1000x128xf32>
    %reduce_sum3A = arith.constant dense<0.000000e+00> : vector<1000xf32>
    %reduce_sum3A_132 = vector.multi_reduction <add>, %add3A_131, %reduce_sum3A [1] : vector<1000x128xf32> to vector<1000xf32>
    %broadcast_in_dim3A = vector.shape_cast %reduce_sum3A_132 : vector<1000xf32> to vector<1000x1xf32>
    %div3A_133 = arith.constant 1.280000e+02 : f32
    %div3A_134 = vector.broadcast %div3A_133 : f32 to vector<1000x1xf32>
    %div3A_135 = arith.divf %broadcast_in_dim3A, %div3A_134 : vector<1000x1xf32>
    %sub3A = vector.broadcast %div3A_135 : vector<1000x1xf32> to vector<1000x128xf32>
    %sub3A_136 = arith.subf %add3A_131, %sub3A : vector<1000x128xf32>
    %integer_pow3A = arith.mulf %sub3A_136, %sub3A_136 : vector<1000x128xf32>
    %reduce_sum3A_137 = arith.constant dense<0.000000e+00> : vector<1000xf32>
    %reduce_sum3A_138 = vector.multi_reduction <add>, %integer_pow3A, %reduce_sum3A_137 [1] : vector<1000x128xf32> to vector<1000xf32>
    %broadcast_in_dim3A_139 = vector.shape_cast %reduce_sum3A_138 : vector<1000xf32> to vector<1000x1xf32>
    %div3A_140 = arith.constant 1.280000e+02 : f32
    %div3A_141 = vector.broadcast %div3A_140 : f32 to vector<1000x1xf32>
    %div3A_142 = arith.divf %broadcast_in_dim3A_139, %div3A_141 : vector<1000x1xf32>
    %sub3A_143 = vector.broadcast %div3A_135 : vector<1000x1xf32> to vector<1000x128xf32>
    %sub3A_144 = arith.subf %add3A_131, %sub3A_143 : vector<1000x128xf32>
    %add3A_145 = arith.constant 9.99999974E-6 : f32
    %add3A_146 = vector.broadcast %add3A_145 : f32 to vector<1000x1xf32>
    %add3A_147 = arith.addf %div3A_142, %add3A_146 : vector<1000x1xf32>
    %rsqrt3A = math.rsqrt %add3A_147 : vector<1000x1xf32>
    %mul3A_148 = vector.broadcast %rsqrt3A : vector<1000x1xf32> to vector<1000x128xf32>
    %mul3A_149 = arith.mulf %sub3A_144, %mul3A_148 : vector<1000x128xf32>
    %get3A_150 = arith.constant 0 : index
    %get3A_151 = arith.constant 0 : index
    %get3A_152 = vector.load %arg16[%get3A_150, %get3A_151] : memref<1x128xf32, #tpu.memory_space<vmem>>, vector<1x128xf32>
    %mul3A_153 = vector.broadcast %get3A_152 : vector<1x128xf32> to vector<1000x128xf32>
    %mul3A_154 = arith.mulf %mul3A_149, %mul3A_153 : vector<1000x128xf32>
    %get3A_155 = arith.constant 0 : index
    %get3A_156 = arith.constant 0 : index
    %get3A_157 = vector.load %arg17[%get3A_155, %get3A_156] : memref<1x128xf32, #tpu.memory_space<vmem>>, vector<1x128xf32>
    %add3A_158 = vector.broadcast %get3A_157 : vector<1x128xf32> to vector<1000x128xf32>
    %add3A_159 = arith.addf %mul3A_154, %add3A_158 : vector<1000x128xf32>
    %swap3A = arith.constant 0 : index
    %swap3A_160 = arith.constant 0 : index
    %swap3A_161 = vector.load %arg19[%swap3A, %swap3A_160] : memref<1000x128xf32, #tpu.memory_space<vmem>>, vector<1000x128xf32>
    tpu.vector_store %arg19[%swap3A, %swap3A_160], %add3A_159 {strides = array<i32>} : memref<1000x128xf32, #tpu.memory_space<vmem>>, vector<1000x128xf32>,
    %get3A_162 = arith.constant 0 : index
    %get3A_163 = arith.constant 0 : index
    %get3A_164 = vector.load %arg8[%get3A_162, %get3A_163] : memref<1000x384xf32, #tpu.memory_space<vmem>>, vector<1000x384xf32>
    %slice3A_165 = vector.extract_strided_slice %get3A_164 {offsets = [0, 0], sizes = [1000, 128], strides = [1, 1]} : vector<1000x384xf32> to vector<1000x128xf32>
    %add3A_166 = arith.addf %add3A_74, %slice3A_165 : vector<1000x128xf32>
    %slice3A_167 = vector.extract_strided_slice %get3A_164 {offsets = [0, 128], sizes = [1000, 128], strides = [1, 1]} : vector<1000x384xf32> to vector<1000x128xf32>
    %add3A_168 = arith.addf %add3A_76, %slice3A_167 : vector<1000x128xf32>
    %slice3A_169 = vector.extract_strided_slice %get3A_164 {offsets = [0, 256], sizes = [1000, 128], strides = [1, 1]} : vector<1000x384xf32> to vector<1000x128xf32>
    %add3A_170 = arith.addf %add3A_78, %slice3A_169 : vector<1000x128xf32>
    %mul3A_171 = arith.mulf %add3A_166, %add3A_166 : vector<1000x128xf32>
    %mul3A_172 = arith.mulf %add3A_168, %add3A_168 : vector<1000x128xf32>
    %add3A_173 = arith.addf %mul3A_171, %mul3A_172 : vector<1000x128xf32>
    %mul3A_174 = arith.mulf %add3A_170, %add3A_170 : vector<1000x128xf32>
    %add3A_175 = arith.addf %add3A_173, %mul3A_174 : vector<1000x128xf32>
    %sqrt3A_176 = math.sqrt %add3A_175 : vector<1000x128xf32>
    %get3A_177 = arith.constant 0 : index
    %get3A_178 = arith.constant 0 : index
    %get3A_179 = vector.load %arg18[%get3A_177, %get3A_178] : memref<1x128xf32, #tpu.memory_space<vmem>>, vector<1x128xf32>
    %add3A_180 = arith.constant 9.99999993E-9 : f32
    %add3A_181 = vector.broadcast %add3A_180 : f32 to vector<1000x128xf32>
    %add3A_182 = arith.addf %sqrt3A_176, %add3A_181 : vector<1000x128xf32>
    %div3A_183 = vector.broadcast %get3A_179 : vector<1x128xf32> to vector<1000x128xf32>
    %div3A_184 = arith.divf %div3A_183, %add3A_182 : vector<1000x128xf32>
    %mul3A_185 = arith.mulf %add3A_166, %div3A_184 : vector<1000x128xf32>
    %mul3A_186 = arith.mulf %add3A_168, %div3A_184 : vector<1000x128xf32>
    %mul3A_187 = arith.mulf %add3A_170, %div3A_184 : vector<1000x128xf32>
    %concatenate3A = tpu.concatenate %mul3A_185, %mul3A_186, %mul3A_187 in 1 : vector<1000x128xf32>, vector<1000x128xf32>, vector<1000x128xf32> -> vector<1000x384xf32>
    %swap3A_188 = arith.constant 0 : index
    %swap3A_189 = arith.constant 0 : index
    %swap3A_190 = vector.load %arg20[%swap3A_188, %swap3A_189] : memref<1000x384xf32, #tpu.memory_space<vmem>>, vector<1000x384xf32>
    tpu.vector_store %arg20[%swap3A_188, %swap3A_189], %concatenate3A {strides = array<i32>} : memref<1000x384xf32, #tpu.memory_space<vmem>>, vector<1000x384xf32>,
    return
  }
  func.func @transform_0(%arg0: i32) -> (i32, i32) {
    %c0_i32 = arith.constant 0 : i32
    %c0_i32_0 = arith.constant 0 : i32
    return %arg0, %c0_i32 : i32, i32
  }
  func.func @transform_1(%arg0: i32) -> (i32, i32) {
    %c0_i32 = arith.constant 0 : i32
    %c0_i32_0 = arith.constant 0 : i32
    return %arg0, %c0_i32 : i32, i32
  }
  func.func @transform_2(%arg0: i32) -> (i32, i32) {
    %c0_i32 = arith.constant 0 : i32
    %c0_i32_0 = arith.constant 0 : i32
    return %arg0, %c0_i32 : i32, i32
  }
  func.func @transform_3(%arg0: i32) -> (i32, i32) {
    %c0_i32 = arith.constant 0 : i32
    %c0_i32_0 = arith.constant 0 : i32
    return %arg0, %c0_i32 : i32, i32
  }
  func.func @transform_4(%arg0: i32) -> (i32, i32) {
    %c0_i32 = arith.constant 0 : i32
    %c0_i32_0 = arith.constant 0 : i32
    return %arg0, %c0_i32 : i32, i32
  }
  func.func @transform_5(%arg0: i32) -> (i32, i32) {
    %c0_i32 = arith.constant 0 : i32
    %c0_i32_0 = arith.constant 0 : i32
    return %arg0, %c0_i32 : i32, i32
  }
  func.func @transform_6(%arg0: i32) -> (i32, i32) {
    %c0_i32 = arith.constant 0 : i32
    %c0_i32_0 = arith.constant 0 : i32
    return %arg0, %c0_i32 : i32, i32
  }
  func.func @transform_7(%arg0: i32) -> (i32, i32) {
    %c0_i32 = arith.constant 0 : i32
    %c0_i32_0 = arith.constant 0 : i32
    return %arg0, %c0_i32 : i32, i32
  }
  func.func @transform_8(%arg0: i32) -> (i32, i32) {
    %c0_i32 = arith.constant 0 : i32
    %c0_i32_0 = arith.constant 0 : i32
    %c0_i32_1 = arith.constant 0 : i32
    return %c0_i32, %c0_i32_0 : i32, i32
  }
  func.func @transform_9(%arg0: i32) -> (i32, i32) {
    %c0_i32 = arith.constant 0 : i32
    %c0_i32_0 = arith.constant 0 : i32
    %c0_i32_1 = arith.constant 0 : i32
    return %c0_i32, %c0_i32_0 : i32, i32
  }
  func.func @transform_10(%arg0: i32) -> (i32, i32) {
    %c0_i32 = arith.constant 0 : i32
    %c0_i32_0 = arith.constant 0 : i32
    %c0_i32_1 = arith.constant 0 : i32
    return %c0_i32, %c0_i32_0 : i32, i32
  }
  func.func @transform_11(%arg0: i32) -> (i32, i32) {
    %c0_i32 = arith.constant 0 : i32
    %c0_i32_0 = arith.constant 0 : i32
    %c0_i32_1 = arith.constant 0 : i32
    return %c0_i32, %c0_i32_0 : i32, i32
  }
  func.func @transform_12(%arg0: i32) -> (i32, i32) {
    %c0_i32 = arith.constant 0 : i32
    %c0_i32_0 = arith.constant 0 : i32
    %c0_i32_1 = arith.constant 0 : i32
    return %c0_i32, %c0_i32_0 : i32, i32
  }
  func.func @transform_13(%arg0: i32) -> (i32, i32) {
    %c0_i32 = arith.constant 0 : i32
    %c0_i32_0 = arith.constant 0 : i32
    %c0_i32_1 = arith.constant 0 : i32
    return %c0_i32, %c0_i32_0 : i32, i32
  }
  func.func @transform_14(%arg0: i32) -> (i32, i32) {
    %c0_i32 = arith.constant 0 : i32
    %c0_i32_0 = arith.constant 0 : i32
    %c0_i32_1 = arith.constant 0 : i32
    return %c0_i32, %c0_i32_0 : i32, i32
  }
  func.func @transform_15(%arg0: i32) -> (i32, i32) {
    %c0_i32 = arith.constant 0 : i32
    %c0_i32_0 = arith.constant 0 : i32
    %c0_i32_1 = arith.constant 0 : i32
    return %c0_i32, %c0_i32_0 : i32, i32
  }
  func.func @transform_16(%arg0: i32) -> (i32, i32) {
    %c0_i32 = arith.constant 0 : i32
    %c0_i32_0 = arith.constant 0 : i32
    %c0_i32_1 = arith.constant 0 : i32
    return %c0_i32, %c0_i32_0 : i32, i32
  }
  func.func @transform_17(%arg0: i32) -> (i32, i32) {
    %c0_i32 = arith.constant 0 : i32
    %c0_i32_0 = arith.constant 0 : i32
    %c0_i32_1 = arith.constant 0 : i32
    return %c0_i32, %c0_i32_0 : i32, i32
  }
  func.func @transform_18(%arg0: i32) -> (i32, i32) {
    %c0_i32 = arith.constant 0 : i32
    %c0_i32_0 = arith.constant 0 : i32
    return %arg0, %c0_i32 : i32, i32
  }
  func.func @transform_19(%arg0: i32) -> (i32, i32) {
    %c0_i32 = arith.constant 0 : i32
    %c0_i32_0 = arith.constant 0 : i32
    return %arg0, %c0_i32 : i32, i32
  }
}

</mosaic_0001>

<sc_bundles>
// kernel: kernel.6.cloned.1.call-start
scs
__scs_entry_jumppad:
0x0: {  	(pc) =	sbr.rel $0x88, $3  }
0x1: {  	(tag) =	ssettag $0x0;
	lr =	simm.s32 $0x1  }
0x2: {  	[smem:$0x3F85] =	sst lr;
	_ =	strace $0xD0000000  }
0x3: {  	_ = 	snop  }
0x4: {  	_ = 	snop  }
0x5: {  	_ = 	snop  }
0x6: {  	_ = 	snop  }
0x7: {  	_ = 	snop  }
__scs_overlays_trampoline_lowered:
0x8: {  	[smem:$0x3F94] =	sst s0  }
0x9: {  	[smem:$0x3F95] =	sst s1  }
0xa: {  	[smem:$0x3F96] =	sst s2  }
0xb: {  	[smem:$0x3F97] =	sst s3  }
0xc: {  	[smem:$0x3F98] =	sst s4  }
0xd: {  	[smem:$0x3F99] =	sst s5  }
0xe: {  	[smem:$0x3F9A] =	sst s6  }
0xf: {  	[smem:$0x3F9B] =	sst s7  }
0x10: {  	[smem:$0x3F9C] =	sst s8  }
0x11: {  	[smem:$0x3F9D] =	sst s9;
	s0 =	simm.s32 @!p0 $0x0  }
0x12: {  	s1 =	sld [smem:$0x3F83];
	s0 =	simm.s32 @p0 $0x1  }
0x13: {  	[smem:$0x3F9E] =	sst s0;
	s0 =	simm.s32 @!p1 $0x0  }
0x14: {  	s2 =	sld [smem:$0x3F82];
	s0 =	simm.s32 @p1 $0x1  }
0x15: {  	[smem:$0x3F9F] =	sst s0;
	s0 =	simm.s32 @!p2 $0x0  }
0x16: {  	s3 =	sld [smem:$0x3FDB];
	s0 =	simm.s32 @p2 $0x1  }
0x17: {  	s4 =	simm.s32 $0x1BF5;
	[smem:$0x3FA1] =	sst s0  }
0x18: {  	s0 =	sld [smem:$0x3F84];
	_ =	swait.ge [sflag:s4], $0x0  }
0x19: {  	s7 =	sld [smem:$0x3F85]  }
0x1a: {  	s8 =	sadd.s32 $0xFFFFE003, lr  }
0x1b: {  	s9 =	sadd.s32 $0xFFFFFEF7, lr;
	s5 =	simm.s32 $0xFFFFFFFF;
	p2 =	slt.u32 s8, $0xFFFFF086  }
0x1c: {  	p1 =	slt.u32 s9, $0xF7A;
	s5 =	simm.s32 @!p2 $0x0  }
0x1d: {  	s5 =	simm.s32 @p1 $0x1;
	p0 =	seq.s32 s7, s2  }
0x1e: {  	s7 =	smul.u32 @!p0 $0xF7A, s2;
	p2 =	seq.s32 @!p0 s5, $0x0  }
0x1f: {  	s9 =	smul.u32 $0xF7A, s1;
	s8 =	simm.s32 @!p0 $0x1BF5;
	p2 =	por !p2, p0  }
0x20: {  	[sflag:s8] =	ssyncset.s32 @!p0 $0xFFFFF086;
	s6 =	sadd.s32 @!p0 s3, s7;
	s7 =	simm.s32 @!p0 $0x108  }
0x21: {  	s3 =	sadd.s32 s3, s9;
	s6 =	sadd.s32 @!p0 $0x88, s6;
	s7 =	simm.s32 @p2 $0x1082  }
0x22: {  	[simem:s7], [sflag:s8] =	dma.local @!p0 [hbm:s6], $0xF7A  }
0x23: {  	s9 =	sor.u32 $0xD0000000, s2;
	s6 =	simm.s32 $0x108;
	_ =	swait.ge @!p0 [sflag:s8], $0x0  }
0x24: {  	s3 =	sadd.s32 $0x88, s3;
	s6 =	simm.s32 @!p1 $0x1082;
	[sflag:s4] =	ssyncset.s32 $0xFFFFF086  }
0x25: {  	[simem:s6], [sflag:s4] =	dma.local [hbm:s3], $0xF7A  }
0x26: {  	[smem:$0x3F85] =	sst s1;
	(tag) =	ssettag s2;
	_ =	strace s9  }
0x27: {  	s1 =	sld [smem:$0x3F95]  }
0x28: {  	s2 =	sld [smem:$0x3F96]  }
0x29: {  	s4 =	sld [smem:$0x3F98]  }
0x2a: {  	p0 =	seq.s32 s5, $0x0;
	s5 =	sld [smem:$0x3F99]  }
0x2b: {  	s6 =	sld [smem:$0x3F9A]  }
0x2c: {  	s7 =	sld [smem:$0x3F9B]  }
0x2d: {  	s3 =	simm.s32 $0x108;
	s8 =	sld [smem:$0x3F9C]  }
0x2e: {  	s3 =	simm.s32 @!p0 $0x1082;
	s9 =	sld [smem:$0x3F9D]  }
0x2f: {  	lr =	sadd.s32 s0, s3;
	s0 =	sld [smem:$0x3F94]  }
0x30: {  	s3 =	sld [smem:$0x3F97]  }
0x31: {  	[smem:$0x3FA0] =	sst s10  }
0x32: {  	s10 =	sld [smem:$0x3F9E];
	_ =	sdelay $0x3  }
0x33: {  	p0 =	seq.s32 s10, $0x1;
	s10 =	sld [smem:$0x3FA0];
	_ =	sdelay $0x3  }
0x34: {  	[smem:$0x3FA0] =	sst s10  }
0x35: {  	s10 =	sld [smem:$0x3F9F];
	_ =	sdelay $0x3  }
0x36: {  	p1 =	seq.s32 s10, $0x1;
	s10 =	sld [smem:$0x3FA0];
	_ =	sdelay $0x3  }
0x37: {  	[smem:$0x3FA0] =	sst s10  }
0x38: {  	s10 =	sld [smem:$0x3FA1]  }
0x39: {  	_ = 	snop;
	(pc) =	sbr.ind lr, $3  }
0x3a: {  	_ = 	snop  }
0x3b: {  	_ = 	snop  }
0x3c: {  	p2 =	seq.s32 s10, $0x1;
	s10 =	sld [smem:$0x3FA0]  }
0x3d: {  	_ =	shalt  }
0x3e: {  	_ =	shalt  }
0x3f: {  	_ =	shalt  }
0x40: {  	_ =	shalt  }
0x41: {  	_ =	shalt  }
0x42: {  	_ =	shalt  }
0x43: {  	_ =	shalt  }
0x44: {  	_ =	shalt  }
0x45: {  	_ =	shalt  }
0x46: {  	_ =	shalt  }
0x47: {  	_ =	shalt  }
0x48: {  	_ =	shalt  }
0x49: {  	_ =	shalt  }
0x4a: {  	_ =	shalt  }
0x4b: {  	_ =	shalt  }
0x4c: {  	_ =	shalt  }
0x4d: {  	_ =	shalt  }
0x4e: {  	_ =	shalt  }
0x4f: {  	_ =	shalt  }
0x50: {  	_ =	shalt  }
0x51: {  	_ =	shalt  }
0x52: {  	_ =	shalt  }
0x53: {  	_ =	shalt  }
0x54: {  	_ =	shalt  }
0x55: {  	_ =	shalt  }
0x56: {  	_ =	shalt  }
0x57: {  	_ =	shalt  }
0x58: {  	_ =	shalt  }
0x59: {  	_ =	shalt  }
0x5a: {  	_ =	shalt  }
0x5b: {  	_ =	shalt  }
0x5c: {  	_ =	shalt  }
0x5d: {  	_ =	shalt  }
0x5e: {  	_ =	shalt  }
0x5f: {  	_ =	shalt  }
0x60: {  	_ =	shalt  }
0x61: {  	_ =	shalt  }
0x62: {  	_ =	shalt  }
0x63: {  	_ =	shalt  }
0x64: {  	_ =	shalt  }
0x65: {  	_ =	shalt  }
0x66: {  	_ =	shalt  }
0x67: {  	_ =	shalt  }
0x68: {  	_ =	shalt  }
0x69: {  	_ =	shalt  }
0x6a: {  	_ =	shalt  }
0x6b: {  	_ =	shalt  }
0x6c: {  	_ =	shalt  }
0x6d: {  	_ =	shalt  }
0x6e: {  	_ =	shalt  }
0x6f: {  	_ =	shalt  }
0x70: {  	_ =	shalt  }
0x71: {  	_ =	shalt  }
0x72: {  	_ =	shalt  }
0x73: {  	_ =	shalt  }
0x74: {  	_ =	shalt  }
0x75: {  	_ =	shalt  }
0x76: {  	_ =	shalt  }
0x77: {  	_ =	shalt  }
0x78: {  	_ =	shalt  }
0x79: {  	_ =	shalt  }
0x7a: {  	_ =	shalt  }
0x7b: {  	_ =	shalt  }
0x7c: {  	_ =	shalt  }
0x7d: {  	_ =	shalt  }
0x7e: {  	_ =	shalt  }
0x7f: {  	_ =	shalt  }
0x80: {  	_ =	shalt  }
0x81: {  	_ =	shalt  }
0x82: {  	_ =	shalt  }
0x83: {  	_ =	shalt  }
0x84: {  	_ =	shalt  }
0x85: {  	_ =	shalt  }
0x86: {  	_ =	shalt  }
0x87: {  	_ =	shalt  }
.Lfunc_end0:
.L_simem_size_0:
called_computation.1_lowered:
.L_overlay_start_0:
0x88: {  	s2 =	sld [smem:$0x3FD9]  }
0x89: {  	s3 =	sld [smem:$0x3FFE];
	_ =	sdelay $0x1  }
0x8a: {  	s1 =	srdreg.scid  }
0x8b: {  	s0 =	sand.u32 $0x1, s1  }
0x8c: {  	s14 =	sshll.u32 s0, $0xA;
	s2 =	sadd.s32 s3, s2  }
0x8d: {  	s2 =	sadd.s32 s2, s14  }
0x8e: {  	[smem:$0x3FAC] =	sst s2  }
0x8f: {  	_ = 	snop  }
0x90: {  	s2 =	sld [smem:$0x3FD0];
	_ =	sdelay $0x2  }
0x91: {  	s4 =	simm.s32 $0xB;
	s5 =	simm.s32 $0x10;
	s15 =	sld [smem:$0x3FC9]  }
0x92: {  	[smem:s5], [sflag:s4] =	dma.local [hbm:s2], $0x1  }
0x93: {  	_ =	swait.eq [sflag:s4], $0x1  }
0x94: {  	[sflag:s4] =	ssyncset.done $0x0  }
0x95: {  	s16 =	sld [smem:$0x11];
	[sflag:s4] =	ssyncadd.s32 $0xFFFFFFFF  }
0x96: {  	s17 =	sld [smem:$0x12];
	(tm) =	ssettm $0x1  }
0x97: {  	s18 =	sld [smem:$0x3FFB];
	_ =	sdelay $0x3  }
0x98: {  	_ =	strace s18  }
0x99: {  	s5 =	sld [smem:$0x3FFC];
	_ =	sdelay $0x3  }
0x9a: {  	_ =	strace s5  }
0x9b: {  	s5 =	sld [smem:$0x3FFD];
	_ =	sdelay $0x3  }
0x9c: {  	_ =	strace s5  }
0x9d: {  	_ =	strace $0x8FFFFFFF  }
0x9e: {  	s19 =	sld [smem:$0x3FDB];
	_ =	sdelay $0x1  }
0x9f: {  	s6 =	simm.s32 $_scs_section_size  }
0xa0: {  	s7 =	simm.s32 $_size__tile_overlayer_lowered;
	s8 =	simm.s32 $_tile_overlayer_lowered  }
0xa1: {  	s22 =	simm.s32 $0x1BFF;
	s21 =	sshll.u32 s8, $0x1;
	s5 =	sadd.s32 s6, s19  }
0xa2: {  	s9 =	simm.s32 $0x0;
	s20 =	sshll.u32 s7, $0x1;
	s7 =	sadd.s32 s21, s5  }
0xa3: {  	[timem:s9], [sflag:s22] =	dma.local [hbm:s7], s20  }
0xa4: {  	_ =	swait.ge [sflag:s22], s20  }
0xa5: {  	s6 =	ssub.s32 $0x0, s20;
	[sflag:s22] =	ssyncset.done $0x0  }
0xa6: {  	[sflag:s22] =	ssyncadd.s32 s6;
	_ =	sdelay $0x1  }
0xa7: {  	s23 =	simm.s32 $0x1B8B  }
0xa8: {  	_ =	swait.ge [sflag:s23], $0x1  }
0xa9: {  	[sflag:s23] =	ssyncset.done $0x0  }
0xaa: {  	s25 =	simm.s32 $0x1B8E;
	s24 =	sld [smem:$0x3FFE];
	[sflag:s23] =	ssyncadd.s32 $0xFFFFFFFF  }
0xab: {  	s26 =	simm.s32 $execute0_lowered;
	[smem:$0x3FD2] =	sst s25  }
0xac: {  	s7 =	sshll.u32 s26, $0x1;
	_ =	strace $0x80000046;
	[dreg:$0x1] =	wrdreg $0xFFFFFFFF  }
0xad: {  	s28 =	simm.s32 $_size_execute0_lowered;
	s5 =	sadd.s32 s5, s7;
	[dreg:$0x0] =	wrdreg $0x0  }
0xae: {  	s7 =	sshll.u32 s28, $0x1;
	[dreg:$0x2] =	wrdreg s5  }
0xaf: {  	[dreg:$0x3] =	wrdreg s7  }
0xb0: {  	[dreg:$0x4] =	wrdreg $0xC0  }
0xb1: {  	_ =	task [dreg:s9], $0x5FFFF  }
0xb2: {  	[dreg:$0x1] =	wrdreg $0xFFFFFFFF  }
0xb3: {  	[dreg:$0x0] =	wrdreg $0x60  }
0xb4: {  	[dreg:$0x2] =	wrdreg s15  }
0xb5: {  	[dreg:$0x3] =	wrdreg s16  }
0xb6: {  	[dreg:$0x4] =	wrdreg s24  }
0xb7: {  	[dreg:$0x5] =	wrdreg s17  }
0xb8: {  	[dreg:$0x6] =	wrdreg $0x9  }
0xb9: {  	_ =	task.clear_ibuf [dreg:s9], $0x7FFFF;
	_ =	strace $0x90000046  }
0xba: {  	s29 =	simm.s32 $0x9;
	_ =	strace $0x80000048  }
0xbb: {  	_ =	swait.ge [sflag:s29], $0x1  }
0xbc: {  	[sflag:s29] =	ssyncadd.s32 $0xFFFFFFFF  }
0xbd: {  	_ =	strace $0x90000048  }
0xbe: {  	_ =	sfence  }
0xbf: {  	s30 =	sld [smem:$0x0];
	_ =	sdelay $0x2  }
0xc0: {  	s31 =	sshll.u32 s1, $0xD;
	s1 =	sshrl.u32 s1, $0x2  }
0xc1: {  	s3 =	sand.u32 $0x4000, s31;
	s1 =	sadd.s32 s1, s30  }
0xc2: {  	s0 =	sor.u32 s3, s0;
	s1 =	sshll.u32 s1, $0x11  }
0xc3: {  	s0 =	sor.u32 s1, s0  }
0xc4: {  	s0 =	sadd.s32 $0x8F2B, s0  }
0xc5: {  	[sflag:s0] =	ssyncadd.remote.s32 $0x1  }
0xc6: {  	_ =	sfence.sel $0xFFFF  }
0xc7: {  	[dreg:$0x0] =	wrdreg $0xFFFFFFFF;
	(pc) =	sbr.abs _section_cstart, $3  }
0xc8: {  	[dreg:$0x1] =	wrdreg $0xFFFFFFFF  }
0xc9: {  	_ =	task.clear_ibuf [dreg:s9], $0x2FFFF;
	_ =	strace $0x9FFFFFFF  }
0xca: {  	(tm) =	ssettm $0x7FFFFFFF  }
0xcb: {  	_ =	shalt  }
tec
execute0_lowered:
.L_overlay_start_1:
0x0: {  	(tag) =	ssettag $0x1  }
0x1: {  	s1 =	rddreg [dreg:$0x0]  }
0x2: {  	s0 =	srdreg.scid;
	s2 =	rddreg [dreg:$0x1]  }
0x3: {  	s16 =	stileid.u32;
	s5 =	rddreg [dreg:$0x2]  }
0x4: {  	s6 =	rddreg [dreg:$0x3];
	s4 =	simm.s32 $0x0;
	s17 =	simm.s32 $0x80  }
0x5: {  	s18 =	simm.s32 $0x2800;
	s31 =	simm.s32 $0x1;
	s28 =	simm.s32 $0xFC00  }
0x6: {  	s29 =	simm.s32 $0x10400;
	s0 =	sand.u32 $0x1, s0;
	s9 =	smul.u32 $0x2710, s16  }
0x7: {  	s3 =	sshll.u32 s16, $0x1;
	[smem:$0x7FF] =	sst s4;
	s22 =	smul.u32 $0x27100, s16  }
0x8: {  	s10 =	sadd.s32 $0x9E00, s5;
	s11 =	sadd.s32 $0x27AE00, s5;
	s12 =	smul.u32 $0x1388, s0  }
0x9: {  	s3 =	sor.u32 s0, s3;
	s13 =	ssub.s32 $0x2, s0;
	s0 =	smul.u32 $0x13880, s0  }
0xa: {  	_ =	strace $0x80000047;
	s3 =	smul.u32 $0x1388, s3;
	s14 =	sshrl.u32 s13, $0x1  }
0xb: {  	s26 =	sadd.s32 s22, s11;
	s30 =	sadd.s32 s22, s10;
	s22 =	simm.s32 $0xE000  }
0xc: {  	s9 =	sadd.s32 s12, s9;
	s19 =	ssub.s32 s13, s14;
	s12 =	simm.s32 $0xC800  }
0xd: {  	s13 =	simm.s32 $0xCC00;
	s14 =	simm.s32 $0xD400;
	s7 =	sshrl.u32 s3, $0x3  }
0xe: {  	s3 =	sadd.s32 $0x1308, s3;
	s9 =	sshrl.u32 s9, $0x3;
	s25 =	smax.u32 s19, $0x1  }
0xf: {  	s19 =	simm.s32 $0x6800;
	s8 =	sadd.s32 s7, s5;
	s5 =	sadd.s32 $0x4EBE00, s5  }
0x10: {  	s15 =	sshrl.u32 s3, $0x3;
	s6 =	sadd.s32 s6, s7;
	s21 =	smul.u32 $0x180, s9  }
0x11: {  	s7 =	sadd.s32 $0x100, s2;
	s3 =	sshll.u32 s3, $0x4;
	[dreg:$0xa] =	wrdreg s25  }
0x12: {  	s9 =	simm.s32 $0xB400;
	s25 =	simm.s32 $0xF000;
	s20 =	smul.u32 $0x180, s15  }
0x13: {  	s8 =	sadd.s32 $0x4E00, s8;
	[dreg:$0x6] =	wrdreg s6;
	s23 =	sadd.s32 s10, s3  }
0x14: {  	s3 =	sadd.s32 s11, s3;
	s15 =	simm.s32 $0x2;
	[dreg:$0x5] =	wrdreg s8  }
0x15: {  	s10 =	simm.s32 $0xBC00;
	s11 =	simm.s32 $0xC000;
	[dreg:$0x7] =	wrdreg s23  }
0x16: {  	[dreg:$0x8] =	wrdreg s3;
	s3 =	sadd.s32 s0, s26;
	s0 =	sadd.s32 s0, s30  }
0x17: {  	s23 =	simm.s32 $0xE400;
	s26 =	simm.s32 $0xF800;
	[dreg:$0xc] =	wrdreg s3  }
0x18: {  	v2 =	vlaneseq.u32;
	s24 =	sadd.s32 s5, s20;
	s5 =	sadd.s32 s21, s5;
	[dreg:$0xd] =	wrdreg s0  }
0x19: {  	vm0 =	vmmov $0xffff;
	vm1 =	vmmov $0xff;
	v1 =	vshrl.u32 v2, $0x3;
	s20 =	simm.s32 $0xA800;
	s3 =	simm.s32 $0x0;
	[dreg:$0x9] =	wrdreg s24  }
0x1a: {  	v0 =	vand.u32 $0x7, v2;
	v2 =	vor.u32 $0x8, v2;
	v1 =	vmul.u32 $0x8, v1;
	s21 =	simm.s32 $0xD800;
	[dreg:$0xb] =	wrdreg s5;
	s24 =	simm.s32 $0xEC00  }
.LBB2_1:
0x1b: {  	[dreg:$0xe] =	wrdreg s3  }
0x1c: {  	s0 =	rddreg [dreg:$0x5]  }
0x1d: {  	[tilespmem:s4], [sflag:$0x2] =	stream.linear.gather [hbm4b:s0+s4], $0x1388, $0x38;
	[tilespmem:$0x16800] =	vst v63  }
0x1e: {  	_ =	swait.ge [sflag:s15], $0x1388  }
0x1f: {  	[sflag:s15] =	ssyncset.done $0x0  }
0x20: {  	s30 =	simm.s32 $0x1400;
	s16 =	rddreg [dreg:$0x6];
	[sflag:s15] =	ssyncadd.s32 $0xFFFFEC78  }
0x21: {  	[tilespmem:s30], [sflag:$0x2] =	stream.linear.gather [hbm4b:s16+s4], $0x1388, $0x38;
	[tilespmem:$0x16800] =	vst v63  }
0x22: {  	_ =	swait.ge [sflag:s15], $0x1388  }
0x23: {  	s3 =	rddreg [dreg:$0xd]  }
0x24: {  	[sflag:s15] =	ssyncset.done $0x0;
	s0 =	rddreg [dreg:$0xc]  }
0x25: {  	s5 =	simm.s32 $0x0;
	s16 =	rddreg [dreg:$0xb];
	[sflag:s15] =	ssyncadd.s32 $0xFFFFEC78  }
.LBB2_2:
0x26: {  	s6 =	sshra.s32 s5, $0x2  }
0x27: {  	[tilespmem:s18], [sflag:$0x1] =	stream.indirect.gather [hbm4b:s1+s17], $0x80, s6, s17, $0xb8;
	[tilespmem:$0x16800] =	vst v63  }
0x28: {  	s8 =	sadd.s32 $0x1400, s6  }
0x29: {  	[tilespmem:s19], [sflag:$0x1] =	stream.indirect.gather [hbm4b:s1+s17], $0x80, s8, s17, $0xb8;
	[tilespmem:$0x16800] =	vst v63  }
0x2a: {  	v3 =	vld [tilespmem:s6+$0x0];
	_ =	sdelay $0x4  }
0x2b: {  	v4 =	vshrl.u32 v3, $0x3  }
0x2c: {  	v4 =	vmul.u32 $0x18, v4  }
0x2d: {  	v3 =	vand.u32 $0x7, v3  }
0x2e: {  	v3 =	vor.u32 v3, v4  }
0x2f: {  	v4 =	vperm.xlane v3, v0;
	_ =	sdelay $0x1  }
0x30: {  	v4 =	vadd.s32 v1, v4;
	_ =	sdelay $0x1  }
0x31: {  	v3 =	vperm.xlane v3, v2;
	_ =	sdelay $0x1  }
0x32: {  	v3 =	vadd.s32 v1, v3  }
0x33: {  	[tilespmem:s20], [sflag:$0x1] =	stream.indirect_vreg.gather [hbm4b:s2+s4], $0x80, v4, vm0, $0xb8;
	[tilespmem:$0x16800] =	vst v63  }
0x34: {  	s8 =	simm.s32 $0xB000  }
0x35: {  	[tilespmem:s8], [sflag:$0x1] =	stream.indirect_vreg.gather [hbm4b:s7+s4], $0x80, v4, vm1, $0xb8;
	[tilespmem:$0x16800] =	vst v63  }
0x36: {  	_ = 	snop  }
0x37: {  	[tilespmem:s9], [sflag:$0x1] =	stream.indirect_vreg.gather [hbm4b:s2+s4], $0x80, v3, vm0, $0xb8;
	[tilespmem:$0x16800] =	vst v63  }
0x38: {  	_ = 	snop  }
0x39: {  	[tilespmem:s10], [sflag:$0x1] =	stream.indirect_vreg.gather [hbm4b:s7+s4], $0x80, v3, vm1, $0xb8;
	[tilespmem:$0x16800] =	vst v63  }
0x3a: {  	v3 =	vld [tilespmem:s6+$0x10];
	_ =	sdelay $0x4  }
0x3b: {  	v57 =	vshrl.u32 v3, $0x3  }
0x3c: {  	v4 =	vmul.u32 $0x18, v57  }
0x3d: {  	v3 =	vand.u32 $0x7, v3  }
0x3e: {  	v3 =	vor.u32 v3, v4  }
0x3f: {  	v4 =	vperm.xlane v3, v0;
	_ =	sdelay $0x1  }
0x40: {  	v4 =	vadd.s32 v1, v4;
	_ =	sdelay $0x1  }
0x41: {  	v3 =	vperm.xlane v3, v2;
	_ =	sdelay $0x1  }
0x42: {  	v3 =	vadd.s32 v1, v3  }
0x43: {  	[tilespmem:s11], [sflag:$0x1] =	stream.indirect_vreg.gather [hbm4b:s2+s4], $0x80, v4, vm0, $0xb8;
	[tilespmem:$0x16800] =	vst v63  }
0x44: {  	_ = 	snop  }
0x45: {  	[tilespmem:s12], [sflag:$0x1] =	stream.indirect_vreg.gather [hbm4b:s7+s4], $0x80, v4, vm1, $0xb8;
	[tilespmem:$0x16800] =	vst v63  }
0x46: {  	_ = 	snop  }
0x47: {  	[tilespmem:s13], [sflag:$0x1] =	stream.indirect_vreg.gather [hbm4b:s2+s4], $0x80, v3, vm0, $0xb8;
	[tilespmem:$0x16800] =	vst v63  }
0x48: {  	_ = 	snop  }
0x49: {  	[tilespmem:s14], [sflag:$0x1] =	stream.indirect_vreg.gather [hbm4b:s7+s4], $0x80, v3, vm1, $0xb8;
	[tilespmem:$0x16800] =	vst v63  }
0x4a: {  	v3 =	vld [tilespmem:s6+$0x20];
	_ =	sdelay $0x4  }
0x4b: {  	v58 =	vshrl.u32 v3, $0x3  }
0x4c: {  	v4 =	vmul.u32 $0x18, v58  }
0x4d: {  	v3 =	vand.u32 $0x7, v3  }
0x4e: {  	v3 =	vor.u32 v3, v4  }
0x4f: {  	v4 =	vperm.xlane v3, v0;
	_ =	sdelay $0x1  }
0x50: {  	v4 =	vadd.s32 v1, v4;
	_ =	sdelay $0x1  }
0x51: {  	v3 =	vperm.xlane v3, v2;
	_ =	sdelay $0x1  }
0x52: {  	v3 =	vadd.s32 v1, v3  }
0x53: {  	[tilespmem:s21], [sflag:$0x1] =	stream.indirect_vreg.gather [hbm4b:s2+s4], $0x80, v4, vm0, $0xb8;
	[tilespmem:$0x16800] =	vst v63  }
0x54: {  	_ = 	snop  }
0x55: {  	[tilespmem:s22], [sflag:$0x1] =	stream.indirect_vreg.gather [hbm4b:s7+s4], $0x80, v4, vm1, $0xb8;
	[tilespmem:$0x16800] =	vst v63  }
0x56: {  	_ = 	snop  }
0x57: {  	[tilespmem:s23], [sflag:$0x1] =	stream.indirect_vreg.gather [hbm4b:s2+s4], $0x80, v3, vm0, $0xb8;
	[tilespmem:$0x16800] =	vst v63  }
0x58: {  	_ = 	snop  }
0x59: {  	[tilespmem:s24], [sflag:$0x1] =	stream.indirect_vreg.gather [hbm4b:s7+s4], $0x80, v3, vm1, $0xb8;
	[tilespmem:$0x16800] =	vst v63  }
0x5a: {  	v3 =	vld [tilespmem:s6+$0x30];
	_ =	sdelay $0x4  }
0x5b: {  	v59 =	vshrl.u32 v3, $0x3  }
0x5c: {  	v4 =	vmul.u32 $0x18, v59  }
0x5d: {  	v3 =	vand.u32 $0x7, v3  }
0x5e: {  	v3 =	vor.u32 v3, v4  }
0x5f: {  	v4 =	vperm.xlane v3, v0;
	_ =	sdelay $0x1  }
0x60: {  	v4 =	vadd.s32 v1, v4;
	_ =	sdelay $0x1  }
0x61: {  	v3 =	vperm.xlane v3, v2;
	_ =	sdelay $0x1  }
0x62: {  	v3 =	vadd.s32 v1, v3  }
0x63: {  	[tilespmem:s25], [sflag:$0x1] =	stream.indirect_vreg.gather [hbm4b:s2+s4], $0x80, v4, vm0, $0xb8;
	[tilespmem:$0x16800] =	vst v63  }
0x64: {  	_ = 	snop  }
0x65: {  	[tilespmem:s26], [sflag:$0x1] =	stream.indirect_vreg.gather [hbm4b:s7+s4], $0x80, v4, vm1, $0xb8;
	[tilespmem:$0x16800] =	vst v63  }
0x66: {  	_ = 	snop  }
0x67: {  	[tilespmem:s28], [sflag:$0x1] =	stream.indirect_vreg.gather [hbm4b:s2+s4], $0x80, v3, vm0, $0xb8;
	[tilespmem:$0x16800] =	vst v63  }
0x68: {  	_ = 	snop  }
0x69: {  	[tilespmem:s29], [sflag:$0x1] =	stream.indirect_vreg.gather [hbm4b:s7+s4], $0x80, v3, vm1, $0xb8;
	[tilespmem:$0x16800] =	vst v63  }
0x6a: {  	v3 =	vld [tilespmem:s6+$0x40];
	_ =	sdelay $0x4  }
0x6b: {  	v60 =	vshrl.u32 v3, $0x3  }
0x6c: {  	v4 =	vmul.u32 $0x18, v60  }
0x6d: {  	v3 =	vand.u32 $0x7, v3  }
0x6e: {  	v3 =	vor.u32 v3, v4  }
0x6f: {  	v4 =	vperm.xlane v3, v0;
	_ =	sdelay $0x1  }
0x70: {  	v4 =	vadd.s32 v1, v4;
	_ =	sdelay $0x1  }
0x71: {  	v3 =	vperm.xlane v3, v2;
	_ =	sdelay $0x1  }
0x72: {  	s30 =	simm.s32 $0x10800;
	v3 =	vadd.s32 v1, v3  }
0x73: {  	[tilespmem:s30], [sflag:$0x1] =	stream.indirect_vreg.gather [hbm4b:s2+s4], $0x80, v4, vm0, $0xb8;
	[tilespmem:$0x16800] =	vst v63  }
0x74: {  	s30 =	simm.s32 $0x11000  }
0x75: {  	[tilespmem:s30], [sflag:$0x1] =	stream.indirect_vreg.gather [hbm4b:s7+s4], $0x80, v4, vm1, $0xb8;
	[tilespmem:$0x16800] =	vst v63  }
0x76: {  	s30 =	simm.s32 $0x11400  }
0x77: {  	[tilespmem:s30], [sflag:$0x1] =	stream.indirect_vreg.gather [hbm4b:s2+s4], $0x80, v3, vm0, $0xb8;
	[tilespmem:$0x16800] =	vst v63  }
0x78: {  	s30 =	simm.s32 $0x11C00  }
0x79: {  	[tilespmem:s30], [sflag:$0x1] =	stream.indirect_vreg.gather [hbm4b:s7+s4], $0x80, v3, vm1, $0xb8;
	[tilespmem:$0x16800] =	vst v63  }
0x7a: {  	v3 =	vld [tilespmem:s6+$0x50];
	_ =	sdelay $0x4  }
0x7b: {  	v61 =	vshrl.u32 v3, $0x3  }
0x7c: {  	v4 =	vmul.u32 $0x18, v61  }
0x7d: {  	v3 =	vand.u32 $0x7, v3  }
0x7e: {  	v3 =	vor.u32 v3, v4  }
0x7f: {  	v4 =	vperm.xlane v3, v0;
	_ =	sdelay $0x1  }
0x80: {  	v4 =	vadd.s32 v1, v4;
	_ =	sdelay $0x1  }
0x81: {  	v3 =	vperm.xlane v3, v2;
	_ =	sdelay $0x1  }
0x82: {  	s30 =	simm.s32 $0x12000;
	v3 =	vadd.s32 v1, v3  }
0x83: {  	[tilespmem:s30], [sflag:$0x1] =	stream.indirect_vreg.gather [hbm4b:s2+s4], $0x80, v4, vm0, $0xb8;
	[tilespmem:$0x16800] =	vst v63  }
0x84: {  	s30 =	simm.s32 $0x12800  }
0x85: {  	[tilespmem:s30], [sflag:$0x1] =	stream.indirect_vreg.gather [hbm4b:s7+s4], $0x80, v4, vm1, $0xb8;
	[tilespmem:$0x16800] =	vst v63  }
0x86: {  	s30 =	simm.s32 $0x12C00  }
0x87: {  	[tilespmem:s30], [sflag:$0x1] =	stream.indirect_vreg.gather [hbm4b:s2+s4], $0x80, v3, vm0, $0xb8;
	[tilespmem:$0x16800] =	vst v63  }
0x88: {  	s30 =	simm.s32 $0x13400  }
0x89: {  	[tilespmem:s30], [sflag:$0x1] =	stream.indirect_vreg.gather [hbm4b:s7+s4], $0x80, v3, vm1, $0xb8;
	[tilespmem:$0x16800] =	vst v63  }
0x8a: {  	v3 =	vld [tilespmem:s6+$0x60];
	_ =	sdelay $0x4  }
0x8b: {  	v62 =	vshrl.u32 v3, $0x3  }
0x8c: {  	v4 =	vmul.u32 $0x18, v62  }
0x8d: {  	v3 =	vand.u32 $0x7, v3  }
0x8e: {  	v3 =	vor.u32 v3, v4  }
0x8f: {  	v4 =	vperm.xlane v3, v0;
	_ =	sdelay $0x1  }
0x90: {  	v4 =	vadd.s32 v1, v4;
	_ =	sdelay $0x1  }
0x91: {  	v3 =	vperm.xlane v3, v2;
	_ =	sdelay $0x1  }
0x92: {  	s30 =	simm.s32 $0x13800;
	v3 =	vadd.s32 v1, v3  }
0x93: {  	[tilespmem:s30], [sflag:$0x1] =	stream.indirect_vreg.gather [hbm4b:s2+s4], $0x80, v4, vm0, $0xb8;
	[tilespmem:$0x16800] =	vst v63  }
0x94: {  	s30 =	simm.s32 $0x14000  }
0x95: {  	[tilespmem:s30], [sflag:$0x1] =	stream.indirect_vreg.gather [hbm4b:s7+s4], $0x80, v4, vm1, $0xb8;
	[tilespmem:$0x16800] =	vst v63  }
0x96: {  	s30 =	simm.s32 $0x14400  }
0x97: {  	[tilespmem:s30], [sflag:$0x1] =	stream.indirect_vreg.gather [hbm4b:s2+s4], $0x80, v3, vm0, $0xb8;
	[tilespmem:$0x16800] =	vst v63  }
0x98: {  	s30 =	simm.s32 $0x14C00  }
0x99: {  	[tilespmem:s30], [sflag:$0x1] =	stream.indirect_vreg.gather [hbm4b:s7+s4], $0x80, v3, vm1, $0xb8;
	[tilespmem:$0x16800] =	vst v63  }
0x9a: {  	v3 =	vld [tilespmem:s6+$0x70];
	_ =	sdelay $0x4  }
0x9b: {  	v63 =	vshrl.u32 v3, $0x3  }
0x9c: {  	v4 =	vmul.u32 $0x18, v63  }
0x9d: {  	v3 =	vand.u32 $0x7, v3  }
0x9e: {  	v3 =	vor.u32 v3, v4  }
0x9f: {  	v4 =	vperm.xlane v3, v0;
	_ =	sdelay $0x1  }
0xa0: {  	v4 =	vadd.s32 v1, v4;
	_ =	sdelay $0x1  }
0xa1: {  	v3 =	vperm.xlane v3, v2;
	_ =	sdelay $0x1  }
0xa2: {  	s6 =	simm.s32 $0x15000;
	v3 =	vadd.s32 v1, v3  }
0xa3: {  	[tilespmem:s6], [sflag:$0x1] =	stream.indirect_vreg.gather [hbm4b:s2+s4], $0x80, v4, vm0, $0xb8;
	[tilespmem:$0x16800] =	vst v63  }
0xa4: {  	s30 =	simm.s32 $0x15800  }
0xa5: {  	[tilespmem:s30], [sflag:$0x1] =	stream.indirect_vreg.gather [hbm4b:s7+s4], $0x80, v4, vm1, $0xb8;
	[tilespmem:$0x16800] =	vst v63  }
0xa6: {  	s30 =	simm.s32 $0x15C00  }
0xa7: {  	[tilespmem:s30], [sflag:$0x1] =	stream.indirect_vreg.gather [hbm4b:s2+s4], $0x80, v3, vm0, $0xb8;
	[tilespmem:$0x16800] =	vst v63  }
0xa8: {  	s30 =	simm.s32 $0x16400  }
0xa9: {  	[tilespmem:s30], [sflag:$0x1] =	stream.indirect_vreg.gather [hbm4b:s7+s4], $0x80, v3, vm1, $0xb8;
	[tilespmem:$0x16800] =	vst v63  }
0xaa: {  	_ =	swait.ge [sflag:s31], $0x4000  }
0xab: {  	[sflag:s31] =	ssyncset.done $0x0  }
0xac: {  	[sflag:s31] =	ssyncadd.s32 $0xFFFFC000  }
0xad: {  	_ =	swait.ge [sflag:s31], $0x4000  }
0xae: {  	[sflag:s31] =	ssyncset.done $0x0  }
0xaf: {  	[sflag:s31] =	ssyncadd.s32 $0xFFFFC000  }
0xb0: {  	_ =	swait.ge [sflag:s31], $0xC000  }
0xb1: {  	[sflag:s31] =	ssyncset.done $0x0  }
0xb2: {  	[sflag:s31] =	ssyncadd.s32 $0xFFFF4000  }
0xb3: {  	[hbm4b:s3+s4] =	stream.linear.scatter [tilespmem:s18], [sflag:$0x2], $0x4000, $0x38;
	[tilespmem:$0x16800] =	vst v63  }
0xb4: {  	_ =	swait.ge [sflag:s15], $0x4000  }
0xb5: {  	[sflag:s15] =	ssyncset.done $0x0  }
0xb6: {  	[sflag:s15] =	ssyncadd.s32 $0xFFFFC000  }
0xb7: {  	[hbm4b:s0+s4] =	stream.linear.scatter [tilespmem:s19], [sflag:$0x2], $0x4000, $0x38;
	[tilespmem:$0x16800] =	vst v63  }
0xb8: {  	_ =	swait.ge [sflag:s15], $0x4000  }
0xb9: {  	p0 =	sne.s32 s5, $0x4C00;
	[sflag:s15] =	ssyncset.done $0x0  }
.Ltmp0:
0xba: {  	[sflag:s15] =	ssyncadd.s32 $0xFFFFC000;
	(pc) =	sbr.rel @p0 .LBB2_2-.Ltmp0, $4  }
0xbb: {  	[hbm4b:s16+s4] =	stream.linear.scatter [tilespmem:s20], [sflag:$0x2], $0xC000, $0x38;
	[tilespmem:$0x16800] =	vst v63  }
0xbc: {  	_ =	swait.ge [sflag:s15], $0xC000  }
0xbd: {  	s5 =	sadd.s32 $0x200, s5;
	s3 =	sadd.s32 $0x800, s3;
	[sflag:s15] =	ssyncset.done $0x0  }
0xbe: {  	s0 =	sadd.s32 $0x800, s0;
	s16 =	sadd.s32 $0x1800, s16;
	[sflag:s15] =	ssyncadd.s32 $0xFFFF4000  }
0xbf: {  	s0 =	simm.s32 $0x1308  }
0xc0: {  	[tilespmem:s18], [sflag:$0x1] =	stream.indirect.gather [hbm4b:s1+s17], $0x80, s0, s17, $0xb8;
	[tilespmem:$0x16800] =	vst v63  }
0xc1: {  	s5 =	simm.s32 $0x2708  }
0xc2: {  	[tilespmem:s19], [sflag:$0x1] =	stream.indirect.gather [hbm4b:s1+s17], $0x80, s5, s17, $0xb8;
	[tilespmem:$0x16800] =	vst v63  }
0xc3: {  	v3 =	vld [tilespmem:$0x1308];
	_ =	sdelay $0x4  }
0xc4: {  	v4 =	vshrl.u32 v3, $0x3  }
0xc5: {  	v4 =	vmul.u32 $0x18, v4  }
0xc6: {  	v3 =	vand.u32 $0x7, v3  }
0xc7: {  	v3 =	vor.u32 v3, v4  }
0xc8: {  	v4 =	vperm.xlane v3, v0;
	_ =	sdelay $0x1  }
0xc9: {  	v4 =	vadd.s32 v1, v4;
	_ =	sdelay $0x1  }
0xca: {  	v3 =	vperm.xlane v3, v2;
	_ =	sdelay $0x1  }
0xcb: {  	v3 =	vadd.s32 v1, v3  }
0xcc: {  	[tilespmem:s20], [sflag:$0x1] =	stream.indirect_vreg.gather [hbm4b:s2+s4], $0x80, v4, vm0, $0xb8;
	[tilespmem:$0x16800] =	vst v63  }
0xcd: {  	_ = 	snop  }
0xce: {  	[tilespmem:s8], [sflag:$0x1] =	stream.indirect_vreg.gather [hbm4b:s7+s4], $0x80, v4, vm1, $0xb8;
	[tilespmem:$0x16800] =	vst v63  }
0xcf: {  	_ = 	snop  }
0xd0: {  	[tilespmem:s9], [sflag:$0x1] =	stream.indirect_vreg.gather [hbm4b:s2+s4], $0x80, v3, vm0, $0xb8;
	[tilespmem:$0x16800] =	vst v63  }
0xd1: {  	_ = 	snop  }
0xd2: {  	[tilespmem:s10], [sflag:$0x1] =	stream.indirect_vreg.gather [hbm4b:s7+s4], $0x80, v3, vm1, $0xb8;
	[tilespmem:$0x16800] =	vst v63  }
0xd3: {  	v3 =	vld [tilespmem:$0x1318];
	_ =	sdelay $0x4  }
0xd4: {  	v57 =	vshrl.u32 v3, $0x3  }
0xd5: {  	v4 =	vmul.u32 $0x18, v57  }
0xd6: {  	v3 =	vand.u32 $0x7, v3  }
0xd7: {  	v3 =	vor.u32 v3, v4  }
0xd8: {  	v4 =	vperm.xlane v3, v0;
	_ =	sdelay $0x1  }
0xd9: {  	v4 =	vadd.s32 v1, v4;
	_ =	sdelay $0x1  }
0xda: {  	v3 =	vperm.xlane v3, v2;
	_ =	sdelay $0x1  }
0xdb: {  	v3 =	vadd.s32 v1, v3  }
0xdc: {  	[tilespmem:s11], [sflag:$0x1] =	stream.indirect_vreg.gather [hbm4b:s2+s4], $0x80, v4, vm0, $0xb8;
	[tilespmem:$0x16800] =	vst v63  }
0xdd: {  	_ = 	snop  }
0xde: {  	[tilespmem:s12], [sflag:$0x1] =	stream.indirect_vreg.gather [hbm4b:s7+s4], $0x80, v4, vm1, $0xb8;
	[tilespmem:$0x16800] =	vst v63  }
0xdf: {  	_ = 	snop  }
0xe0: {  	[tilespmem:s13], [sflag:$0x1] =	stream.indirect_vreg.gather [hbm4b:s2+s4], $0x80, v3, vm0, $0xb8;
	[tilespmem:$0x16800] =	vst v63  }
0xe1: {  	_ = 	snop  }
0xe2: {  	[tilespmem:s14], [sflag:$0x1] =	stream.indirect_vreg.gather [hbm4b:s7+s4], $0x80, v3, vm1, $0xb8;
	[tilespmem:$0x16800] =	vst v63  }
0xe3: {  	v3 =	vld [tilespmem:$0x1328];
	_ =	sdelay $0x4  }
0xe4: {  	v58 =	vshrl.u32 v3, $0x3  }
0xe5: {  	v4 =	vmul.u32 $0x18, v58  }
0xe6: {  	v3 =	vand.u32 $0x7, v3  }
0xe7: {  	v3 =	vor.u32 v3, v4  }
0xe8: {  	v4 =	vperm.xlane v3, v0;
	_ =	sdelay $0x1  }
0xe9: {  	v4 =	vadd.s32 v1, v4;
	_ =	sdelay $0x1  }
0xea: {  	v3 =	vperm.xlane v3, v2;
	_ =	sdelay $0x1  }
0xeb: {  	v3 =	vadd.s32 v1, v3  }
0xec: {  	[tilespmem:s21], [sflag:$0x1] =	stream.indirect_vreg.gather [hbm4b:s2+s4], $0x80, v4, vm0, $0xb8;
	[tilespmem:$0x16800] =	vst v63  }
0xed: {  	_ = 	snop  }
0xee: {  	[tilespmem:s22], [sflag:$0x1] =	stream.indirect_vreg.gather [hbm4b:s7+s4], $0x80, v4, vm1, $0xb8;
	[tilespmem:$0x16800] =	vst v63  }
0xef: {  	_ = 	snop  }
0xf0: {  	[tilespmem:s23], [sflag:$0x1] =	stream.indirect_vreg.gather [hbm4b:s2+s4], $0x80, v3, vm0, $0xb8;
	[tilespmem:$0x16800] =	vst v63  }
0xf1: {  	_ = 	snop  }
0xf2: {  	[tilespmem:s24], [sflag:$0x1] =	stream.indirect_vreg.gather [hbm4b:s7+s4], $0x80, v3, vm1, $0xb8;
	[tilespmem:$0x16800] =	vst v63  }
0xf3: {  	v3 =	vld [tilespmem:$0x1338];
	_ =	sdelay $0x4  }
0xf4: {  	v59 =	vshrl.u32 v3, $0x3  }
0xf5: {  	v4 =	vmul.u32 $0x18, v59  }
0xf6: {  	v3 =	vand.u32 $0x7, v3  }
0xf7: {  	v3 =	vor.u32 v3, v4  }
0xf8: {  	v4 =	vperm.xlane v3, v0;
	_ =	sdelay $0x1  }
0xf9: {  	v4 =	vadd.s32 v1, v4;
	_ =	sdelay $0x1  }
0xfa: {  	v3 =	vperm.xlane v3, v2;
	_ =	sdelay $0x1  }
0xfb: {  	v3 =	vadd.s32 v1, v3  }
0xfc: {  	[tilespmem:s25], [sflag:$0x1] =	stream.indirect_vreg.gather [hbm4b:s2+s4], $0x80, v4, vm0, $0xb8;
	[tilespmem:$0x16800] =	vst v63  }
0xfd: {  	_ = 	snop  }
0xfe: {  	[tilespmem:s26], [sflag:$0x1] =	stream.indirect_vreg.gather [hbm4b:s7+s4], $0x80, v4, vm1, $0xb8;
	[tilespmem:$0x16800] =	vst v63  }
0xff: {  	_ = 	snop  }
0x100: {  	[tilespmem:s28], [sflag:$0x1] =	stream.indirect_vreg.gather [hbm4b:s2+s4], $0x80, v3, vm0, $0xb8;
	[tilespmem:$0x16800] =	vst v63  }
0x101: {  	_ = 	snop  }
0x102: {  	[tilespmem:s29], [sflag:$0x1] =	stream.indirect_vreg.gather [hbm4b:s7+s4], $0x80, v3, vm1, $0xb8;
	[tilespmem:$0x16800] =	vst v63  }
0x103: {  	v3 =	vld [tilespmem:$0x1348];
	_ =	sdelay $0x4  }
0x104: {  	v60 =	vshrl.u32 v3, $0x3  }
0x105: {  	v4 =	vmul.u32 $0x18, v60  }
0x106: {  	v3 =	vand.u32 $0x7, v3  }
0x107: {  	v3 =	vor.u32 v3, v4  }
0x108: {  	v4 =	vperm.xlane v3, v0;
	_ =	sdelay $0x1  }
0x109: {  	v4 =	vadd.s32 v1, v4;
	_ =	sdelay $0x1  }
0x10a: {  	v3 =	vperm.xlane v3, v2;
	_ =	sdelay $0x1  }
0x10b: {  	s8 =	simm.s32 $0x10800;
	v3 =	vadd.s32 v1, v3  }
0x10c: {  	[tilespmem:s8], [sflag:$0x1] =	stream.indirect_vreg.gather [hbm4b:s2+s4], $0x80, v4, vm0, $0xb8;
	[tilespmem:$0x16800] =	vst v63  }
0x10d: {  	s16 =	simm.s32 $0x11000  }
0x10e: {  	[tilespmem:s16], [sflag:$0x1] =	stream.indirect_vreg.gather [hbm4b:s7+s4], $0x80, v4, vm1, $0xb8;
	[tilespmem:$0x16800] =	vst v63  }
0x10f: {  	s30 =	simm.s32 $0x11400  }
0x110: {  	[tilespmem:s30], [sflag:$0x1] =	stream.indirect_vreg.gather [hbm4b:s2+s4], $0x80, v3, vm0, $0xb8;
	[tilespmem:$0x16800] =	vst v63  }
0x111: {  	s3 =	simm.s32 $0x11C00  }
0x112: {  	[tilespmem:s3], [sflag:$0x1] =	stream.indirect_vreg.gather [hbm4b:s7+s4], $0x80, v3, vm1, $0xb8;
	[tilespmem:$0x16800] =	vst v63  }
0x113: {  	v3 =	vld [tilespmem:$0x1358];
	_ =	sdelay $0x4  }
0x114: {  	v61 =	vshrl.u32 v3, $0x3  }
0x115: {  	v4 =	vmul.u32 $0x18, v61  }
0x116: {  	v3 =	vand.u32 $0x7, v3  }
0x117: {  	v3 =	vor.u32 v3, v4  }
0x118: {  	v4 =	vperm.xlane v3, v0;
	_ =	sdelay $0x1  }
0x119: {  	v4 =	vadd.s32 v1, v4;
	_ =	sdelay $0x1  }
0x11a: {  	v3 =	vperm.xlane v3, v2;
	_ =	sdelay $0x1  }
0x11b: {  	s5 =	simm.s32 $0x12000;
	v3 =	vadd.s32 v1, v3  }
0x11c: {  	[tilespmem:s5], [sflag:$0x1] =	stream.indirect_vreg.gather [hbm4b:s2+s4], $0x80, v4, vm0, $0xb8;
	[tilespmem:$0x16800] =	vst v63  }
0x11d: {  	s8 =	simm.s32 $0x12800  }
0x11e: {  	[tilespmem:s8], [sflag:$0x1] =	stream.indirect_vreg.gather [hbm4b:s7+s4], $0x80, v4, vm1, $0xb8;
	[tilespmem:$0x16800] =	vst v63  }
0x11f: {  	s16 =	simm.s32 $0x12C00  }
0x120: {  	[tilespmem:s16], [sflag:$0x1] =	stream.indirect_vreg.gather [hbm4b:s2+s4], $0x80, v3, vm0, $0xb8;
	[tilespmem:$0x16800] =	vst v63  }
0x121: {  	s30 =	simm.s32 $0x13400  }
0x122: {  	[tilespmem:s30], [sflag:$0x1] =	stream.indirect_vreg.gather [hbm4b:s7+s4], $0x80, v3, vm1, $0xb8;
	[tilespmem:$0x16800] =	vst v63  }
0x123: {  	v3 =	vld [tilespmem:$0x1368];
	_ =	sdelay $0x4  }
0x124: {  	v62 =	vshrl.u32 v3, $0x3  }
0x125: {  	v4 =	vmul.u32 $0x18, v62  }
0x126: {  	v3 =	vand.u32 $0x7, v3  }
0x127: {  	v3 =	vor.u32 v3, v4  }
0x128: {  	v4 =	vperm.xlane v3, v0;
	_ =	sdelay $0x1  }
0x129: {  	v4 =	vadd.s32 v1, v4;
	_ =	sdelay $0x1  }
0x12a: {  	v3 =	vperm.xlane v3, v2;
	_ =	sdelay $0x1  }
0x12b: {  	s3 =	simm.s32 $0x13800;
	v3 =	vadd.s32 v1, v3  }
0x12c: {  	[tilespmem:s3], [sflag:$0x1] =	stream.indirect_vreg.gather [hbm4b:s2+s4], $0x80, v4, vm0, $0xb8;
	[tilespmem:$0x16800] =	vst v63  }
0x12d: {  	s5 =	simm.s32 $0x14000  }
0x12e: {  	[tilespmem:s5], [sflag:$0x1] =	stream.indirect_vreg.gather [hbm4b:s7+s4], $0x80, v4, vm1, $0xb8;
	[tilespmem:$0x16800] =	vst v63  }
0x12f: {  	s8 =	simm.s32 $0x14400  }
0x130: {  	[tilespmem:s8], [sflag:$0x1] =	stream.indirect_vreg.gather [hbm4b:s2+s4], $0x80, v3, vm0, $0xb8;
	[tilespmem:$0x16800] =	vst v63  }
0x131: {  	s16 =	simm.s32 $0x14C00  }
0x132: {  	[tilespmem:s16], [sflag:$0x1] =	stream.indirect_vreg.gather [hbm4b:s7+s4], $0x80, v3, vm1, $0xb8;
	[tilespmem:$0x16800] =	vst v63  }
0x133: {  	v3 =	vld [tilespmem:$0x1378];
	_ =	sdelay $0x4  }
0x134: {  	v63 =	vshrl.u32 v3, $0x3  }
0x135: {  	v4 =	vmul.u32 $0x18, v63  }
0x136: {  	v3 =	vand.u32 $0x7, v3  }
0x137: {  	v3 =	vor.u32 v3, v4  }
0x138: {  	v4 =	vperm.xlane v3, v0;
	_ =	sdelay $0x1  }
0x139: {  	v4 =	vadd.s32 v1, v4;
	_ =	sdelay $0x1  }
0x13a: {  	v3 =	vperm.xlane v3, v2;
	_ =	sdelay $0x1  }
0x13b: {  	v3 =	vadd.s32 v1, v3  }
0x13c: {  	[tilespmem:s6], [sflag:$0x1] =	stream.indirect_vreg.gather [hbm4b:s2+s4], $0x80, v4, vm0, $0xb8;
	[tilespmem:$0x16800] =	vst v63  }
0x13d: {  	s30 =	simm.s32 $0x15800  }
0x13e: {  	[tilespmem:s30], [sflag:$0x1] =	stream.indirect_vreg.gather [hbm4b:s7+s4], $0x80, v4, vm1, $0xb8;
	[tilespmem:$0x16800] =	vst v63  }
0x13f: {  	s3 =	simm.s32 $0x15C00  }
0x140: {  	[tilespmem:s3], [sflag:$0x1] =	stream.indirect_vreg.gather [hbm4b:s2+s4], $0x80, v3, vm0, $0xb8;
	[tilespmem:$0x16800] =	vst v63  }
0x141: {  	s5 =	simm.s32 $0x16400  }
0x142: {  	[tilespmem:s5], [sflag:$0x1] =	stream.indirect_vreg.gather [hbm4b:s7+s4], $0x80, v3, vm1, $0xb8;
	[tilespmem:$0x16800] =	vst v63  }
0x143: {  	_ =	swait.ge [sflag:s31], $0x4000  }
0x144: {  	[sflag:s31] =	ssyncset.done $0x0  }
0x145: {  	[sflag:s31] =	ssyncadd.s32 $0xFFFFC000  }
0x146: {  	_ =	swait.ge [sflag:s31], $0x4000  }
0x147: {  	[sflag:s31] =	ssyncset.done $0x0  }
0x148: {  	[sflag:s31] =	ssyncadd.s32 $0xFFFFC000  }
0x149: {  	_ =	swait.ge [sflag:s31], $0xC000  }
0x14a: {  	[sflag:s31] =	ssyncset.done $0x0  }
0x14b: {  	s6 =	rddreg [dreg:$0x7];
	[sflag:s31] =	ssyncadd.s32 $0xFFFF4000  }
0x14c: {  	[hbm4b:s6+s4] =	stream.linear.scatter [tilespmem:s18], [sflag:$0x2], $0x4000, $0x38;
	[tilespmem:$0x16800] =	vst v63  }
0x14d: {  	_ =	swait.ge [sflag:s15], $0x4000  }
0x14e: {  	[sflag:s15] =	ssyncset.done $0x0  }
0x14f: {  	s8 =	rddreg [dreg:$0x8];
	[sflag:s15] =	ssyncadd.s32 $0xFFFFC000  }
0x150: {  	[hbm4b:s8+s4] =	stream.linear.scatter [tilespmem:s19], [sflag:$0x2], $0x4000, $0x38;
	[tilespmem:$0x16800] =	vst v63  }
0x151: {  	_ =	swait.ge [sflag:s15], $0x4000  }
0x152: {  	[sflag:s15] =	ssyncset.done $0x0  }
0x153: {  	s16 =	rddreg [dreg:$0x9];
	[sflag:s15] =	ssyncadd.s32 $0xFFFFC000  }
0x154: {  	[hbm4b:s16+s4] =	stream.linear.scatter [tilespmem:s20], [sflag:$0x2], $0xC000, $0x38;
	[tilespmem:$0x16800] =	vst v63  }
0x155: {  	_ =	swait.ge [sflag:s15], $0xC000  }
0x156: {  	s3 =	rddreg [dreg:$0xe]  }
0x157: {  	s30 =	rddreg [dreg:$0xa];
	s3 =	sadd.s32 $0x1, s3  }
0x158: {  	p0 =	sne.s32 s3, s30  }
.Ltmp1:
0x159: {  	_ = 	snop;
	(pc) =	sbr.rel @p0 .LBB2_1-.Ltmp1, $3  }
0x15a: {  	_ =	sdelay $0x1  }
0x15b: {  	[sflag:s15] =	ssyncset.done $0x0  }
0x15c: {  	[sflag:s15] =	ssyncadd.s32 $0xFFFF4000  }
0x15d: {  	_ =	sfence.sel $0x180000  }
0x15e: {  	[bflag:$0x0] =	sbarrier.arrive $0xFFFF  }
0x15f: {  	_ =	strace $0x90000047  }
0x160: {  	s0 =	stileid.u32;
	[bflag:$0x2] =	sbarrier.arrive $0xFFFF  }
0x161: {  	p0 =	sne.s32 s0, $0x0;
	s0 =	rddreg [dreg:$0x4]  }
0x162: {  	s0 =	sadd.s32 @!p0 $0x100000, s0  }
0x163: {  	[sflag:s0] =	ssyncadd.tile.s32 @!p0 $0x1;
	_ =	shalt  }
.Lfunc_end2:
_tile_overlayer_lowered:
.L_overlay_start_2:
0x164: {  	(tag) =	ssettag $0x2  }
0x165: {  	s0 =	rddreg [dreg:$0x0];
	s2 =	stileid.u32  }
0x166: {  	s1 =	rddreg [dreg:$0x1];
	p0 =	sne.s32 s2, $0x0  }
0x167: {  	s3 =	rddreg [dreg:$0x2];
	[bflag:$0x3] =	sbarrier.arrive $0xFFFF;
	s2 =	simm.s32 @!p0 $0x1C02  }
0x168: {  	[timem:s3], [sflag:s2] =	dma.local @!p0 [hbm:s0], s1  }
0x169: {  	s0 =	simm.s32 @!p0 $0x2  }
0x16a: {  	_ =	swait.ge @!p0 [sflag:s0], s1  }
0x16b: {  	s1 =	ssub.s32 @!p0 $0x0, s1;
	[sflag:s0] =	ssyncset.done @!p0 $0x0  }
0x16c: {  	[sflag:s0] =	ssyncadd.s32 @!p0 s1  }
0x16d: {  	[bflag:$0x3] =	sbarrier.arrive $0xFFFF  }
0x16e: {  	_ =	shalt  }

// kernel: kernel.9.cloned.1.call-start
scs
__scs_entry_jumppad:
0x0: {  	(pc) =	sbr.rel $0x88, $3  }
0x1: {  	(tag) =	ssettag $0x0;
	lr =	simm.s32 $0x1  }
0x2: {  	[smem:$0x3F85] =	sst lr;
	_ =	strace $0xD0000000  }
0x3: {  	_ = 	snop  }
0x4: {  	_ = 	snop  }
0x5: {  	_ = 	snop  }
0x6: {  	_ = 	snop  }
0x7: {  	_ = 	snop  }
__scs_overlays_trampoline_lowered:
0x8: {  	[smem:$0x3F94] =	sst s0  }
0x9: {  	[smem:$0x3F95] =	sst s1  }
0xa: {  	[smem:$0x3F96] =	sst s2  }
0xb: {  	[smem:$0x3F97] =	sst s3  }
0xc: {  	[smem:$0x3F98] =	sst s4  }
0xd: {  	[smem:$0x3F99] =	sst s5  }
0xe: {  	[smem:$0x3F9A] =	sst s6  }
0xf: {  	[smem:$0x3F9B] =	sst s7  }
0x10: {  	[smem:$0x3F9C] =	sst s8  }
0x11: {  	[smem:$0x3F9D] =	sst s9;
	s0 =	simm.s32 @!p0 $0x0  }
0x12: {  	s1 =	sld [smem:$0x3F83];
	s0 =	simm.s32 @p0 $0x1  }
0x13: {  	[smem:$0x3F9E] =	sst s0;
	s0 =	simm.s32 @!p1 $0x0  }
0x14: {  	s2 =	sld [smem:$0x3F82];
	s0 =	simm.s32 @p1 $0x1  }
0x15: {  	[smem:$0x3F9F] =	sst s0;
	s0 =	simm.s32 @!p2 $0x0  }
0x16: {  	s3 =	sld [smem:$0x3FDB];
	s0 =	simm.s32 @p2 $0x1  }
0x17: {  	s4 =	simm.s32 $0x1BF5;
	[smem:$0x3FA1] =	sst s0  }
0x18: {  	s0 =	sld [smem:$0x3F84];
	_ =	swait.ge [sflag:s4], $0x0  }
0x19: {  	s7 =	sld [smem:$0x3F85]  }
0x1a: {  	s8 =	sadd.s32 $0xFFFFE003, lr  }
0x1b: {  	s9 =	sadd.s32 $0xFFFFFEF7, lr;
	s5 =	simm.s32 $0xFFFFFFFF;
	p2 =	slt.u32 s8, $0xFFFFF086  }
0x1c: {  	p1 =	slt.u32 s9, $0xF7A;
	s5 =	simm.s32 @!p2 $0x0  }
0x1d: {  	s5 =	simm.s32 @p1 $0x1;
	p0 =	seq.s32 s7, s2  }
0x1e: {  	s7 =	smul.u32 @!p0 $0xF7A, s2;
	p2 =	seq.s32 @!p0 s5, $0x0  }
0x1f: {  	s9 =	smul.u32 $0xF7A, s1;
	s8 =	simm.s32 @!p0 $0x1BF5;
	p2 =	por !p2, p0  }
0x20: {  	[sflag:s8] =	ssyncset.s32 @!p0 $0xFFFFF086;
	s6 =	sadd.s32 @!p0 s3, s7;
	s7 =	simm.s32 @!p0 $0x108  }
0x21: {  	s3 =	sadd.s32 s3, s9;
	s6 =	sadd.s32 @!p0 $0x88, s6;
	s7 =	simm.s32 @p2 $0x1082  }
0x22: {  	[simem:s7], [sflag:s8] =	dma.local @!p0 [hbm:s6], $0xF7A  }
0x23: {  	s9 =	sor.u32 $0xD0000000, s2;
	s6 =	simm.s32 $0x108;
	_ =	swait.ge @!p0 [sflag:s8], $0x0  }
0x24: {  	s3 =	sadd.s32 $0x88, s3;
	s6 =	simm.s32 @!p1 $0x1082;
	[sflag:s4] =	ssyncset.s32 $0xFFFFF086  }
0x25: {  	[simem:s6], [sflag:s4] =	dma.local [hbm:s3], $0xF7A  }
0x26: {  	[smem:$0x3F85] =	sst s1;
	(tag) =	ssettag s2;
	_ =	strace s9  }
0x27: {  	s1 =	sld [smem:$0x3F95]  }
0x28: {  	s2 =	sld [smem:$0x3F96]  }
0x29: {  	s4 =	sld [smem:$0x3F98]  }
0x2a: {  	p0 =	seq.s32 s5, $0x0;
	s5 =	sld [smem:$0x3F99]  }
0x2b: {  	s6 =	sld [smem:$0x3F9A]  }
0x2c: {  	s7 =	sld [smem:$0x3F9B]  }
0x2d: {  	s3 =	simm.s32 $0x108;
	s8 =	sld [smem:$0x3F9C]  }
0x2e: {  	s3 =	simm.s32 @!p0 $0x1082;
	s9 =	sld [smem:$0x3F9D]  }
0x2f: {  	lr =	sadd.s32 s0, s3;
	s0 =	sld [smem:$0x3F94]  }
0x30: {  	s3 =	sld [smem:$0x3F97]  }
0x31: {  	[smem:$0x3FA0] =	sst s10  }
0x32: {  	s10 =	sld [smem:$0x3F9E];
	_ =	sdelay $0x3  }
0x33: {  	p0 =	seq.s32 s10, $0x1;
	s10 =	sld [smem:$0x3FA0];
	_ =	sdelay $0x3  }
0x34: {  	[smem:$0x3FA0] =	sst s10  }
0x35: {  	s10 =	sld [smem:$0x3F9F];
	_ =	sdelay $0x3  }
0x36: {  	p1 =	seq.s32 s10, $0x1;
	s10 =	sld [smem:$0x3FA0];
	_ =	sdelay $0x3  }
0x37: {  	[smem:$0x3FA0] =	sst s10  }
0x38: {  	s10 =	sld [smem:$0x3FA1]  }
0x39: {  	_ = 	snop;
	(pc) =	sbr.ind lr, $3  }
0x3a: {  	_ = 	snop  }
0x3b: {  	_ = 	snop  }
0x3c: {  	p2 =	seq.s32 s10, $0x1;
	s10 =	sld [smem:$0x3FA0]  }
0x3d: {  	_ =	shalt  }
0x3e: {  	_ =	shalt  }
0x3f: {  	_ =	shalt  }
0x40: {  	_ =	shalt  }
0x41: {  	_ =	shalt  }
0x42: {  	_ =	shalt  }
0x43: {  	_ =	shalt  }
0x44: {  	_ =	shalt  }
0x45: {  	_ =	shalt  }
0x46: {  	_ =	shalt  }
0x47: {  	_ =	shalt  }
0x48: {  	_ =	shalt  }
0x49: {  	_ =	shalt  }
0x4a: {  	_ =	shalt  }
0x4b: {  	_ =	shalt  }
0x4c: {  	_ =	shalt  }
0x4d: {  	_ =	shalt  }
0x4e: {  	_ =	shalt  }
0x4f: {  	_ =	shalt  }
0x50: {  	_ =	shalt  }
0x51: {  	_ =	shalt  }
0x52: {  	_ =	shalt  }
0x53: {  	_ =	shalt  }
0x54: {  	_ =	shalt  }
0x55: {  	_ =	shalt  }
0x56: {  	_ =	shalt  }
0x57: {  	_ =	shalt  }
0x58: {  	_ =	shalt  }
0x59: {  	_ =	shalt  }
0x5a: {  	_ =	shalt  }
0x5b: {  	_ =	shalt  }
0x5c: {  	_ =	shalt  }
0x5d: {  	_ =	shalt  }
0x5e: {  	_ =	shalt  }
0x5f: {  	_ =	shalt  }
0x60: {  	_ =	shalt  }
0x61: {  	_ =	shalt  }
0x62: {  	_ =	shalt  }
0x63: {  	_ =	shalt  }
0x64: {  	_ =	shalt  }
0x65: {  	_ =	shalt  }
0x66: {  	_ =	shalt  }
0x67: {  	_ =	shalt  }
0x68: {  	_ =	shalt  }
0x69: {  	_ =	shalt  }
0x6a: {  	_ =	shalt  }
0x6b: {  	_ =	shalt  }
0x6c: {  	_ =	shalt  }
0x6d: {  	_ =	shalt  }
0x6e: {  	_ =	shalt  }
0x6f: {  	_ =	shalt  }
0x70: {  	_ =	shalt  }
0x71: {  	_ =	shalt  }
0x72: {  	_ =	shalt  }
0x73: {  	_ =	shalt  }
0x74: {  	_ =	shalt  }
0x75: {  	_ =	shalt  }
0x76: {  	_ =	shalt  }
0x77: {  	_ =	shalt  }
0x78: {  	_ =	shalt  }
0x79: {  	_ =	shalt  }
0x7a: {  	_ =	shalt  }
0x7b: {  	_ =	shalt  }
0x7c: {  	_ =	shalt  }
0x7d: {  	_ =	shalt  }
0x7e: {  	_ =	shalt  }
0x7f: {  	_ =	shalt  }
0x80: {  	_ =	shalt  }
0x81: {  	_ =	shalt  }
0x82: {  	_ =	shalt  }
0x83: {  	_ =	shalt  }
0x84: {  	_ =	shalt  }
0x85: {  	_ =	shalt  }
0x86: {  	_ =	shalt  }
0x87: {  	_ =	shalt  }
.Lfunc_end0:
.L_simem_size_0:
called_computation.2_lowered:
.L_overlay_start_0:
0x88: {  	s2 =	sld [smem:$0x3FD9]  }
0x89: {  	s3 =	sld [smem:$0x3FFE];
	_ =	sdelay $0x1  }
0x8a: {  	s1 =	srdreg.scid  }
0x8b: {  	s0 =	sand.u32 $0x1, s1  }
0x8c: {  	s14 =	sshll.u32 s0, $0xA;
	s2 =	sadd.s32 s3, s2  }
0x8d: {  	s2 =	sadd.s32 s2, s14  }
0x8e: {  	[smem:$0x3FAC] =	sst s2  }
0x8f: {  	_ = 	snop  }
0x90: {  	s2 =	sld [smem:$0x3FD0];
	_ =	sdelay $0x2  }
0x91: {  	s15 =	simm.s32 $0xB;
	s4 =	simm.s32 $0x10  }
0x92: {  	[smem:s4], [sflag:s15] =	dma.local [hbm:s2], $0x1  }
0x93: {  	_ =	swait.eq [sflag:s15], $0x1  }
0x94: {  	[sflag:s15] =	ssyncset.done $0x0  }
0x95: {  	[sflag:s15] =	ssyncadd.s32 $0xFFFFFFFF  }
0x96: {  	s16 =	sld [smem:$0x10];
	(tm) =	ssettm $0x1  }
0x97: {  	s17 =	sld [smem:$0x3FFB];
	_ =	sdelay $0x3  }
0x98: {  	_ =	strace s17  }
0x99: {  	s3 =	sld [smem:$0x3FFC];
	_ =	sdelay $0x3  }
0x9a: {  	_ =	strace s3  }
0x9b: {  	s3 =	sld [smem:$0x3FFD];
	_ =	sdelay $0x3  }
0x9c: {  	_ =	strace s3  }
0x9d: {  	_ =	strace $0x8FFFFFFF  }
0x9e: {  	s18 =	sld [smem:$0x3FDB];
	_ =	sdelay $0x1  }
0x9f: {  	s19 =	simm.s32 $_scs_section_size  }
0xa0: {  	s5 =	simm.s32 $_size__tile_overlayer_lowered;
	s6 =	simm.s32 $_tile_overlayer_lowered  }
0xa1: {  	s22 =	simm.s32 $0x1BFF;
	s21 =	sshll.u32 s6, $0x1;
	s3 =	sadd.s32 s19, s18  }
0xa2: {  	s7 =	simm.s32 $0x0;
	s20 =	sshll.u32 s5, $0x1;
	s5 =	sadd.s32 s21, s3  }
0xa3: {  	[timem:s7], [sflag:s22] =	dma.local [hbm:s5], s20  }
0xa4: {  	_ =	swait.ge [sflag:s22], s20  }
0xa5: {  	s4 =	ssub.s32 $0x0, s20;
	[sflag:s22] =	ssyncset.done $0x0  }
0xa6: {  	[sflag:s22] =	ssyncadd.s32 s4;
	_ =	sdelay $0x1  }
0xa7: {  	s23 =	simm.s32 $0x1B8B  }
0xa8: {  	_ =	swait.ge [sflag:s23], $0x1  }
0xa9: {  	[sflag:s23] =	ssyncset.done $0x0  }
0xaa: {  	s25 =	simm.s32 $0x1B8E;
	s24 =	sld [smem:$0x3FFE];
	[sflag:s23] =	ssyncadd.s32 $0xFFFFFFFF  }
0xab: {  	s26 =	simm.s32 $execute0_lowered;
	[smem:$0x3FD2] =	sst s25  }
0xac: {  	s5 =	sshll.u32 s26, $0x1;
	_ =	strace $0x80000049;
	[dreg:$0x1] =	wrdreg $0xFFFFFFFF  }
0xad: {  	s28 =	simm.s32 $_size_execute0_lowered;
	s3 =	sadd.s32 s3, s5;
	[dreg:$0x0] =	wrdreg $0x0  }
0xae: {  	s5 =	sshll.u32 s28, $0x1;
	[dreg:$0x2] =	wrdreg s3  }
0xaf: {  	[dreg:$0x3] =	wrdreg s5  }
0xb0: {  	[dreg:$0x4] =	wrdreg $0xC0  }
0xb1: {  	_ =	task [dreg:s7], $0x5FFFF  }
0xb2: {  	[dreg:$0x1] =	wrdreg $0xFFFFFFFF  }
0xb3: {  	[dreg:$0x0] =	wrdreg $0x60  }
0xb4: {  	[dreg:$0x2] =	wrdreg s24  }
0xb5: {  	[dreg:$0x3] =	wrdreg s16  }
0xb6: {  	[dreg:$0x4] =	wrdreg $0xB0000  }
0xb7: {  	[dreg:$0x5] =	wrdreg $0xA  }
0xb8: {  	_ =	task.clear_ibuf [dreg:s7], $0x6FFFF;
	_ =	strace $0x90000049  }
0xb9: {  	s29 =	simm.s32 $0xA;
	_ =	strace $0x8000004B  }
0xba: {  	_ =	swait.ge [sflag:s29], $0x1  }
0xbb: {  	[sflag:s29] =	ssyncadd.s32 $0xFFFFFFFF  }
0xbc: {  	_ =	strace $0x9000004B  }
0xbd: {  	_ =	sfence  }
0xbe: {  	s30 =	sld [smem:$0x0];
	_ =	sdelay $0x2  }
0xbf: {  	s31 =	sshll.u32 s1, $0xD;
	s1 =	sshrl.u32 s1, $0x2  }
0xc0: {  	s3 =	sand.u32 $0x4000, s31;
	s1 =	sadd.s32 s1, s30  }
0xc1: {  	s0 =	sor.u32 s3, s0;
	s1 =	sshll.u32 s1, $0x11  }
0xc2: {  	s0 =	sor.u32 s1, s0  }
0xc3: {  	s0 =	sadd.s32 $0x8F2B, s0  }
0xc4: {  	[sflag:s0] =	ssyncadd.remote.s32 $0x1  }
0xc5: {  	_ =	sfence.sel $0xFFFF  }
0xc6: {  	[dreg:$0x0] =	wrdreg $0xFFFFFFFF;
	(pc) =	sbr.abs _section_cstart, $3  }
0xc7: {  	[dreg:$0x1] =	wrdreg $0xFFFFFFFF  }
0xc8: {  	_ =	task.clear_ibuf [dreg:s7], $0x2FFFF;
	_ =	strace $0x9FFFFFFF  }
0xc9: {  	(tm) =	ssettm $0x7FFFFFFF  }
tec
execute0_lowered:
.L_overlay_start_1:
0x0: {  	(tag) =	ssettag $0x1  }
0x1: {  	s0 =	rddreg [dreg:$0x0]  }
0x2: {  	s6 =	rddreg [dreg:$0x1]  }
0x3: {  	s1 =	rddreg [dreg:$0x2]  }
0x4: {  	s2 =	simm.s32 $0x0;
	s3 =	stileid.u32;
	s8 =	srdreg.scid  }
0x5: {  	s29 =	simm.s32 $0x8800;
	s30 =	simm.s32 $0x50;
	[smem:$0x7FF] =	sst s2  }
0x6: {  	s31 =	simm.s32 $0x0;
	s7 =	sadd.s32 $0x1FC6E00, s0;
	s20 =	sadd.s32 $0x24A8E00, s0  }
0x7: {  	s4 =	sadd.s32 $0x5400, s0;
	s5 =	sadd.s32 $0x4E00, s0;
	s16 =	sadd.s32 $0x5800, s0  }
0x8: {  	s18 =	sadd.s32 $0x2D800, s0;
	s23 =	sadd.s32 $0x55800, s0;
	s9 =	smul.u32 $0x50000, s3  }
0x9: {  	s24 =	sadd.s32 $0x7D800, s0;
	s10 =	sadd.s32 $0xA5800, s0;
	s25 =	sand.u32 $0x1, s8  }
0xa: {  	s17 =	sadd.s32 $0xCD800, s0;
	_ =	strace $0x8000004A;
	[dreg:$0x4] =	wrdreg s10  }
0xb: {  	s11 =	sshll.u32 s3, $0xB;
	s26 =	smul.u32 $0x27100, s3;
	[dreg:$0x5] =	wrdreg s17  }
0xc: {  	s19 =	ssub.s32 $0x2, s25;
	p0 =	seq.s32 s25, $0x1;
	p1 =	seq.s32 s25, $0x0  }
0xd: {  	s21 =	sshrl.u32 s9, $0x2;
	s22 =	sshrl.u32 s19, $0x1;
	s9 =	sadd.s32 s6, s11  }
0xe: {  	s6 =	simm.s32 $0x2237E00;
	s23 =	smov.u32 @p1 s16;
	s20 =	smov.u32 @p1 s7  }
0xf: {  	s24 =	smov.u32 @p1 s18;
	s18 =	smul.u32 $0x2800, s3;
	s8 =	sadd.s32 s21, s1  }
0x10: {  	s22 =	ssub.s32 s19, s22;
	s6 =	simm.s32 @!p0 $0x1D55E00;
	s28 =	sadd.s32 s26, s20  }
0x11: {  	p0 =	sne.s32 s25, $0x0;
	s25 =	simm.s32 $0x1;
	s10 =	sadd.s32 $0x2000, s8  }
.Ltmp0:
0x12: {  	s11 =	sadd.s32 $0x4000, s8;
	s12 =	sadd.s32 $0x6000, s8;
	(pc) =	sbr.rel .LBB2_1-.Ltmp0, $4  }
0x13: {  	s13 =	sadd.s32 $0x8000, s8;
	s14 =	sadd.s32 $0xA000, s8;
	s15 =	sadd.s32 $0xC000, s8  }
0x14: {  	s0 =	sadd.s32 s6, s0;
	s16 =	sadd.s32 $0xE000, s8;
	s17 =	sadd.s32 $0x10000, s8  }
0x15: {  	s21 =	sadd.s32 $0x12000, s8;
	s22 =	smax.u32 s22, $0x1;
	s23 =	sadd.s32 s23, s18  }
0x16: {  	s24 =	sadd.s32 s24, s18;
	s19 =	sadd.s32 s26, s0;
	s26 =	simm.s32 $0x2000  }
.LBB2_11:
0x17: {  	[sflag:s25] =	ssyncset.done $0x0  }
0x18: {  	s7 =	rddreg [dreg:$0x5];
	[sflag:s25] =	ssyncadd.s32 $0xFFFFD800  }
.LBB2_12:
0x19: {  	s31 =	sadd.s32 $0x1, s31  }
0x1a: {  	p1 =	sne.s32 s31, s22  }
.Ltmp1:
0x1b: {  	s3 =	sadd.s32 s7, s18;
	[bflag:$0x0] =	sbarrier.arrive $0xFFFF;
	(pc) =	sbr.rel @!p1 .LBB2_13-.Ltmp1, $4  }
0x1c: {  	[hbm:s3], [sflag:s0] =	dma.local [spmem:s6], $0x2800  }
0x1d: {  	_ =	swait.ge [sflag:s25], $0x2800  }
0x1e: {  	[sflag:s25] =	ssyncset.done $0x0  }
0x1f: {  	[sflag:s25] =	ssyncadd.s32 $0xFFFFD800  }
.LBB2_1:
0x20: {  	[tilespmem:s2], [sflag:$0x1] =	stream.linear.gather [hbm4b:s4+s2], $0x2000, $0x38;
	[tilespmem:$0x1F000] =	vst v63  }
0x21: {  	_ =	swait.ge [sflag:s25], $0x2000  }
0x22: {  	[sflag:s25] =	ssyncset.done $0x0  }
0x23: {  	[sflag:s25] =	ssyncadd.s32 $0xFFFFE000  }
0x24: {  	[tilespmem:s26], [sflag:$0x1] =	stream.linear.gather [hbm4b:s5+s2], $0x2800, $0x38;
	[tilespmem:$0x1F000] =	vst v63  }
0x25: {  	_ =	swait.ge [sflag:s25], $0x2800  }
0x26: {  	[sflag:s25] =	ssyncset.done $0x0  }
0x27: {  	s0 =	simm.s32 $0x4800;
	[sflag:s25] =	ssyncadd.s32 $0xFFFFD800  }
0x28: {  	[tilespmem:s0], [sflag:$0x1] =	stream.linear.gather [hbm4b:s9+s2], $0x3E80, $0x38;
	[tilespmem:$0x1F000] =	vst v63  }
0x29: {  	_ =	swait.ge [sflag:s25], $0x3E80  }
0x2a: {  	[sflag:s25] =	ssyncset.done $0x0  }
0x2b: {  	[sflag:s25] =	ssyncadd.s32 $0xFFFFC180  }
0x2c: {  	[spmem:s8] =	stream.linear.scatter [tilespmem:s2], [sflag:$0x1], $0x2000, $0x38;
	[tilespmem:$0x1F000] =	vst v63  }
0x2d: {  	_ =	swait.ge [sflag:s25], $0x2000  }
0x2e: {  	[sflag:s25] =	ssyncset.done $0x0  }
0x2f: {  	[sflag:s25] =	ssyncadd.s32 $0xFFFFE000  }
0x30: {  	[spmem:s10] =	stream.linear.scatter [tilespmem:s2], [sflag:$0x1], $0x2000, $0x38;
	[tilespmem:$0x1F000] =	vst v63  }
0x31: {  	_ =	swait.ge [sflag:s25], $0x2000  }
0x32: {  	[sflag:s25] =	ssyncset.done $0x0  }
0x33: {  	[sflag:s25] =	ssyncadd.s32 $0xFFFFE000  }
0x34: {  	[spmem:s11] =	stream.linear.scatter [tilespmem:s2], [sflag:$0x1], $0x2000, $0x38;
	[tilespmem:$0x1F000] =	vst v63  }
0x35: {  	_ =	swait.ge [sflag:s25], $0x2000  }
0x36: {  	[sflag:s25] =	ssyncset.done $0x0  }
0x37: {  	[sflag:s25] =	ssyncadd.s32 $0xFFFFE000  }
0x38: {  	[spmem:s12] =	stream.linear.scatter [tilespmem:s2], [sflag:$0x1], $0x2000, $0x38;
	[tilespmem:$0x1F000] =	vst v63  }
0x39: {  	_ =	swait.ge [sflag:s25], $0x2000  }
0x3a: {  	[sflag:s25] =	ssyncset.done $0x0  }
0x3b: {  	[sflag:s25] =	ssyncadd.s32 $0xFFFFE000  }
0x3c: {  	[spmem:s13] =	stream.linear.scatter [tilespmem:s2], [sflag:$0x1], $0x2000, $0x38;
	[tilespmem:$0x1F000] =	vst v63  }
0x3d: {  	_ =	swait.ge [sflag:s25], $0x2000  }
0x3e: {  	[sflag:s25] =	ssyncset.done $0x0  }
0x3f: {  	[sflag:s25] =	ssyncadd.s32 $0xFFFFE000  }
0x40: {  	[spmem:s14] =	stream.linear.scatter [tilespmem:s2], [sflag:$0x1], $0x2000, $0x38;
	[tilespmem:$0x1F000] =	vst v63  }
0x41: {  	_ =	swait.ge [sflag:s25], $0x2000  }
0x42: {  	[sflag:s25] =	ssyncset.done $0x0  }
0x43: {  	[sflag:s25] =	ssyncadd.s32 $0xFFFFE000  }
0x44: {  	[spmem:s15] =	stream.linear.scatter [tilespmem:s2], [sflag:$0x1], $0x2000, $0x38;
	[tilespmem:$0x1F000] =	vst v63  }
0x45: {  	_ =	swait.ge [sflag:s25], $0x2000  }
0x46: {  	[sflag:s25] =	ssyncset.done $0x0  }
0x47: {  	[sflag:s25] =	ssyncadd.s32 $0xFFFFE000  }
0x48: {  	[spmem:s16] =	stream.linear.scatter [tilespmem:s2], [sflag:$0x1], $0x2000, $0x38;
	[tilespmem:$0x1F000] =	vst v63  }
0x49: {  	_ =	swait.ge [sflag:s25], $0x2000  }
0x4a: {  	[sflag:s25] =	ssyncset.done $0x0  }
0x4b: {  	[sflag:s25] =	ssyncadd.s32 $0xFFFFE000  }
0x4c: {  	[spmem:s17] =	stream.linear.scatter [tilespmem:s2], [sflag:$0x1], $0x2000, $0x38;
	[tilespmem:$0x1F000] =	vst v63  }
0x4d: {  	_ =	swait.ge [sflag:s25], $0x2000  }
0x4e: {  	[sflag:s25] =	ssyncset.done $0x0  }
0x4f: {  	[sflag:s25] =	ssyncadd.s32 $0xFFFFE000  }
0x50: {  	[spmem:s21] =	stream.linear.scatter [tilespmem:s2], [sflag:$0x1], $0x2000, $0x38;
	[tilespmem:$0x1F000] =	vst v63  }
0x51: {  	_ =	swait.ge [sflag:s25], $0x2000  }
0x52: {  	[sflag:s25] =	ssyncset.done $0x0  }
0x53: {  	[sflag:s25] =	ssyncadd.s32 $0xFFFFE000  }
0x54: {  	[bflag:$0x0] =	sbarrier.arrive $0xFFFF  }
0x55: {  	[tilespmem:s29], [sflag:$0x1] =	stream.linear.gather [hbm4b:s19+s2], $0x2800, $0x38;
	[tilespmem:$0x1F000] =	vst v63  }
0x56: {  	_ =	swait.ge [sflag:s25], $0x2800  }
0x57: {  	[sflag:s25] =	ssyncset.done $0x0  }
0x58: {  	s20 =	simm.s32 $0x4800;
	[sflag:s25] =	ssyncadd.s32 $0xFFFFD800  }
0x59: {  	[spmem:s1] =	stream.indirect.scatter.add.f32 [tilespmem:s29], [sflag:$0x1], $0x80, s20, s30, $0xb8;
	[tilespmem:$0x1F000] =	vst v63  }
0x5a: {  	_ =	swait.ge [sflag:s25], $0x2800  }
0x5b: {  	s6 =	smov.u32 s19;
	s0 =	simm.s32 $0x200;
	[sflag:s25] =	ssyncset.done $0x0  }
.LBB2_2:
0x5c: {  	p1 =	sne.s32 s0, $0xF800;
	[sflag:s25] =	ssyncadd.s32 $0xFFFFD800;
	s6 =	sadd.s32 $0x500, s6  }
0x5d: {  	[tilespmem:s29], [sflag:$0x1] =	stream.linear.gather [hbm4b:s6+s2], $0x2800, $0x38;
	[tilespmem:$0x1F000] =	vst v63  }
0x5e: {  	s7 =	smov.u32 s0;
	s0 =	sadd.s32 $0x200, s0;
	_ =	swait.ge [sflag:s25], $0x2800  }
.Ltmp2:
0x5f: {  	s7 =	sshra.s32 s7, $0x2;
	[sflag:s25] =	ssyncset.done $0x0;
	(pc) =	sbr.rel @p1 .LBB2_2-.Ltmp2, $4  }
0x60: {  	s7 =	sadd.s32 $0x4800, s7;
	[sflag:s25] =	ssyncadd.s32 $0xFFFFD800  }
0x61: {  	[spmem:s1] =	stream.indirect.scatter.add.f32 [tilespmem:s29], [sflag:$0x1], $0x80, s7, s30, $0xb8;
	[tilespmem:$0x1F000] =	vst v63  }
0x62: {  	_ =	swait.ge [sflag:s25], $0x2800  }
0x63: {  	[sflag:s25] =	ssyncset.done $0x0  }
0x64: {  	s0 =	stileid.u32  }
0x65: {  	[sflag:s25] =	ssyncadd.s32 $0xFFFFD800;
	s0 =	sshll.u32 s0, $0x6  }
0x66: {  	s6 =	sshrl.u32 s8, $0x3;
	[bflag:$0x0] =	sbarrier.arrive $0xFFFF;
	s0 =	sor.u32 $0x1C01, s0  }
0x67: {  	[hbm:s23], [sflag:s0] =	dma.local [spmem:s6], $0x2800  }
0x68: {  	_ =	swait.ge [sflag:s25], $0x2800  }
0x69: {  	[sflag:s25] =	ssyncset.done $0x0  }
0x6a: {  	s7 =	simm.s32 $0x0;
	[sflag:s25] =	ssyncadd.s32 $0xFFFFD800  }
0x6b: {  	[spmem:s8] =	stream.linear.scatter [tilespmem:s7], [sflag:$0x1], $0x2000, $0x38;
	[tilespmem:$0x1F000] =	vst v63  }
0x6c: {  	_ =	swait.ge [sflag:s25], $0x2000  }
0x6d: {  	[sflag:s25] =	ssyncset.done $0x0  }
0x6e: {  	[sflag:s25] =	ssyncadd.s32 $0xFFFFE000  }
0x6f: {  	[spmem:s10] =	stream.linear.scatter [tilespmem:s7], [sflag:$0x1], $0x2000, $0x38;
	[tilespmem:$0x1F000] =	vst v63  }
0x70: {  	_ =	swait.ge [sflag:s25], $0x2000  }
0x71: {  	[sflag:s25] =	ssyncset.done $0x0  }
0x72: {  	[sflag:s25] =	ssyncadd.s32 $0xFFFFE000  }
0x73: {  	[spmem:s11] =	stream.linear.scatter [tilespmem:s7], [sflag:$0x1], $0x2000, $0x38;
	[tilespmem:$0x1F000] =	vst v63  }
0x74: {  	_ =	swait.ge [sflag:s25], $0x2000  }
0x75: {  	[sflag:s25] =	ssyncset.done $0x0  }
0x76: {  	[sflag:s25] =	ssyncadd.s32 $0xFFFFE000  }
0x77: {  	[spmem:s12] =	stream.linear.scatter [tilespmem:s7], [sflag:$0x1], $0x2000, $0x38;
	[tilespmem:$0x1F000] =	vst v63  }
0x78: {  	_ =	swait.ge [sflag:s25], $0x2000  }
0x79: {  	[sflag:s25] =	ssyncset.done $0x0  }
0x7a: {  	[sflag:s25] =	ssyncadd.s32 $0xFFFFE000  }
0x7b: {  	[spmem:s13] =	stream.linear.scatter [tilespmem:s7], [sflag:$0x1], $0x2000, $0x38;
	[tilespmem:$0x1F000] =	vst v63  }
0x7c: {  	_ =	swait.ge [sflag:s25], $0x2000  }
0x7d: {  	[sflag:s25] =	ssyncset.done $0x0  }
0x7e: {  	[sflag:s25] =	ssyncadd.s32 $0xFFFFE000  }
0x7f: {  	[spmem:s14] =	stream.linear.scatter [tilespmem:s7], [sflag:$0x1], $0x2000, $0x38;
	[tilespmem:$0x1F000] =	vst v63  }
0x80: {  	_ =	swait.ge [sflag:s25], $0x2000  }
0x81: {  	[sflag:s25] =	ssyncset.done $0x0  }
0x82: {  	[sflag:s25] =	ssyncadd.s32 $0xFFFFE000  }
0x83: {  	[spmem:s15] =	stream.linear.scatter [tilespmem:s7], [sflag:$0x1], $0x2000, $0x38;
	[tilespmem:$0x1F000] =	vst v63  }
0x84: {  	_ =	swait.ge [sflag:s25], $0x2000  }
0x85: {  	[sflag:s25] =	ssyncset.done $0x0  }
0x86: {  	[sflag:s25] =	ssyncadd.s32 $0xFFFFE000  }
0x87: {  	[spmem:s16] =	stream.linear.scatter [tilespmem:s7], [sflag:$0x1], $0x2000, $0x38;
	[tilespmem:$0x1F000] =	vst v63  }
0x88: {  	_ =	swait.ge [sflag:s25], $0x2000  }
0x89: {  	[sflag:s25] =	ssyncset.done $0x0  }
0x8a: {  	[sflag:s25] =	ssyncadd.s32 $0xFFFFE000  }
0x8b: {  	[spmem:s17] =	stream.linear.scatter [tilespmem:s7], [sflag:$0x1], $0x2000, $0x38;
	[tilespmem:$0x1F000] =	vst v63  }
0x8c: {  	_ =	swait.ge [sflag:s25], $0x2000  }
0x8d: {  	[sflag:s25] =	ssyncset.done $0x0  }
0x8e: {  	[sflag:s25] =	ssyncadd.s32 $0xFFFFE000  }
0x8f: {  	[spmem:s21] =	stream.linear.scatter [tilespmem:s7], [sflag:$0x1], $0x2000, $0x38;
	[tilespmem:$0x1F000] =	vst v63  }
0x90: {  	_ =	swait.ge [sflag:s25], $0x2000  }
0x91: {  	[sflag:s25] =	ssyncset.done $0x0  }
0x92: {  	[sflag:s25] =	ssyncadd.s32 $0xFFFFE000  }
0x93: {  	[bflag:$0x0] =	sbarrier.arrive $0xFFFF  }
0x94: {  	[tilespmem:s29], [sflag:$0x1] =	stream.linear.gather [hbm4b:s28+s2], $0x2800, $0x38;
	[tilespmem:$0x1F000] =	vst v63  }
0x95: {  	_ =	swait.ge [sflag:s25], $0x2800  }
0x96: {  	[sflag:s25] =	ssyncset.done $0x0  }
0x97: {  	s20 =	simm.s32 $0x4800;
	[sflag:s25] =	ssyncadd.s32 $0xFFFFD800  }
0x98: {  	[spmem:s1] =	stream.indirect.scatter.add.f32 [tilespmem:s29], [sflag:$0x1], $0x80, s20, s30, $0xb8;
	[tilespmem:$0x1F000] =	vst v63  }
0x99: {  	_ =	swait.ge [sflag:s25], $0x2800  }
0x9a: {  	s7 =	simm.s32 $0x200;
	s20 =	smov.u32 s28;
	[sflag:s25] =	ssyncset.done $0x0  }
.LBB2_4:
0x9b: {  	p1 =	sne.s32 s7, $0xF800;
	[sflag:s25] =	ssyncadd.s32 $0xFFFFD800;
	s20 =	sadd.s32 $0x500, s20  }
0x9c: {  	[tilespmem:s29], [sflag:$0x1] =	stream.linear.gather [hbm4b:s20+s2], $0x2800, $0x38;
	[tilespmem:$0x1F000] =	vst v63  }
0x9d: {  	s3 =	smov.u32 s7;
	s7 =	sadd.s32 $0x200, s7;
	_ =	swait.ge [sflag:s25], $0x2800  }
.Ltmp3:
0x9e: {  	s3 =	sshra.s32 s3, $0x2;
	[sflag:s25] =	ssyncset.done $0x0;
	(pc) =	sbr.rel @p1 .LBB2_4-.Ltmp3, $4  }
0x9f: {  	s3 =	sadd.s32 $0x4800, s3;
	[sflag:s25] =	ssyncadd.s32 $0xFFFFD800  }
0xa0: {  	[spmem:s1] =	stream.indirect.scatter.add.f32 [tilespmem:s29], [sflag:$0x1], $0x80, s3, s30, $0xb8;
	[tilespmem:$0x1F000] =	vst v63  }
0xa1: {  	_ =	swait.ge [sflag:s25], $0x2800  }
0xa2: {  	[sflag:s25] =	ssyncset.done $0x0  }
0xa3: {  	[sflag:s25] =	ssyncadd.s32 $0xFFFFD800  }
0xa4: {  	[bflag:$0x0] =	sbarrier.arrive $0xFFFF  }
0xa5: {  	[hbm:s24], [sflag:s0] =	dma.local [spmem:s6], $0x2800  }
0xa6: {  	_ =	swait.ge [sflag:s25], $0x2800  }
0xa7: {  	[sflag:s25] =	ssyncset.done $0x0  }
0xa8: {  	s7 =	simm.s32 $0x0;
	[sflag:s25] =	ssyncadd.s32 $0xFFFFD800  }
0xa9: {  	[spmem:s8] =	stream.linear.scatter [tilespmem:s7], [sflag:$0x1], $0x2000, $0x38;
	[tilespmem:$0x1F000] =	vst v63  }
0xaa: {  	_ =	swait.ge [sflag:s25], $0x2000  }
0xab: {  	[sflag:s25] =	ssyncset.done $0x0  }
0xac: {  	[sflag:s25] =	ssyncadd.s32 $0xFFFFE000  }
0xad: {  	[spmem:s10] =	stream.linear.scatter [tilespmem:s7], [sflag:$0x1], $0x2000, $0x38;
	[tilespmem:$0x1F000] =	vst v63  }
0xae: {  	_ =	swait.ge [sflag:s25], $0x2000  }
0xaf: {  	[sflag:s25] =	ssyncset.done $0x0  }
0xb0: {  	[sflag:s25] =	ssyncadd.s32 $0xFFFFE000  }
0xb1: {  	[spmem:s11] =	stream.linear.scatter [tilespmem:s7], [sflag:$0x1], $0x2000, $0x38;
	[tilespmem:$0x1F000] =	vst v63  }
0xb2: {  	_ =	swait.ge [sflag:s25], $0x2000  }
0xb3: {  	[sflag:s25] =	ssyncset.done $0x0  }
0xb4: {  	[sflag:s25] =	ssyncadd.s32 $0xFFFFE000  }
0xb5: {  	[spmem:s12] =	stream.linear.scatter [tilespmem:s7], [sflag:$0x1], $0x2000, $0x38;
	[tilespmem:$0x1F000] =	vst v63  }
0xb6: {  	_ =	swait.ge [sflag:s25], $0x2000  }
0xb7: {  	[sflag:s25] =	ssyncset.done $0x0  }
0xb8: {  	[sflag:s25] =	ssyncadd.s32 $0xFFFFE000  }
0xb9: {  	[spmem:s13] =	stream.linear.scatter [tilespmem:s7], [sflag:$0x1], $0x2000, $0x38;
	[tilespmem:$0x1F000] =	vst v63  }
0xba: {  	_ =	swait.ge [sflag:s25], $0x2000  }
0xbb: {  	[sflag:s25] =	ssyncset.done $0x0  }
0xbc: {  	[sflag:s25] =	ssyncadd.s32 $0xFFFFE000  }
0xbd: {  	[spmem:s14] =	stream.linear.scatter [tilespmem:s7], [sflag:$0x1], $0x2000, $0x38;
	[tilespmem:$0x1F000] =	vst v63  }
0xbe: {  	_ =	swait.ge [sflag:s25], $0x2000  }
0xbf: {  	[sflag:s25] =	ssyncset.done $0x0  }
0xc0: {  	[sflag:s25] =	ssyncadd.s32 $0xFFFFE000  }
0xc1: {  	[spmem:s15] =	stream.linear.scatter [tilespmem:s7], [sflag:$0x1], $0x2000, $0x38;
	[tilespmem:$0x1F000] =	vst v63  }
0xc2: {  	_ =	swait.ge [sflag:s25], $0x2000  }
0xc3: {  	[sflag:s25] =	ssyncset.done $0x0  }
0xc4: {  	[sflag:s25] =	ssyncadd.s32 $0xFFFFE000  }
0xc5: {  	[spmem:s16] =	stream.linear.scatter [tilespmem:s7], [sflag:$0x1], $0x2000, $0x38;
	[tilespmem:$0x1F000] =	vst v63  }
0xc6: {  	_ =	swait.ge [sflag:s25], $0x2000  }
0xc7: {  	[sflag:s25] =	ssyncset.done $0x0  }
0xc8: {  	[sflag:s25] =	ssyncadd.s32 $0xFFFFE000  }
0xc9: {  	[spmem:s17] =	stream.linear.scatter [tilespmem:s7], [sflag:$0x1], $0x2000, $0x38;
	[tilespmem:$0x1F000] =	vst v63  }
0xca: {  	_ =	swait.ge [sflag:s25], $0x2000  }
0xcb: {  	[sflag:s25] =	ssyncset.done $0x0  }
0xcc: {  	[sflag:s25] =	ssyncadd.s32 $0xFFFFE000  }
0xcd: {  	[spmem:s21] =	stream.linear.scatter [tilespmem:s7], [sflag:$0x1], $0x2000, $0x38;
	[tilespmem:$0x1F000] =	vst v63  }
.Ltmp4:
0xce: {  	_ =	swait.ge [sflag:s25], $0x2000;
	(pc) =	sbr.rel @p0 .LBB2_9-.Ltmp4, $4  }
0xcf: {  	[sflag:s25] =	ssyncset.done $0x0  }
0xd0: {  	[sflag:s25] =	ssyncadd.s32 $0xFFFFE000  }
0xd1: {  	[bflag:$0x0] =	sbarrier.arrive $0xFFFF  }
0xd2: {  	s20 =	simm.s32 $0x200  }
0xd3: {  	s3 =	sshra.s32 s7, $0x2  }
0xd4: {  	s3 =	sadd.s32 $0x4800, s3  }
0xd5: {  	[spmem:s1] =	stream.indirect.scatter.add.f32 [tilespmem:s26], [sflag:$0x1], $0x80, s3, s30, $0xb8;
	[tilespmem:$0x1F000] =	vst v63  }
0xd6: {  	s7 =	sadd.s32 $0x400, s7;
	_ =	swait.ge [sflag:s25], $0x2800  }
.LBB2_7:
0xd7: {  	s3 =	sshra.s32 s7, $0x2;
	[sflag:s25] =	ssyncset.done $0x0;
	p1 =	seq.s32 s7, $0xF800  }
.Ltmp5:
0xd8: {  	s3 =	sadd.s32 $0x4800, s3;
	[sflag:s25] =	ssyncadd.s32 $0xFFFFD800;
	(pc) =	sbr.rel @!p1 .LBB2_7-.Ltmp5, $3  }
0xd9: {  	[spmem:s1] =	stream.indirect.scatter.add.f32 [tilespmem:s26], [sflag:$0x1], $0x80, s3, s30, $0xb8;
	[tilespmem:$0x1F000] =	vst v63  }
0xda: {  	s7 =	sadd.s32 $0x400, s7;
	_ =	sdelay $0x1  }
0xdb: {  	_ =	swait.ge [sflag:s25], $0x2800  }
.Ltmp6:
0xdc: {  	(pc) =	sbr.rel .LBB2_12-.Ltmp6, $3  }
0xdd: {  	_ =	sdelay $0x1  }
0xde: {  	[sflag:s25] =	ssyncset.done $0x0  }
0xdf: {  	s7 =	rddreg [dreg:$0x4];
	[sflag:s25] =	ssyncadd.s32 $0xFFFFD800  }
.LBB2_9:
0xe0: {  	s3 =	sshra.s32 s20, $0x2  }
0xe1: {  	s3 =	sadd.s32 $0x4800, s3  }
0xe2: {  	[spmem:s1] =	stream.indirect.scatter.add.f32 [tilespmem:s26], [sflag:$0x1], $0x80, s3, s30, $0xb8;
	[tilespmem:$0x1F000] =	vst v63  }
0xe3: {  	s7 =	sadd.s32 $0x400, s20;
	_ =	swait.ge [sflag:s25], $0x2800  }
.LBB2_10:
0xe4: {  	s3 =	sshra.s32 s7, $0x2;
	[sflag:s25] =	ssyncset.done $0x0;
	p1 =	sne.s32 s7, $0xF600  }
.Ltmp7:
0xe5: {  	s3 =	sadd.s32 $0x4800, s3;
	[sflag:s25] =	ssyncadd.s32 $0xFFFFD800;
	(pc) =	sbr.rel @p1 .LBB2_10-.Ltmp7, $3  }
0xe6: {  	[spmem:s1] =	stream.indirect.scatter.add.f32 [tilespmem:s26], [sflag:$0x1], $0x80, s3, s30, $0xb8;
	[tilespmem:$0x1F000] =	vst v63  }
0xe7: {  	s7 =	sadd.s32 $0x400, s7;
	_ =	sdelay $0x1  }
0xe8: {  	_ =	swait.ge [sflag:s25], $0x2800  }
.Ltmp8:
0xe9: {  	_ = 	snop;
	(pc) =	sbr.rel .LBB2_11-.Ltmp8, $1  }
0xea: {  	_ =	sdelay $0x3  }
.LBB2_13:
0xeb: {  	_ =	sfence.sel $0x180000  }
0xec: {  	[bflag:$0x0] =	sbarrier.arrive $0xFFFF  }
0xed: {  	_ =	strace $0x9000004A  }
0xee: {  	s0 =	stileid.u32;
	[bflag:$0x2] =	sbarrier.arrive $0xFFFF  }
0xef: {  	p0 =	sne.s32 s0, $0x0;
	s0 =	rddreg [dreg:$0x3]  }
0xf0: {  	s0 =	sadd.s32 @!p0 $0x100000, s0  }
0xf1: {  	[sflag:s0] =	ssyncadd.tile.s32 @!p0 $0x1;
	_ =	shalt  }
.Lfunc_end2:
_tile_overlayer_lowered:
.L_overlay_start_2:
0xf2: {  	(tag) =	ssettag $0x2  }
0xf3: {  	s0 =	rddreg [dreg:$0x0];
	s2 =	stileid.u32  }
0xf4: {  	s1 =	rddreg [dreg:$0x1];
	p0 =	sne.s32 s2, $0x0  }
0xf5: {  	s3 =	rddreg [dreg:$0x2];
	[bflag:$0x3] =	sbarrier.arrive $0xFFFF;
	s2 =	simm.s32 @!p0 $0x1C01  }
0xf6: {  	[timem:s3], [sflag:s2] =	dma.local @!p0 [hbm:s0], s1  }
0xf7: {  	s0 =	simm.s32 @!p0 $0x1  }
0xf8: {  	_ =	swait.ge @!p0 [sflag:s0], s1  }
0xf9: {  	s1 =	ssub.s32 @!p0 $0x0, s1;
	[sflag:s0] =	ssyncset.done @!p0 $0x0  }
0xfa: {  	[sflag:s0] =	ssyncadd.s32 @!p0 s1  }
0xfb: {  	[bflag:$0x3] =	sbarrier.arrive $0xFFFF  }
0xfc: {  	_ =	shalt  }

// kernel: sparse-core-data-format-call.cloned.1.call-start
scs
called_computation_lowered:
.L_overlay_start_0:
0x0: {  	s2 =	sld [smem:$0x3FD9]  }
0x1: {  	s3 =	sld [smem:$0x3FFE];
	_ =	sdelay $0x1  }
0x2: {  	s1 =	srdreg.scid  }
0x3: {  	s0 =	sand.u32 $0x1, s1  }
0x4: {  	s16 =	sshll.u32 s0, $0xA;
	s2 =	sadd.s32 s3, s2  }
0x5: {  	s2 =	sadd.s32 s2, s16  }
0x6: {  	[smem:$0x3FAC] =	sst s2  }
0x7: {  	_ = 	snop  }
0x8: {  	s2 =	sld [smem:$0x3FD0];
	_ =	sdelay $0x2  }
0x9: {  	s17 =	simm.s32 $0xB;
	s4 =	simm.s32 $0x10  }
0xa: {  	[smem:s4], [sflag:s17] =	dma.local [hbm:s2], $0x1  }
0xb: {  	_ =	swait.eq [sflag:s17], $0x1  }
0xc: {  	[sflag:s17] =	ssyncset.done $0x0  }
0xd: {  	[sflag:s17] =	ssyncadd.s32 $0xFFFFFFFF  }
0xe: {  	s18 =	sld [smem:$0x13];
	(tm) =	ssettm $0x1  }
0xf: {  	s19 =	sld [smem:$0x3FFB];
	_ =	sdelay $0x3  }
0x10: {  	_ =	strace s19  }
0x11: {  	s2 =	sld [smem:$0x3FFC];
	_ =	sdelay $0x3  }
0x12: {  	_ =	strace s2  }
0x13: {  	s2 =	sld [smem:$0x3FFD];
	_ =	sdelay $0x3  }
0x14: {  	_ =	strace s2  }
0x15: {  	_ =	strace $0x8FFFFFFF  }
0x16: {  	s20 =	sld [smem:$0x3FDB];
	_ =	sdelay $0x1  }
0x17: {  	s21 =	simm.s32 $_scs_section_size  }
0x18: {  	s5 =	simm.s32 $_size__tile_overlayer_lowered;
	s6 =	simm.s32 $_tile_overlayer_lowered  }
0x19: {  	s7 =	simm.s32 $0x1BFF;
	s22 =	sshll.u32 s6, $0x1;
	s4 =	sadd.s32 s21, s20  }
0x1a: {  	s23 =	simm.s32 $0x0;
	s5 =	sshll.u32 s5, $0x1;
	s6 =	sadd.s32 s22, s4  }
0x1b: {  	[timem:s23], [sflag:s7] =	dma.local [hbm:s6], s5  }
0x1c: {  	_ =	swait.ge [sflag:s7], s5  }
0x1d: {  	s5 =	ssub.s32 $0x0, s5;
	[sflag:s7] =	ssyncset.done $0x0  }
0x1e: {  	[sflag:s7] =	ssyncadd.s32 s5;
	_ =	sdelay $0x1  }
0x1f: {  	s24 =	simm.s32 $0x1B8B  }
0x20: {  	_ =	swait.ge [sflag:s24], $0x1  }
0x21: {  	[sflag:s24] =	ssyncset.done $0x0  }
0x22: {  	[sflag:s24] =	ssyncadd.s32 $0xFFFFFFFF  }
0x23: {  	s5 =	sld [smem:$0x0]  }
0x24: {  	s6 =	sand.u32 $0xFFFFFFFE, s1  }
0x25: {  	p0 =	sne.s32 s1, s6  }
0x26: {  	s6 =	sshll.u32 @p0 s6, $0xE  }
0x27: {  	s6 =	sadd.s32 @p0 $0x11B8D, s6;
	s7 =	sshll.u32 @p0 s5, $0x11  }
0x28: {  	s6 =	sor.u32 @p0 s7, s6  }
0x29: {  	[sflag:s6] =	ssyncadd.remote.s32 @p0 $0x1;
	_ =	sdelay $0x1  }
0x2a: {  	s6 =	simm.s32 @p0 $0x1B8D  }
0x2b: {  	_ =	swait.eq @p0 [sflag:s6], $0x1  }
0x2c: {  	[sflag:s6] =	ssyncadd.s32 @p0 $0xFFFFFFFF  }
0x2d: {  	s7 =	sshll.u32 @!p0 s1, $0xE  }
0x2e: {  	s7 =	sor.u32 @!p0 $0x4000, s7;
	s6 =	simm.s32 @!p0 $0x1B8D  }
0x2f: {  	s5 =	sshll.u32 @!p0 s5, $0x11;
	s7 =	sadd.s32 @!p0 $0x11B8D, s7;
	_ =	swait.eq @!p0 [sflag:s6], $0x1  }
0x30: {  	s5 =	sor.u32 @!p0 s5, s7;
	[sflag:s6] =	ssyncadd.s32 @!p0 $0xFFFFFFFF  }
0x31: {  	s26 =	simm.s32 $0x1B8E;
	s25 =	sld [smem:$0x3FFE];
	[sflag:s5] =	ssyncadd.remote.s32 @!p0 $0x1  }
0x32: {  	s27 =	simm.s32 $execute0_lowered;
	[smem:$0x3FD2] =	sst s26  }
0x33: {  	s6 =	sshll.u32 s27, $0x1;
	_ =	strace $0x8000004C;
	[dreg:$0x1] =	wrdreg $0xFFFFFFFF  }
0x34: {  	s28 =	simm.s32 $_size_execute0_lowered;
	s4 =	sadd.s32 s4, s6;
	[dreg:$0x0] =	wrdreg $0x0  }
0x35: {  	s6 =	sshll.u32 s28, $0x1;
	[dreg:$0x2] =	wrdreg s4  }
0x36: {  	[dreg:$0x3] =	wrdreg s6  }
0x37: {  	[dreg:$0x4] =	wrdreg $0xC0  }
0x38: {  	_ =	task [dreg:s23], $0x5FFFF  }
0x39: {  	[dreg:$0x1] =	wrdreg $0xFFFFFFFF  }
0x3a: {  	[dreg:$0x0] =	wrdreg $0x60  }
0x3b: {  	[dreg:$0x2] =	wrdreg s25  }
0x3c: {  	[dreg:$0x3] =	wrdreg s18  }
0x3d: {  	[dreg:$0x4] =	wrdreg $0x9  }
0x3e: {  	_ =	task.clear_ibuf [dreg:s23], $0x5FFFF;
	_ =	strace $0x9000004C  }
0x3f: {  	s29 =	simm.s32 $0x9;
	_ =	strace $0x8000004E  }
0x40: {  	_ =	swait.ge [sflag:s29], $0x1  }
0x41: {  	[sflag:s29] =	ssyncadd.s32 $0xFFFFFFFF  }
0x42: {  	_ =	strace $0x9000004E  }
0x43: {  	_ =	sfence  }
0x44: {  	s30 =	sld [smem:$0x0];
	_ =	sdelay $0x2  }
0x45: {  	s31 =	sshll.u32 s1, $0xD;
	s1 =	sshrl.u32 s1, $0x2  }
0x46: {  	s4 =	sand.u32 $0x4000, s31;
	s1 =	sadd.s32 s1, s30  }
0x47: {  	s0 =	sor.u32 s4, s0;
	s1 =	sshll.u32 s1, $0x11  }
0x48: {  	s0 =	sor.u32 s1, s0  }
0x49: {  	s0 =	sadd.s32 $0x8F2B, s0  }
0x4a: {  	[sflag:s0] =	ssyncadd.remote.s32 $0x1  }
0x4b: {  	_ =	sfence.sel $0xFFFF  }
0x4c: {  	[dreg:$0x0] =	wrdreg $0xFFFFFFFF;
	(pc) =	sbr.abs _section_cstart, $3  }
0x4d: {  	[dreg:$0x1] =	wrdreg $0xFFFFFFFF  }
0x4e: {  	_ =	task.clear_ibuf [dreg:s23], $0x2FFFF;
	_ =	strace $0x9FFFFFFF  }
0x4f: {  	(tm) =	ssettm $0x7FFFFFFF  }
tec
execute0_lowered:
.L_overlay_start_1:
0x0: {  	(tag) =	ssettag $0x1  }
0x1: {  	s0 =	srdreg.scid  }
0x2: {  	s1 =	sshll.u32 s0, $0x4  }
0x3: {  	s0 =	stileid.u32;
	s1 =	sand.u32 $0x10, s1  }
0x4: {  	s6 =	rddreg [dreg:$0x0];
	s1 =	sor.u32 s0, s1  }
0x5: {  	s4 =	simm.s32 $0x1;
	s7 =	simm.s32 $0x2;
	s2 =	sshll.u32 s1, $0x7  }
0x6: {  	s14 =	simm.s32 $0x0;
	s12 =	simm.s32 $0x0;
	s1 =	ssub.s32 $0x27100, s2  }
0x7: {  	s13 =	simm.s32 $0x0;
	s9 =	simm.s32 $0x0;
	s3 =	sand.u32 $0xF80, s1  }
0x8: {  	s10 =	simm.s32 $0x0;
	s5 =	sshrl.u32 s1, $0xC;
	p0 =	sne.s32 s3, $0x0  }
.Ltmp0:
0x9: {  	s1 =	rddreg [dreg:$0x2];
	s4 =	simm.s32 @!p0 $0x0;
	(pc) =	sbr.rel .LBB1_1-.Ltmp0, $4  }
0xa: {  	s11 =	simm.s32 $0x0;
	s3 =	rddreg [dreg:$0x1];
	s5 =	sadd.s32 s4, s5  }
0xb: {  	_ =	strace $0x8000004D;
	s4 =	simm.s32 $0x1;
	s5 =	smul.u32 $0x3, s5  }
0xc: {  	s6 =	sadd.s32 $0xF5800, s6;
	s8 =	smov.u32 s2;
	[sflag:s4] =	ssyncpa.u1 $0x0  }
0xd: {  	p0 =	por $0x0, $0x0;
	[sflag:s7] =	ssyncpa.u1 $0x0;
	s7 =	sadd.s32 $0x1, s5  }
.LBB1_4:
0xe: {  	s14 =	sshll.u32 s14, $0x7;
	s20 =	sshll.u32 s12, $0x3  }
0xf: {  	v5 =	vld [tilespmem:s18+$0xFFFFFFD0];
	[tilespmem:s17+$0x2040 ss:$0x81] =	vst.msk $0xffff, v4;
	s21 =	sand.u32 $0xFFFFFC00, s14;
	s20 =	sand.u32 $0xFFFFFC00, s20  }
0x10: {  	v58 =	vld [tilespmem:s18+$0xFFFFFFE0];
	[tilespmem:s17+$0x2850 ss:$0x81] =	vst.msk $0xffff, v2;
	s14 =	sand.u32 $0x380, s14;
	s20 =	sadd.s32 s20, s21  }
0x11: {  	s19 =	sshra.s32 s19, $0x2;
	v59 =	vld [tilespmem:s18+$0xFFFFFFF0];
	[tilespmem:s17+$0x3060 ss:$0x81] =	vst.msk $0xffff, v3;
	s14 =	sor.u32 s14, s20  }
0x12: {  	v60 =	vld [tilespmem:s18+$0x0];
	[tilespmem:s17+$0x0 ss:$0x81] =	vst.msk $0xffff, v0;
	s16 =	sadd.s32 s19, s16;
	s14 =	sshrl.u32 s14, $0x7  }
0x13: {  	v61 =	vld [tilespmem:s18+$0x10];
	[tilespmem:s16+$0x3870 ss:$0x81] =	vst.msk $0xffff, v1;
	s28 =	smulhi.u32 $0x1A36E2F, s14  }
0x14: {  	v62 =	vld [tilespmem:s18+$0x20];
	[tilespmem:s16+$0x810 ss:$0x81] =	vst.msk $0xffff, v5  }
0x15: {  	v63 =	vld [tilespmem:s18+$0xFFFFFFC0];
	s13 =	smul.u32 $0x271000, s13;
	[tilespmem:s16+$0x1020 ss:$0x81] =	vst.msk $0xffff, v58;
	s17 =	sshrl.u32 s28, $0xA  }
0x16: {  	[tilespmem:s16+$0x1830 ss:$0x81] =	vst.msk $0xffff, v59;
	s17 =	smul.u32 $0x27100, s17  }
0x17: {  	s29 =	sshrl.u32 s12, $0x3;
	[tilespmem:s16+$0x2040 ss:$0x81] =	vst.msk $0xffff, v60  }
0x18: {  	s30 =	sand.u32 $0xF, s29;
	s13 =	sadd.s32 s3, s13;
	[tilespmem:s16+$0x2850 ss:$0x81] =	vst.msk $0xffff, v61;
	s14 =	ssub.s32 s14, s17  }
0x19: {  	s13 =	sadd.s32 s30, s13;
	[tilespmem:s16+$0x3060 ss:$0x81] =	vst.msk $0xffff, v62;
	s14 =	sshll.u32 s14, $0x4  }
0x1a: {  	s31 =	sand.u32 $0x7, s12;
	[tilespmem:s16+$0x0 ss:$0x81] =	vst.msk $0xffff, v63;
	s13 =	sadd.s32 s14, s13  }
0x1b: {  	[hbm4b:s13+s31] =	stream.linear.scatter [tilespmem:s15], [sflag:$0x2], $0x4000, $0x20;
	[tilespmem:$0x10100] =	vst v63  }
.LBB1_5:
0x1c: {  	s15 =	sadd.s32 $0x1000, s8  }
0x1d: {  	s12 =	sadd.s32 $0x80, s9;
	s16 =	smov.u32 s9;
	p2 =	sgt.s32 s15, $0x270FF  }
0x1e: {  	s16 =	smov.u32 @p2 s12  }
0x1f: {  	s12 =	simm.s32 $0x1;
	p3 =	sgt.s32 s16, $0x7F  }
0x20: {  	s12 =	simm.s32 @!p3 $0x0  }
0x21: {  	s18 =	sadd.s32 s12, s10  }
0x22: {  	s15 =	smov.u32 @p2 s2;
	p2 =	sgt.s32 s18, $0x2  }
0x23: {  	p1 =	slt.u32 s11, $0x2;
	s18 =	simm.s32 @p2 $0x0;
	p2 =	sne.s32 s11, s7  }
.Ltmp1:
0x24: {  	s17 =	simm.s32 @!p1 $0x2;
	(pc) =	sbr.rel @!p2 .LBB1_6-.Ltmp1, $4  }
0x25: {  	s14 =	smov.u32 s8;
	s13 =	smov.u32 s10;
	_ =	swait.ge @!p1 [sflag:s17], $0x4000  }
0x26: {  	p0 =	por !p0, !p0;
	[sflag:s17] =	ssyncset.done @!p1 $0x0;
	s8 =	smov.u32 s15  }
0x27: {  	s16 =	simm.s32 @p3 $0x0;
	[sflag:s17] =	ssyncadd.s32 @!p1 $0xFFFFC000;
	s12 =	smov.u32 s9  }
0x28: {  	s9 =	smov.u32 s16;
	s11 =	sadd.s32 $0x1, s11;
	s10 =	smov.u32 s18  }
.LBB1_1:
0x29: {  	p1 =	sge.u32 s11, s5  }
0x2a: {  	s15 =	sshrl.u32 @!p1 s9, $0x3  }
0x2b: {  	s16 =	sshll.u32 @!p1 s8, $0x3;
	s15 =	smul.u32 @!p1 $0x138800, s15  }
0x2c: {  	s17 =	sshll.u32 @!p1 s9, $0x7;
	s16 =	sand.u32 @!p1 $0xFFFFFC00, s16  }
0x2d: {  	s15 =	sadd.s32 @!p1 s15, s16;
	s16 =	sand.u32 @!p1 $0x380, s17  }
0x2e: {  	s17 =	sand.u32 @!p1 $0x7F, s8;
	s15 =	sor.u32 @!p1 s16, s15  }
0x2f: {  	s16 =	sor.u32 @!p1 s17, s15  }
0x30: {  	s17 =	smulhi.u32 @!p1 $0xD1B71759, s16  }
0x31: {  	s15 =	smulhi.u32 @!p1 $0xD1B71759, s15  }
0x32: {  	s17 =	sshrl.u32 @!p1 s17, $0x11  }
0x33: {  	s31 =	sadd.s32 $0xFFFFFFFF, s11;
	s15 =	sshrl.u32 @!p1 s15, $0x11;
	s17 =	smul.u32 @!p1 $0x27100, s17  }
0x34: {  	s18 =	sxor.u32 @!p1 $0xFFFFFFFF, s11;
	s19 =	smul.u32 @!p1 $0x271000, s10;
	s15 =	sand.u32 @!p1 $0x7F, s15  }
0x35: {  	s18 =	sshll.u32 @!p1 s18, $0xE;
	s15 =	smul.u32 @!p1 $0x4E20, s15;
	s16 =	ssub.s32 @!p1 s16, s17  }
0x36: {  	s17 =	sand.u32 @!p1 $0x4000, s18;
	s18 =	sadd.s32 @!p1 s6, s19;
	s19 =	sand.u32 @!p1 $0x7, s16  }
0x37: {  	s16 =	sshrl.u32 @!p1 s16, $0x3;
	s15 =	sadd.s32 @!p1 s15, s18;
	s18 =	sshll.u32 @!p1 s19, $0x12  }
0x38: {  	s15 =	sadd.s32 @!p1 s16, s15;
	s16 =	sor.u32 @!p1 $0x400, s18;
	s18 =	simm.s32 @!p1 $0x138800  }
0x39: {  	[tilespmem:s17], [sflag:$0x1] =	stream.strided.gather @!p1 [hbm4b:s15+s16], $0x4000, s18, s16, $0x38;
	[tilespmem:$0x10100] =	vst v63  }
0x3a: {  	p1 =	sge.u32 s31, s5  }
.Ltmp2:
0x3b: {  	_ = 	snop;
	(pc) =	sbr.rel @p1 .LBB1_5-.Ltmp2, $1  }
0x3c: {  	_ =	sdelay $0x3  }
0x3d: {  	s15 =	simm.s32 $0x1  }
0x3e: {  	_ =	swait.ge [sflag:s4], $0x4000;
	s15 =	simm.s32 @!p0 $0x0  }
0x3f: {  	[sflag:s4] =	ssyncset.done $0x0;
	s16 =	sshll.u32 s15, $0xE  }
0x40: {  	[sflag:s4] =	ssyncadd.s32 $0xFFFFC000;
	s18 =	sor.u32 $0x40, s16  }
0x41: {  	s15 =	smul.u32 $0x10200, s15;
	v0 =	vld [tilespmem:s18+$0x30]  }
0x42: {  	v1 =	vld [tilespmem:s18+$0xFFFFFFD0]  }
0x43: {  	s15 =	sshrl.u32 s15, $0x2;
	v5 =	vld [tilespmem:s18+$0xFFFFFFE0]  }
0x44: {  	v6 =	vld [tilespmem:s18+$0xFFFFFFF0];
	s16 =	sor.u32 $0x8000, s15  }
0x45: {  	s31 =	sand.u32 $0x1, s11;
	v4 =	vld [tilespmem:s18+$0x0];
	s17 =	sadd.s32 $0x0, s16  }
0x46: {  	v2 =	vld [tilespmem:s18+$0x10];
	s15 =	smul.u32 $0x10200, s31;
	[tilespmem:s17+$0x3870 ss:$0x81] =	vst.msk $0xffff, v0  }
0x47: {  	v3 =	vld [tilespmem:s18+$0x20];
	[tilespmem:s17+$0x810 ss:$0x81] =	vst.msk $0xffff, v1  }
0x48: {  	s15 =	sshrl.u32 s15, $0x2;
	v0 =	vld [tilespmem:s18+$0xFFFFFFC0];
	[tilespmem:s17+$0x1020 ss:$0x81] =	vst.msk $0xffff, v5;
	s18 =	sadd.s32 $0x80, s18  }
0x49: {  	s19 =	simm.s32 $0x4;
	s20 =	simm.s32 $0x8;
	s15 =	sor.u32 $0x8000, s15;
	[tilespmem:s17+$0x1830 ss:$0x81] =	vst.msk $0xffff, v6;
	v1 =	vld [tilespmem:s18+$0x30]  }
.LBB1_3:
0x4a: {  	p1 =	sne.s32 s20, $0x1FC;
	v5 =	vld [tilespmem:s18+$0xFFFFFFD0];
	[tilespmem:s17+$0x2040 ss:$0x81] =	vst.msk $0xffff, v4  }
0x4b: {  	v6 =	vld [tilespmem:s18+$0xFFFFFFE0];
	[tilespmem:s17+$0x2850 ss:$0x81] =	vst.msk $0xffff, v2  }
0x4c: {  	s21 =	sshra.s32 s19, $0x2;
	s19 =	smov.u32 s20;
	v7 =	vld [tilespmem:s18+$0xFFFFFFF0];
	[tilespmem:s17+$0x3060 ss:$0x81] =	vst.msk $0xffff, v3  }
.Ltmp3:
0x4d: {  	v4 =	vld [tilespmem:s18+$0x0];
	[tilespmem:s17+$0x0 ss:$0x81] =	vst.msk $0xffff, v0;
	s17 =	sadd.s32 s21, s16;
	(pc) =	sbr.rel @p1 .LBB1_3-.Ltmp3, $4  }
0x4e: {  	v2 =	vld [tilespmem:s18+$0x10];
	[tilespmem:s17+$0x3870 ss:$0x81] =	vst.msk $0xffff, v1  }
0x4f: {  	[tilespmem:s17+$0x810 ss:$0x81] =	vst.msk $0xffff, v5;
	v3 =	vld [tilespmem:s18+$0x20]  }
0x50: {  	v0 =	vld [tilespmem:s18+$0xFFFFFFC0];
	[tilespmem:s17+$0x1020 ss:$0x81] =	vst.msk $0xffff, v6;
	s18 =	sadd.s32 $0x80, s18  }
0x51: {  	s20 =	sadd.s32 $0x4, s20;
	v1 =	vld [tilespmem:s18+$0x30];
	[tilespmem:s17+$0x1830 ss:$0x81] =	vst.msk $0xffff, v7  }
.Ltmp4:
0x52: {  	_ = 	snop;
	(pc) =	sbr.rel .LBB1_4-.Ltmp4, $1  }
0x53: {  	_ =	sdelay $0x3  }
.LBB1_6:
0x54: {  	_ =	sfence.sel $0x180000  }
0x55: {  	s2 =	simm.s32 $0x1;
	[bflag:$0x0] =	sbarrier.arrive $0xFFFF  }
0x56: {  	s31 =	simm.s32 $0x2;
	[sflag:s2] =	ssyncpa.u1 $0x1  }
0x57: {  	[sflag:s31] =	ssyncpa.u1 $0x1  }
0x58: {  	p0 =	sne.s32 s0, $0x0;
	_ =	strace $0x9000004D  }
0x59: {  	s0 =	sadd.s32 @!p0 $0x100000, s1;
	[bflag:$0x2] =	sbarrier.arrive $0xFFFF  }
0x5a: {  	[sflag:s0] =	ssyncadd.tile.s32 @!p0 $0x1;
	_ =	shalt  }
.Lfunc_end1:
_tile_overlayer_lowered:
.L_overlay_start_2:
0x5b: {  	(tag) =	ssettag $0x2  }
0x5c: {  	s0 =	rddreg [dreg:$0x0];
	s2 =	stileid.u32  }
0x5d: {  	s1 =	rddreg [dreg:$0x1];
	p0 =	sne.s32 s2, $0x0  }
0x5e: {  	s3 =	rddreg [dreg:$0x2];
	[bflag:$0x3] =	sbarrier.arrive $0xFFFF;
	s2 =	simm.s32 @!p0 $0x1C01  }
0x5f: {  	[timem:s3], [sflag:s2] =	dma.local @!p0 [hbm:s0], s1  }
0x60: {  	s0 =	simm.s32 @!p0 $0x1  }
0x61: {  	_ =	swait.ge @!p0 [sflag:s0], s1  }
0x62: {  	s1 =	ssub.s32 @!p0 $0x0, s1;
	[sflag:s0] =	ssyncset.done @!p0 $0x0  }
0x63: {  	[sflag:s0] =	ssyncadd.s32 @!p0 s1  }
0x64: {  	[bflag:$0x3] =	sbarrier.arrive $0xFFFF  }
0x65: {  	_ =	shalt  }

</sc_bundles>
